<compile_context>
chip_gen: v7x
topology: tpu7x:2x2x1
jax: 0.10.2.dev20260603
libtpu: 0.0.44.dev20260713+nightly
codegen_flags: <defaults>
</compile_context>

<pallas_src>
import functools

import jax
import jax.numpy as jnp
from jax import lax
from jax.experimental import pallas as pl
from jax.experimental.pallas import tpu as pltpu
from jax.experimental.pallas import tpu_sc as plsc

N = 10000
E = 320000
D_IN = 128
D_H = 40
D_OUT = 24

NPAD = 10240
D1 = 48
D2 = 32
NUM_TILES = 32
CHUNK = 128
NCHUNK = 80
EPT = CHUNK * NCHUNK
E_PAD = EPT * NUM_TILES
ROWS_PER_TILE = NPAD // 16
NBUF = 8


@functools.lru_cache(maxsize=None)
def _make_sc_scatter(width):
    mesh = plsc.VectorSubcoreMesh(core_axis_name="c", subcore_axis_name="s")
    dt = jnp.bfloat16

    @functools.partial(
        pl.kernel,
        out_type=jax.ShapeDtypeStruct((2, NPAD, width), dt),
        mesh=mesh,
        scratch_types=[
            pltpu.VMEM((NCHUNK, CHUNK), jnp.int32),
            pltpu.VMEM((NCHUNK, CHUNK), jnp.int32),
            [pltpu.VMEM((CHUNK, width), dt)] * NBUF,
            pltpu.VMEM((128, width), dt),
            pltpu.VMEM_SHARED((NPAD, width), dt),
            [pltpu.SemaphoreType.DMA] * NBUF,
        ],
        compiler_params=pltpu.CompilerParams(use_tc_tiling_on_sc=False),
    )
    def sc_scatter(table_hbm, src_hbm, dst_hbm, out_hbm,
                   sidx, didx, rows, zblk, acc, sems):
        cid = lax.axis_index("c")
        sid = lax.axis_index("s")
        wid = cid * 16 + sid

        @pl.loop(0, 64)
        def _zero_rows(i):
            @pl.loop(0, width // 16)
            def _zero_lanes(j):
                zblk[pl.ds(i * 2, 2), pl.ds(j * 16, 16)] = jnp.zeros((2, 16), dt)

        @pl.loop(0, ROWS_PER_TILE // 128)
        def _zero_acc(r):
            pltpu.sync_copy(zblk, acc.at[pl.ds(sid * ROWS_PER_TILE + r * 128, 128)])

        pltpu.sync_copy(src_hbm.at[wid], sidx)
        pltpu.sync_copy(dst_hbm.at[wid], didx)

        plsc.subcore_barrier()

        for p in range(NBUF - 1):
            pltpu.async_copy(table_hbm.at[sidx.at[p]], rows[p], sems[p])

        @pl.loop(0, NCHUNK // NBUF)
        def _edges(it):
            base = it * NBUF
            for p in range(NBUF):
                ch = base + p
                pltpu.make_async_copy(table_hbm.at[sidx.at[ch]], rows[p],
                                      sems[p]).wait()
                nxt = ch + NBUF - 1
                nb = (p + NBUF - 1) % NBUF

                @pl.when(nxt < NCHUNK)
                def _prefetch():
                    pltpu.async_copy(table_hbm.at[sidx.at[nxt]], rows[nb],
                                     sems[nb])

                pltpu.sync_copy(rows[p], acc.at[didx.at[ch]], add=True)

        plsc.subcore_barrier()

        @pl.loop(0, ROWS_PER_TILE // 128)
        def _writeout(r):
            row0 = sid * ROWS_PER_TILE + r * 128
            pltpu.sync_copy(acc.at[pl.ds(row0, 128)],
                            out_hbm.at[cid, pl.ds(row0, 128)])

    return sc_scatter


_BR = 5000


def _dot_t(a, w):
    return lax.dot_general(a, w, (((1,), (1,)), ((), ())),
                           preferred_element_type=jnp.float32)


def _tc_table1_body(x_ref, w1l_ref, table_ref):
    y = _dot_t(x_ref[...], w1l_ref[...])
    col = lax.broadcasted_iota(jnp.int32, (_BR, D1), 1)
    table_ref[...] = (y + jnp.where(col == D_H, 1.0, 0.0)).astype(jnp.bfloat16)


def _tc_p1_body(x_ref, w1r_ref, b1_ref, p1_ref):
    p1_ref[...] = _dot_t(x_ref[...], w1r_ref[...]) + b1_ref[...]


def _tc_mid_body(a0_ref, a1_ref, p1_ref, w2l_ref, w2r_ref, b2_ref,
                 table2_ref, p2_ref, dinv_ref):
    acc = a0_ref[...].astype(jnp.float32) + a1_ref[...].astype(jnp.float32)
    deg = acc[:, D_H:D_H + 1]
    dinv = 1.0 / jnp.maximum(deg, 1.0)
    h = jnp.maximum(acc[:, :D_H] * dinv + p1_ref[...], 0.0)
    table2_ref[...] = _dot_t(h, w2l_ref[...]).astype(jnp.bfloat16)
    p2_ref[...] = _dot_t(h, w2r_ref[...]) + b2_ref[...]
    dinv_ref[...] = dinv


def _tc_post_body(a0_ref, a1_ref, dinv_ref, p2_ref, out_ref):
    accf = a0_ref[...].astype(jnp.float32) + a1_ref[...].astype(jnp.float32)
    agg = accf[:, :D_OUT] * dinv_ref[...]
    z = agg + p2_ref[...]
    m = jnp.max(z, axis=1, keepdims=True)
    zs = z - m
    out_ref[...] = zs - jnp.log(jnp.sum(jnp.exp(zs), axis=1, keepdims=True))


def _row_spec(w):
    return pl.BlockSpec((_BR, w), lambda i: (i, 0))


def _full_spec(shape):
    return pl.BlockSpec(shape, lambda i: tuple(0 for _ in shape))


def kernel(x, edge_index, W1l, W1r, b1, W2l, W2r, b2):
    n_fake = E_PAD - E
    fa = jnp.arange(n_fake, dtype=jnp.int32)
    src = jnp.concatenate(
        [edge_index[0], fa % N]
    ).reshape(NUM_TILES, NCHUNK, CHUNK)
    dst = jnp.concatenate(
        [edge_index[1], N + fa % (NPAD - N)]
    ).reshape(NUM_TILES, NCHUNK, CHUNK)

    w1l_pad = jnp.zeros((D1, D_IN), jnp.float32).at[:D_H].set(W1l)
    w2l_pad = jnp.zeros((D2, D_H), jnp.float32).at[:D_OUT].set(W2l)
    b1r = b1.reshape(1, D_H)
    b2r = b2.reshape(1, D_OUT)

    grid = (N // _BR,)

    table1 = pl.pallas_call(
        _tc_table1_body,
        grid=grid,
        in_specs=[_row_spec(D_IN), _full_spec((D1, D_IN))],
        out_specs=_row_spec(D1),
        out_shape=jax.ShapeDtypeStruct((N, D1), jnp.bfloat16),
    )(x, w1l_pad)

    part1 = _make_sc_scatter(D1)(table1, src, dst)

    p1 = pl.pallas_call(
        _tc_p1_body,
        grid=grid,
        in_specs=[_row_spec(D_IN), _full_spec((D_H, D_IN)),
                  _full_spec((1, D_H))],
        out_specs=_row_spec(D_H),
        out_shape=jax.ShapeDtypeStruct((N, D_H), jnp.float32),
    )(x, W1r, b1r)

    table2, p2, dinv = pl.pallas_call(
        _tc_mid_body,
        grid=grid,
        in_specs=[_row_spec(D1), _row_spec(D1), _row_spec(D_H),
                  _full_spec((D2, D_H)), _full_spec((D_OUT, D_H)),
                  _full_spec((1, D_OUT))],
        out_specs=[_row_spec(D2), _row_spec(D_OUT), _row_spec(1)],
        out_shape=[jax.ShapeDtypeStruct((N, D2), jnp.bfloat16),
                   jax.ShapeDtypeStruct((N, D_OUT), jnp.float32),
                   jax.ShapeDtypeStruct((N, 1), jnp.float32)],
    )(part1[0], part1[1], p1, w2l_pad, W2r, b2r)

    part2 = _make_sc_scatter(D2)(table2, src, dst)

    out = pl.pallas_call(
        _tc_post_body,
        grid=grid,
        in_specs=[_row_spec(D2), _row_spec(D2), _row_spec(1),
                  _row_spec(D_OUT)],
        out_specs=_row_spec(D_OUT),
        out_shape=jax.ShapeDtypeStruct((N, D_OUT), jnp.float32),
    )(part2[0], part2[1], dinv, p2)

    return out

# --- scband reference (transcript-rebuilt; emitter-appended) ---
"""Pipeline reference for scband-gsgnet-17076789969651 (READ-ONLY COPY).

The authoritative reference and input builder live on the scoring server;
editing this copy changes nothing except your own understanding.
"""

import jax, jax.numpy as jnp
import numpy as np

N = 10000
E = 320000
D_IN = 128
D_H = 40
D_OUT = 24


def setup_inputs(seed: int = 0) -> dict:
    key = jax.random.key(seed)
    ks = jax.random.split(key, 8)
    x = jax.random.normal(ks[0], (N, D_IN), dtype=jnp.float32)
    edge_index = jax.random.randint(ks[1], (2, E), 0, N, dtype=jnp.int32)
    s1 = 1.0 / np.sqrt(D_IN)
    s2 = 1.0 / np.sqrt(D_H)
    W1l = jax.random.normal(ks[2], (D_H, D_IN), dtype=jnp.float32) * s1
    W1r = jax.random.normal(ks[3], (D_H, D_IN), dtype=jnp.float32) * s1
    b1 = jnp.zeros((D_H,), dtype=jnp.float32)
    W2l = jax.random.normal(ks[4], (D_OUT, D_H), dtype=jnp.float32) * s2
    W2r = jax.random.normal(ks[5], (D_OUT, D_H), dtype=jnp.float32) * s2
    b2 = jnp.zeros((D_OUT,), dtype=jnp.float32)
    return {"x": x, "edge_index": edge_index, "W1l": W1l, "W1r": W1r, "b1": b1,
            "W2l": W2l, "W2r": W2r, "b2": b2}


def _sage_conv(x, edge_index, Wl, Wr, b):
    # PyG SAGEConv (aggr='mean'): out = lin_l(mean_j x_j) + lin_r(x_i)
    src = edge_index[0]
    dst = edge_index[1]
    msg = x[src]  # gather source node features per edge
    agg = jax.ops.segment_sum(msg, dst, num_segments=N)  # scatter-add by dst
    deg = jax.ops.segment_sum(jnp.ones((edge_index.shape[1],), x.dtype), dst, num_segments=N)
    agg = agg / jnp.clip(deg, 1.0)[:, None]
    return agg @ Wl.T + b + x @ Wr.T


def reference(x, edge_index, W1l, W1r, b1, W2l, W2r, b2):
    h = _sage_conv(x, edge_index, W1l, W1r, b1)
    h = jax.nn.relu(h)
    # dropout p=0.5 is identity in eval mode (self.training=False)
    h = _sage_conv(h, edge_index, W2l, W2r, b2)
    return jax.nn.log_softmax(h, axis=1)

if __name__ == "__main__":
    import jax
    _d = setup_inputs()
    print(jax.jit(kernel)(*tuple(_d.values())))

</pallas_src>

<mosaic_0001>
#map = affine_map<(d0, d1) -> (0, 0)>
#map1 = affine_map<(d0, d1) -> (0, 0, 0)>
module attributes {stable_mosaic.version = 14 : i64} {
  func.func @sc_scatter(%arg0: i32, %arg1: i32, %arg2: memref<10000x32xbf16, #tpu.memory_space<hbm>>, %arg3: memref<32x80x128xi32, #tpu.memory_space<hbm>>, %arg4: memref<32x80x128xi32, #tpu.memory_space<hbm>>, %arg5: memref<2x10240x32xbf16, #tpu.memory_space<hbm>>, %arg6: memref<80x128xi32, #tpu.memory_space<vmem>>, %arg7: memref<80x128xi32, #tpu.memory_space<vmem>>, %arg8: memref<128x32xbf16, #tpu.memory_space<vmem>>, %arg9: memref<128x32xbf16, #tpu.memory_space<vmem>>, %arg10: memref<128x32xbf16, #tpu.memory_space<vmem>>, %arg11: memref<128x32xbf16, #tpu.memory_space<vmem>>, %arg12: memref<128x32xbf16, #tpu.memory_space<vmem>>, %arg13: memref<128x32xbf16, #tpu.memory_space<vmem>>, %arg14: memref<128x32xbf16, #tpu.memory_space<vmem>>, %arg15: memref<128x32xbf16, #tpu.memory_space<vmem>>, %arg16: memref<128x32xbf16, #tpu.memory_space<vmem>>, %arg17: memref<10240x32xbf16, #tpu.memory_space<vmem_shared>>, %arg18: memref<!tpu.dma_semaphore, #tpu.memory_space<semaphore_mem>>, %arg19: memref<!tpu.dma_semaphore, #tpu.memory_space<semaphore_mem>>, %arg20: memref<!tpu.dma_semaphore, #tpu.memory_space<semaphore_mem>>, %arg21: memref<!tpu.dma_semaphore, #tpu.memory_space<semaphore_mem>>, %arg22: memref<!tpu.dma_semaphore, #tpu.memory_space<semaphore_mem>>, %arg23: memref<!tpu.dma_semaphore, #tpu.memory_space<semaphore_mem>>, %arg24: memref<!tpu.dma_semaphore, #tpu.memory_space<semaphore_mem>>, %arg25: memref<!tpu.dma_semaphore, #tpu.memory_space<semaphore_mem>>) attributes {dimension_semantics = [#tpu.dimension_semantics<core_parallel>, #tpu.dimension_semantics<subcore_parallel>], iteration_bounds = array<i64: 2, 16>, scalar_prefetch = 0 : i64, scratch_operands = 20 : i64, tpu.core_type = #tpu.core_type<sc_vector_subcore>, window_params = [{transform_indices = #map}, {transform_indices = #map1}, {transform_indices = #map1}, {transform_indices = #map1}]} {
    %mul3A = arith.constant 16 : i32
    %mul3A_0 = arith.muli %arg0, %mul3A : i32
    %add3A = arith.addi %mul3A_0, %arg1 : i32
    %scan3A = arith.constant 0 : i32
    %scan3A_1 = arith.constant 64 : i32
    %scan3A_2 = arith.addi %scan3A, %scan3A_1 : i32
    %scan3A_3 = arith.constant 1 : i32
    scf.for %scan3A_69 = %scan3A to %scan3A_2 step %scan3A_3  : i32 {
      %mul3A_70 = arith.constant 1 : i32
      %mul3A_71 = arith.muli %scan3A_69, %mul3A_70 : i32
      %add3A_72 = arith.constant 0 : i32
      %add3A_73 = arith.addi %add3A_72, %mul3A_71 : i32
      %scan3A_74 = arith.constant 0 : i32
      %scan3A_75 = arith.constant 2 : i32
      %scan3A_76 = arith.addi %scan3A_74, %scan3A_75 : i32
      %scan3A_77 = arith.constant 1 : i32
      scf.for %scan3A_79 = %scan3A_74 to %scan3A_76 step %scan3A_77  : i32 {
        %mul3A_80 = arith.constant 1 : i32
        %mul3A_81 = arith.muli %scan3A_79, %mul3A_80 : i32
        %add3A_82 = arith.constant 0 : i32
        %add3A_83 = arith.addi %add3A_82, %mul3A_81 : i32
        %broadcast_in_dim3A = arith.constant 0.000000e+00 : bf16
        %broadcast_in_dim3A_84 = vector.broadcast %broadcast_in_dim3A : bf16 to vector<2x16xbf16>
        %mul3A_85 = arith.constant 2 : i32
        %mul3A_86 = arith.muli %add3A_73, %mul3A_85 : i32
        %mul3A_87 = arith.constant 16 : i32
        %mul3A_88 = arith.muli %add3A_83, %mul3A_87 : i32
        %swap3A = arith.index_cast %mul3A_86 : i32 to index
        %swap3A_89 = arith.index_cast %mul3A_88 : i32 to index
        %swap3A_90 = tpu.vector_load %arg16[%swap3A, %swap3A_89] {strides = array<i32>} : memref<128x32xbf16, #tpu.memory_space<vmem>>, vector<2x16xbf16>,
        %swap3A_91 = vector.shape_cast %swap3A_90 : vector<2x16xbf16> to vector<2x16xbf16>
        %swap3A_92 = vector.shape_cast %broadcast_in_dim3A_84 : vector<2x16xbf16> to vector<2x16xbf16>
        tpu.vector_store %arg16[%swap3A, %swap3A_89], %swap3A_92 {strides = array<i32>} : memref<128x32xbf16, #tpu.memory_space<vmem>>, vector<2x16xbf16>,
      }
      %scan3A_78 = arith.constant 2 : i32
    }
    %scan3A_4 = arith.constant 64 : i32
    %scan3A_5 = arith.constant 0 : i32
    %scan3A_6 = arith.constant 5 : i32
    %scan3A_7 = arith.addi %scan3A_5, %scan3A_6 : i32
    %scan3A_8 = arith.constant 1 : i32
    scf.for %scan3A_69 = %scan3A_5 to %scan3A_7 step %scan3A_8  : i32 {
      %mul3A_70 = arith.constant 1 : i32
      %mul3A_71 = arith.muli %scan3A_69, %mul3A_70 : i32
      %add3A_72 = arith.constant 0 : i32
      %add3A_73 = arith.addi %add3A_72, %mul3A_71 : i32
      %mul3A_74 = arith.constant 640 : i32
      %mul3A_75 = arith.muli %arg1, %mul3A_74 : i32
      %mul3A_76 = arith.constant 128 : i32
      %mul3A_77 = arith.muli %add3A_73, %mul3A_76 : i32
      %add3A_78 = arith.addi %mul3A_75, %mul3A_77 : i32
      "tpu.region"() ({
        %run_scoped3A = tpu.sem_alloc : memref<!tpu.dma_semaphore, #tpu.memory_space<semaphore_mem>>
        %dma_start3A_79 = arith.constant 0 : i32
        %dma_start3A_80 = tpu.memref_slice %arg17[%add3A_78, %dma_start3A_79] : memref<10240x32xbf16, #tpu.memory_space<vmem_shared>> -> memref<128x32xbf16, #tpu.memory_space<vmem_shared>>
        %dma_start3A_81 = arith.constant 0 : i32
        %dma_start3A_82 = tpu.memref_slice %arg17[%add3A_78, %dma_start3A_81] : memref<10240x32xbf16, #tpu.memory_space<vmem_shared>> -> memref<128x32xbf16, #tpu.memory_space<vmem_shared>>
        tpu.enqueue_dma source(%arg16 : memref<128x32xbf16, #tpu.memory_space<vmem>>) target(%dma_start3A_82 : memref<128x32xbf16, #tpu.memory_space<vmem_shared>>) target_semaphore(%run_scoped3A : memref<!tpu.dma_semaphore, #tpu.memory_space<semaphore_mem>>)
        %dma_wait3A = arith.constant 0 : i32
        %dma_wait3A_83 = tpu.memref_slice %arg17[%add3A_78, %dma_wait3A] : memref<10240x32xbf16, #tpu.memory_space<vmem_shared>> -> memref<128x32xbf16, #tpu.memory_space<vmem_shared>>
        %dma_wait3A_84 = arith.constant 0 : i32
        %dma_wait3A_85 = tpu.memref_slice %arg17[%add3A_78, %dma_wait3A_84] : memref<10240x32xbf16, #tpu.memory_space<vmem_shared>> -> memref<128x32xbf16, #tpu.memory_space<vmem_shared>>
        tpu.wait_dma2 semaphore(%run_scoped3A : memref<!tpu.dma_semaphore, #tpu.memory_space<semaphore_mem>>) src(%arg16 : memref<128x32xbf16, #tpu.memory_space<vmem>>) dst(%dma_wait3A_85 : memref<128x32xbf16, #tpu.memory_space<vmem_shared>>)
        tpu.yield
      }) : () -> ()
    }
    %scan3A_9 = arith.constant 5 : i32
    "tpu.region"() ({
      %run_scoped3A = tpu.sem_alloc : memref<!tpu.dma_semaphore, #tpu.memory_space<semaphore_mem>>
      %dma_start3A_69 = arith.constant 0 : i32
      %dma_start3A_70 = arith.constant 0 : i32
      %dma_start3A_71 = tpu.memref_slice %arg3[%add3A, %dma_start3A_69, %dma_start3A_70] : memref<32x80x128xi32, #tpu.memory_space<hbm>> -> memref<1x80x128xi32, #tpu.memory_space<hbm>>
      %dma_start3A_72 = tpu.memref_squeeze %dma_start3A_71 : memref<1x80x128xi32, #tpu.memory_space<hbm>> -> memref<80x128xi32, #tpu.memory_space<hbm>>
      %dma_start3A_73 = arith.constant 0 : i32
      %dma_start3A_74 = arith.constant 0 : i32
      %dma_start3A_75 = tpu.memref_slice %arg3[%add3A, %dma_start3A_73, %dma_start3A_74] : memref<32x80x128xi32, #tpu.memory_space<hbm>> -> memref<1x80x128xi32, #tpu.memory_space<hbm>>
      %dma_start3A_76 = tpu.memref_squeeze %dma_start3A_75 : memref<1x80x128xi32, #tpu.memory_space<hbm>> -> memref<80x128xi32, #tpu.memory_space<hbm>>
      tpu.enqueue_dma source(%dma_start3A_76 : memref<80x128xi32, #tpu.memory_space<hbm>>) target(%arg6 : memref<80x128xi32, #tpu.memory_space<vmem>>) target_semaphore(%run_scoped3A : memref<!tpu.dma_semaphore, #tpu.memory_space<semaphore_mem>>)
      %dma_wait3A = arith.constant 0 : i32
      %dma_wait3A_77 = arith.constant 0 : i32
      %dma_wait3A_78 = tpu.memref_slice %arg3[%add3A, %dma_wait3A, %dma_wait3A_77] : memref<32x80x128xi32, #tpu.memory_space<hbm>> -> memref<1x80x128xi32, #tpu.memory_space<hbm>>
      %dma_wait3A_79 = tpu.memref_squeeze %dma_wait3A_78 : memref<1x80x128xi32, #tpu.memory_space<hbm>> -> memref<80x128xi32, #tpu.memory_space<hbm>>
      %dma_wait3A_80 = arith.constant 0 : i32
      %dma_wait3A_81 = arith.constant 0 : i32
      %dma_wait3A_82 = tpu.memref_slice %arg3[%add3A, %dma_wait3A_80, %dma_wait3A_81] : memref<32x80x128xi32, #tpu.memory_space<hbm>> -> memref<1x80x128xi32, #tpu.memory_space<hbm>>
      %dma_wait3A_83 = tpu.memref_squeeze %dma_wait3A_82 : memref<1x80x128xi32, #tpu.memory_space<hbm>> -> memref<80x128xi32, #tpu.memory_space<hbm>>
      tpu.wait_dma2 semaphore(%run_scoped3A : memref<!tpu.dma_semaphore, #tpu.memory_space<semaphore_mem>>) src(%dma_wait3A_83 : memref<80x128xi32, #tpu.memory_space<hbm>>) dst(%arg6 : memref<80x128xi32, #tpu.memory_space<vmem>>)
      tpu.yield
    }) : () -> ()
    "tpu.region"() ({
      %run_scoped3A = tpu.sem_alloc : memref<!tpu.dma_semaphore, #tpu.memory_space<semaphore_mem>>
      %dma_start3A_69 = arith.constant 0 : i32
      %dma_start3A_70 = arith.constant 0 : i32
      %dma_start3A_71 = tpu.memref_slice %arg4[%add3A, %dma_start3A_69, %dma_start3A_70] : memref<32x80x128xi32, #tpu.memory_space<hbm>> -> memref<1x80x128xi32, #tpu.memory_space<hbm>>
      %dma_start3A_72 = tpu.memref_squeeze %dma_start3A_71 : memref<1x80x128xi32, #tpu.memory_space<hbm>> -> memref<80x128xi32, #tpu.memory_space<hbm>>
      %dma_start3A_73 = arith.constant 0 : i32
      %dma_start3A_74 = arith.constant 0 : i32
      %dma_start3A_75 = tpu.memref_slice %arg4[%add3A, %dma_start3A_73, %dma_start3A_74] : memref<32x80x128xi32, #tpu.memory_space<hbm>> -> memref<1x80x128xi32, #tpu.memory_space<hbm>>
      %dma_start3A_76 = tpu.memref_squeeze %dma_start3A_75 : memref<1x80x128xi32, #tpu.memory_space<hbm>> -> memref<80x128xi32, #tpu.memory_space<hbm>>
      tpu.enqueue_dma source(%dma_start3A_76 : memref<80x128xi32, #tpu.memory_space<hbm>>) target(%arg7 : memref<80x128xi32, #tpu.memory_space<vmem>>) target_semaphore(%run_scoped3A : memref<!tpu.dma_semaphore, #tpu.memory_space<semaphore_mem>>)
      %dma_wait3A = arith.constant 0 : i32
      %dma_wait3A_77 = arith.constant 0 : i32
      %dma_wait3A_78 = tpu.memref_slice %arg4[%add3A, %dma_wait3A, %dma_wait3A_77] : memref<32x80x128xi32, #tpu.memory_space<hbm>> -> memref<1x80x128xi32, #tpu.memory_space<hbm>>
      %dma_wait3A_79 = tpu.memref_squeeze %dma_wait3A_78 : memref<1x80x128xi32, #tpu.memory_space<hbm>> -> memref<80x128xi32, #tpu.memory_space<hbm>>
      %dma_wait3A_80 = arith.constant 0 : i32
      %dma_wait3A_81 = arith.constant 0 : i32
      %dma_wait3A_82 = tpu.memref_slice %arg4[%add3A, %dma_wait3A_80, %dma_wait3A_81] : memref<32x80x128xi32, #tpu.memory_space<hbm>> -> memref<1x80x128xi32, #tpu.memory_space<hbm>>
      %dma_wait3A_83 = tpu.memref_squeeze %dma_wait3A_82 : memref<1x80x128xi32, #tpu.memory_space<hbm>> -> memref<80x128xi32, #tpu.memory_space<hbm>>
      tpu.wait_dma2 semaphore(%run_scoped3A : memref<!tpu.dma_semaphore, #tpu.memory_space<semaphore_mem>>) src(%dma_wait3A_83 : memref<80x128xi32, #tpu.memory_space<hbm>>) dst(%arg7 : memref<80x128xi32, #tpu.memory_space<vmem>>)
      tpu.yield
    }) : () -> ()
    %barrier3A = arith.constant 0 : index
    tpu.barrier barrier_id(%barrier3A)
    %dma_start3A = arith.constant 0 : i32
    %dma_start3A_10 = arith.constant 0 : i32
    %dma_start3A_11 = tpu.memref_slice %arg6[%dma_start3A, %dma_start3A_10] : memref<80x128xi32, #tpu.memory_space<vmem>> -> memref<1x128xi32, #tpu.memory_space<vmem>>
    %dma_start3A_12 = tpu.memref_squeeze %dma_start3A_11 : memref<1x128xi32, #tpu.memory_space<vmem>> -> memref<128xi32, #tpu.memory_space<vmem>>
    %dma_start3A_13 = arith.constant 0 : i32
    %dma_start3A_14 = arith.constant 0 : i32
    %dma_start3A_15 = tpu.memref_slice %arg2[%dma_start3A_13, %dma_start3A_14] : memref<10000x32xbf16, #tpu.memory_space<hbm>> -> memref<10000x32xbf16, #tpu.memory_space<hbm>>
    tpu.enqueue_indirect_dma source(%dma_start3A_15 : memref<10000x32xbf16, #tpu.memory_space<hbm>>) target(%arg8 : memref<128x32xbf16, #tpu.memory_space<vmem>>) offsets(%dma_start3A_12 : memref<128xi32, #tpu.memory_space<vmem>>) semaphore(%arg18 : memref<!tpu.dma_semaphore, #tpu.memory_space<semaphore_mem>>)
    %dma_start3A_16 = arith.constant 1 : i32
    %dma_start3A_17 = arith.constant 0 : i32
    %dma_start3A_18 = tpu.memref_slice %arg6[%dma_start3A_16, %dma_start3A_17] : memref<80x128xi32, #tpu.memory_space<vmem>> -> memref<1x128xi32, #tpu.memory_space<vmem>>
    %dma_start3A_19 = tpu.memref_squeeze %dma_start3A_18 : memref<1x128xi32, #tpu.memory_space<vmem>> -> memref<128xi32, #tpu.memory_space<vmem>>
    %dma_start3A_20 = arith.constant 0 : i32
    %dma_start3A_21 = arith.constant 0 : i32
    %dma_start3A_22 = tpu.memref_slice %arg2[%dma_start3A_20, %dma_start3A_21] : memref<10000x32xbf16, #tpu.memory_space<hbm>> -> memref<10000x32xbf16, #tpu.memory_space<hbm>>
    tpu.enqueue_indirect_dma source(%dma_start3A_22 : memref<10000x32xbf16, #tpu.memory_space<hbm>>) target(%arg9 : memref<128x32xbf16, #tpu.memory_space<vmem>>) offsets(%dma_start3A_19 : memref<128xi32, #tpu.memory_space<vmem>>) semaphore(%arg19 : memref<!tpu.dma_semaphore, #tpu.memory_space<semaphore_mem>>)
    %dma_start3A_23 = arith.constant 2 : i32
    %dma_start3A_24 = arith.constant 0 : i32
    %dma_start3A_25 = tpu.memref_slice %arg6[%dma_start3A_23, %dma_start3A_24] : memref<80x128xi32, #tpu.memory_space<vmem>> -> memref<1x128xi32, #tpu.memory_space<vmem>>
    %dma_start3A_26 = tpu.memref_squeeze %dma_start3A_25 : memref<1x128xi32, #tpu.memory_space<vmem>> -> memref<128xi32, #tpu.memory_space<vmem>>
    %dma_start3A_27 = arith.constant 0 : i32
    %dma_start3A_28 = arith.constant 0 : i32
    %dma_start3A_29 = tpu.memref_slice %arg2[%dma_start3A_27, %dma_start3A_28] : memref<10000x32xbf16, #tpu.memory_space<hbm>> -> memref<10000x32xbf16, #tpu.memory_space<hbm>>
    tpu.enqueue_indirect_dma source(%dma_start3A_29 : memref<10000x32xbf16, #tpu.memory_space<hbm>>) target(%arg10 : memref<128x32xbf16, #tpu.memory_space<vmem>>) offsets(%dma_start3A_26 : memref<128xi32, #tpu.memory_space<vmem>>) semaphore(%arg20 : memref<!tpu.dma_semaphore, #tpu.memory_space<semaphore_mem>>)
    %dma_start3A_30 = arith.constant 3 : i32
    %dma_start3A_31 = arith.constant 0 : i32
    %dma_start3A_32 = tpu.memref_slice %arg6[%dma_start3A_30, %dma_start3A_31] : memref<80x128xi32, #tpu.memory_space<vmem>> -> memref<1x128xi32, #tpu.memory_space<vmem>>
    %dma_start3A_33 = tpu.memref_squeeze %dma_start3A_32 : memref<1x128xi32, #tpu.memory_space<vmem>> -> memref<128xi32, #tpu.memory_space<vmem>>
    %dma_start3A_34 = arith.constant 0 : i32
    %dma_start3A_35 = arith.constant 0 : i32
    %dma_start3A_36 = tpu.memref_slice %arg2[%dma_start3A_34, %dma_start3A_35] : memref<10000x32xbf16, #tpu.memory_space<hbm>> -> memref<10000x32xbf16, #tpu.memory_space<hbm>>
    tpu.enqueue_indirect_dma source(%dma_start3A_36 : memref<10000x32xbf16, #tpu.memory_space<hbm>>) target(%arg11 : memref<128x32xbf16, #tpu.memory_space<vmem>>) offsets(%dma_start3A_33 : memref<128xi32, #tpu.memory_space<vmem>>) semaphore(%arg21 : memref<!tpu.dma_semaphore, #tpu.memory_space<semaphore_mem>>)
    %dma_start3A_37 = arith.constant 4 : i32
    %dma_start3A_38 = arith.constant 0 : i32
    %dma_start3A_39 = tpu.memref_slice %arg6[%dma_start3A_37, %dma_start3A_38] : memref<80x128xi32, #tpu.memory_space<vmem>> -> memref<1x128xi32, #tpu.memory_space<vmem>>
    %dma_start3A_40 = tpu.memref_squeeze %dma_start3A_39 : memref<1x128xi32, #tpu.memory_space<vmem>> -> memref<128xi32, #tpu.memory_space<vmem>>
    %dma_start3A_41 = arith.constant 0 : i32
    %dma_start3A_42 = arith.constant 0 : i32
    %dma_start3A_43 = tpu.memref_slice %arg2[%dma_start3A_41, %dma_start3A_42] : memref<10000x32xbf16, #tpu.memory_space<hbm>> -> memref<10000x32xbf16, #tpu.memory_space<hbm>>
    tpu.enqueue_indirect_dma source(%dma_start3A_43 : memref<10000x32xbf16, #tpu.memory_space<hbm>>) target(%arg12 : memref<128x32xbf16, #tpu.memory_space<vmem>>) offsets(%dma_start3A_40 : memref<128xi32, #tpu.memory_space<vmem>>) semaphore(%arg22 : memref<!tpu.dma_semaphore, #tpu.memory_space<semaphore_mem>>)
    %dma_start3A_44 = arith.constant 5 : i32
    %dma_start3A_45 = arith.constant 0 : i32
    %dma_start3A_46 = tpu.memref_slice %arg6[%dma_start3A_44, %dma_start3A_45] : memref<80x128xi32, #tpu.memory_space<vmem>> -> memref<1x128xi32, #tpu.memory_space<vmem>>
    %dma_start3A_47 = tpu.memref_squeeze %dma_start3A_46 : memref<1x128xi32, #tpu.memory_space<vmem>> -> memref<128xi32, #tpu.memory_space<vmem>>
    %dma_start3A_48 = arith.constant 0 : i32
    %dma_start3A_49 = arith.constant 0 : i32
    %dma_start3A_50 = tpu.memref_slice %arg2[%dma_start3A_48, %dma_start3A_49] : memref<10000x32xbf16, #tpu.memory_space<hbm>> -> memref<10000x32xbf16, #tpu.memory_space<hbm>>
    tpu.enqueue_indirect_dma source(%dma_start3A_50 : memref<10000x32xbf16, #tpu.memory_space<hbm>>) target(%arg13 : memref<128x32xbf16, #tpu.memory_space<vmem>>) offsets(%dma_start3A_47 : memref<128xi32, #tpu.memory_space<vmem>>) semaphore(%arg23 : memref<!tpu.dma_semaphore, #tpu.memory_space<semaphore_mem>>)
    %dma_start3A_51 = arith.constant 6 : i32
    %dma_start3A_52 = arith.constant 0 : i32
    %dma_start3A_53 = tpu.memref_slice %arg6[%dma_start3A_51, %dma_start3A_52] : memref<80x128xi32, #tpu.memory_space<vmem>> -> memref<1x128xi32, #tpu.memory_space<vmem>>
    %dma_start3A_54 = tpu.memref_squeeze %dma_start3A_53 : memref<1x128xi32, #tpu.memory_space<vmem>> -> memref<128xi32, #tpu.memory_space<vmem>>
    %dma_start3A_55 = arith.constant 0 : i32
    %dma_start3A_56 = arith.constant 0 : i32
    %dma_start3A_57 = tpu.memref_slice %arg2[%dma_start3A_55, %dma_start3A_56] : memref<10000x32xbf16, #tpu.memory_space<hbm>> -> memref<10000x32xbf16, #tpu.memory_space<hbm>>
    tpu.enqueue_indirect_dma source(%dma_start3A_57 : memref<10000x32xbf16, #tpu.memory_space<hbm>>) target(%arg14 : memref<128x32xbf16, #tpu.memory_space<vmem>>) offsets(%dma_start3A_54 : memref<128xi32, #tpu.memory_space<vmem>>) semaphore(%arg24 : memref<!tpu.dma_semaphore, #tpu.memory_space<semaphore_mem>>)
    %scan3A_58 = arith.constant 0 : i32
    %scan3A_59 = arith.constant 10 : i32
    %scan3A_60 = arith.addi %scan3A_58, %scan3A_59 : i32
    %scan3A_61 = arith.constant 1 : i32
    scf.for %scan3A_69 = %scan3A_58 to %scan3A_60 step %scan3A_61  : i32 {
      %mul3A_70 = arith.constant 1 : i32
      %mul3A_71 = arith.muli %scan3A_69, %mul3A_70 : i32
      %add3A_72 = arith.constant 0 : i32
      %add3A_73 = arith.addi %add3A_72, %mul3A_71 : i32
      %mul3A_74 = arith.constant 8 : i32
      %mul3A_75 = arith.muli %add3A_73, %mul3A_74 : i32
      %add3A_76 = arith.constant 0 : i32
      %add3A_77 = arith.addi %mul3A_75, %add3A_76 : i32
      %dma_wait3A = arith.constant 0 : i32
      %dma_wait3A_78 = tpu.memref_slice %arg6[%add3A_77, %dma_wait3A] : memref<80x128xi32, #tpu.memory_space<vmem>> -> memref<1x128xi32, #tpu.memory_space<vmem>>
      %dma_wait3A_79 = tpu.memref_squeeze %dma_wait3A_78 : memref<1x128xi32, #tpu.memory_space<vmem>> -> memref<128xi32, #tpu.memory_space<vmem>>
      %dma_wait3A_80 = arith.constant 0 : i32
      %dma_wait3A_81 = arith.constant 0 : i32
      %dma_wait3A_82 = tpu.memref_slice %arg2[%dma_wait3A_80, %dma_wait3A_81] : memref<10000x32xbf16, #tpu.memory_space<hbm>> -> memref<10000x32xbf16, #tpu.memory_space<hbm>>
      tpu.wait_indirect_dma semaphore(%arg18 : memref<!tpu.dma_semaphore, #tpu.memory_space<semaphore_mem>>) src(%dma_wait3A_82 : memref<10000x32xbf16, #tpu.memory_space<hbm>>) dst(%arg8 : memref<128x32xbf16, #tpu.memory_space<vmem>>)
      %add3A_83 = arith.constant 8 : i32
      %add3A_84 = arith.addi %add3A_77, %add3A_83 : i32
      %sub3A = arith.constant 1 : i32
      %sub3A_85 = arith.subi %add3A_84, %sub3A : i32
      %lt3A = arith.constant 80 : i32
      %lt3A_86 = arith.cmpi slt, %sub3A_85, %lt3A : i32
      %convert_element_type3A = arith.extui %lt3A_86 : i1 to i32
      %cond3A = arith.constant 0 : i32
      %cond3A_87 = arith.cmpi ne, %convert_element_type3A, %cond3A : i32
      scf.if %cond3A_87 {
        %dma_start3A_207 = arith.constant 0 : i32
        %dma_start3A_208 = tpu.memref_slice %arg6[%sub3A_85, %dma_start3A_207] : memref<80x128xi32, #tpu.memory_space<vmem>> -> memref<1x128xi32, #tpu.memory_space<vmem>>
        %dma_start3A_209 = tpu.memref_squeeze %dma_start3A_208 : memref<1x128xi32, #tpu.memory_space<vmem>> -> memref<128xi32, #tpu.memory_space<vmem>>
        %dma_start3A_210 = arith.constant 0 : i32
        %dma_start3A_211 = arith.constant 0 : i32
        %dma_start3A_212 = tpu.memref_slice %arg2[%dma_start3A_210, %dma_start3A_211] : memref<10000x32xbf16, #tpu.memory_space<hbm>> -> memref<10000x32xbf16, #tpu.memory_space<hbm>>
        tpu.enqueue_indirect_dma source(%dma_start3A_212 : memref<10000x32xbf16, #tpu.memory_space<hbm>>) target(%arg15 : memref<128x32xbf16, #tpu.memory_space<vmem>>) offsets(%dma_start3A_209 : memref<128xi32, #tpu.memory_space<vmem>>) semaphore(%arg25 : memref<!tpu.dma_semaphore, #tpu.memory_space<semaphore_mem>>)
      } else {
      }
      "tpu.region"() ({
        %run_scoped3A = tpu.sem_alloc : memref<!tpu.dma_semaphore, #tpu.memory_space<semaphore_mem>>
        %dma_start3A_207 = arith.constant 0 : i32
        %dma_start3A_208 = tpu.memref_slice %arg7[%add3A_77, %dma_start3A_207] : memref<80x128xi32, #tpu.memory_space<vmem>> -> memref<1x128xi32, #tpu.memory_space<vmem>>
        %dma_start3A_209 = tpu.memref_squeeze %dma_start3A_208 : memref<1x128xi32, #tpu.memory_space<vmem>> -> memref<128xi32, #tpu.memory_space<vmem>>
        %dma_start3A_210 = arith.constant 0 : i32
        %dma_start3A_211 = arith.constant 0 : i32
        %dma_start3A_212 = tpu.memref_slice %arg17[%dma_start3A_210, %dma_start3A_211] : memref<10240x32xbf16, #tpu.memory_space<vmem_shared>> -> memref<10240x32xbf16, #tpu.memory_space<vmem_shared>>
        tpu.enqueue_indirect_dma source(%arg8 : memref<128x32xbf16, #tpu.memory_space<vmem>>) target(%dma_start3A_212 : memref<10240x32xbf16, #tpu.memory_space<vmem_shared>>) offsets(%dma_start3A_209 : memref<128xi32, #tpu.memory_space<vmem>>) semaphore(%run_scoped3A : memref<!tpu.dma_semaphore, #tpu.memory_space<semaphore_mem>>) {add = true}
        %dma_wait3A_213 = arith.constant 0 : i32
        %dma_wait3A_214 = tpu.memref_slice %arg7[%add3A_77, %dma_wait3A_213] : memref<80x128xi32, #tpu.memory_space<vmem>> -> memref<1x128xi32, #tpu.memory_space<vmem>>
        %dma_wait3A_215 = tpu.memref_squeeze %dma_wait3A_214 : memref<1x128xi32, #tpu.memory_space<vmem>> -> memref<128xi32, #tpu.memory_space<vmem>>
        %dma_wait3A_216 = arith.constant 0 : i32
        %dma_wait3A_217 = arith.constant 0 : i32
        %dma_wait3A_218 = tpu.memref_slice %arg17[%dma_wait3A_216, %dma_wait3A_217] : memref<10240x32xbf16, #tpu.memory_space<vmem_shared>> -> memref<10240x32xbf16, #tpu.memory_space<vmem_shared>>
        tpu.wait_indirect_dma semaphore(%run_scoped3A : memref<!tpu.dma_semaphore, #tpu.memory_space<semaphore_mem>>) src(%arg8 : memref<128x32xbf16, #tpu.memory_space<vmem>>) dst(%dma_wait3A_218 : memref<10240x32xbf16, #tpu.memory_space<vmem_shared>>)
        tpu.yield
      }) : () -> ()
      %add3A_88 = arith.constant 1 : i32
      %add3A_89 = arith.addi %mul3A_75, %add3A_88 : i32
      %dma_wait3A_90 = arith.constant 0 : i32
      %dma_wait3A_91 = tpu.memref_slice %arg6[%add3A_89, %dma_wait3A_90] : memref<80x128xi32, #tpu.memory_space<vmem>> -> memref<1x128xi32, #tpu.memory_space<vmem>>
      %dma_wait3A_92 = tpu.memref_squeeze %dma_wait3A_91 : memref<1x128xi32, #tpu.memory_space<vmem>> -> memref<128xi32, #tpu.memory_space<vmem>>
      %dma_wait3A_93 = arith.constant 0 : i32
      %dma_wait3A_94 = arith.constant 0 : i32
      %dma_wait3A_95 = tpu.memref_slice %arg2[%dma_wait3A_93, %dma_wait3A_94] : memref<10000x32xbf16, #tpu.memory_space<hbm>> -> memref<10000x32xbf16, #tpu.memory_space<hbm>>
      tpu.wait_indirect_dma semaphore(%arg19 : memref<!tpu.dma_semaphore, #tpu.memory_space<semaphore_mem>>) src(%dma_wait3A_95 : memref<10000x32xbf16, #tpu.memory_space<hbm>>) dst(%arg9 : memref<128x32xbf16, #tpu.memory_space<vmem>>)
      %add3A_96 = arith.constant 8 : i32
      %add3A_97 = arith.addi %add3A_89, %add3A_96 : i32
      %sub3A_98 = arith.constant 1 : i32
      %sub3A_99 = arith.subi %add3A_97, %sub3A_98 : i32
      %lt3A_100 = arith.constant 80 : i32
      %lt3A_101 = arith.cmpi slt, %sub3A_99, %lt3A_100 : i32
      %convert_element_type3A_102 = arith.extui %lt3A_101 : i1 to i32
      %cond3A_103 = arith.constant 0 : i32
      %cond3A_104 = arith.cmpi ne, %convert_element_type3A_102, %cond3A_103 : i32
      scf.if %cond3A_104 {
        %dma_start3A_207 = arith.constant 0 : i32
        %dma_start3A_208 = tpu.memref_slice %arg6[%sub3A_99, %dma_start3A_207] : memref<80x128xi32, #tpu.memory_space<vmem>> -> memref<1x128xi32, #tpu.memory_space<vmem>>
        %dma_start3A_209 = tpu.memref_squeeze %dma_start3A_208 : memref<1x128xi32, #tpu.memory_space<vmem>> -> memref<128xi32, #tpu.memory_space<vmem>>
        %dma_start3A_210 = arith.constant 0 : i32
        %dma_start3A_211 = arith.constant 0 : i32
        %dma_start3A_212 = tpu.memref_slice %arg2[%dma_start3A_210, %dma_start3A_211] : memref<10000x32xbf16, #tpu.memory_space<hbm>> -> memref<10000x32xbf16, #tpu.memory_space<hbm>>
        tpu.enqueue_indirect_dma source(%dma_start3A_212 : memref<10000x32xbf16, #tpu.memory_space<hbm>>) target(%arg8 : memref<128x32xbf16, #tpu.memory_space<vmem>>) offsets(%dma_start3A_209 : memref<128xi32, #tpu.memory_space<vmem>>) semaphore(%arg18 : memref<!tpu.dma_semaphore, #tpu.memory_space<semaphore_mem>>)
      } else {
      }
      "tpu.region"() ({
        %run_scoped3A = tpu.sem_alloc : memref<!tpu.dma_semaphore, #tpu.memory_space<semaphore_mem>>
        %dma_start3A_207 = arith.constant 0 : i32
        %dma_start3A_208 = tpu.memref_slice %arg7[%add3A_89, %dma_start3A_207] : memref<80x128xi32, #tpu.memory_space<vmem>> -> memref<1x128xi32, #tpu.memory_space<vmem>>
        %dma_start3A_209 = tpu.memref_squeeze %dma_start3A_208 : memref<1x128xi32, #tpu.memory_space<vmem>> -> memref<128xi32, #tpu.memory_space<vmem>>
        %dma_start3A_210 = arith.constant 0 : i32
        %dma_start3A_211 = arith.constant 0 : i32
        %dma_start3A_212 = tpu.memref_slice %arg17[%dma_start3A_210, %dma_start3A_211] : memref<10240x32xbf16, #tpu.memory_space<vmem_shared>> -> memref<10240x32xbf16, #tpu.memory_space<vmem_shared>>
        tpu.enqueue_indirect_dma source(%arg9 : memref<128x32xbf16, #tpu.memory_space<vmem>>) target(%dma_start3A_212 : memref<10240x32xbf16, #tpu.memory_space<vmem_shared>>) offsets(%dma_start3A_209 : memref<128xi32, #tpu.memory_space<vmem>>) semaphore(%run_scoped3A : memref<!tpu.dma_semaphore, #tpu.memory_space<semaphore_mem>>) {add = true}
        %dma_wait3A_213 = arith.constant 0 : i32
        %dma_wait3A_214 = tpu.memref_slice %arg7[%add3A_89, %dma_wait3A_213] : memref<80x128xi32, #tpu.memory_space<vmem>> -> memref<1x128xi32, #tpu.memory_space<vmem>>
        %dma_wait3A_215 = tpu.memref_squeeze %dma_wait3A_214 : memref<1x128xi32, #tpu.memory_space<vmem>> -> memref<128xi32, #tpu.memory_space<vmem>>
        %dma_wait3A_216 = arith.constant 0 : i32
        %dma_wait3A_217 = arith.constant 0 : i32
        %dma_wait3A_218 = tpu.memref_slice %arg17[%dma_wait3A_216, %dma_wait3A_217] : memref<10240x32xbf16, #tpu.memory_space<vmem_shared>> -> memref<10240x32xbf16, #tpu.memory_space<vmem_shared>>
        tpu.wait_indirect_dma semaphore(%run_scoped3A : memref<!tpu.dma_semaphore, #tpu.memory_space<semaphore_mem>>) src(%arg9 : memref<128x32xbf16, #tpu.memory_space<vmem>>) dst(%dma_wait3A_218 : memref<10240x32xbf16, #tpu.memory_space<vmem_shared>>)
        tpu.yield
      }) : () -> ()
      %add3A_105 = arith.constant 2 : i32
      %add3A_106 = arith.addi %mul3A_75, %add3A_105 : i32
      %dma_wait3A_107 = arith.constant 0 : i32
      %dma_wait3A_108 = tpu.memref_slice %arg6[%add3A_106, %dma_wait3A_107] : memref<80x128xi32, #tpu.memory_space<vmem>> -> memref<1x128xi32, #tpu.memory_space<vmem>>
      %dma_wait3A_109 = tpu.memref_squeeze %dma_wait3A_108 : memref<1x128xi32, #tpu.memory_space<vmem>> -> memref<128xi32, #tpu.memory_space<vmem>>
      %dma_wait3A_110 = arith.constant 0 : i32
      %dma_wait3A_111 = arith.constant 0 : i32
      %dma_wait3A_112 = tpu.memref_slice %arg2[%dma_wait3A_110, %dma_wait3A_111] : memref<10000x32xbf16, #tpu.memory_space<hbm>> -> memref<10000x32xbf16, #tpu.memory_space<hbm>>
      tpu.wait_indirect_dma semaphore(%arg20 : memref<!tpu.dma_semaphore, #tpu.memory_space<semaphore_mem>>) src(%dma_wait3A_112 : memref<10000x32xbf16, #tpu.memory_space<hbm>>) dst(%arg10 : memref<128x32xbf16, #tpu.memory_space<vmem>>)
      %add3A_113 = arith.constant 8 : i32
      %add3A_114 = arith.addi %add3A_106, %add3A_113 : i32
      %sub3A_115 = arith.constant 1 : i32
      %sub3A_116 = arith.subi %add3A_114, %sub3A_115 : i32
      %lt3A_117 = arith.constant 80 : i32
      %lt3A_118 = arith.cmpi slt, %sub3A_116, %lt3A_117 : i32
      %convert_element_type3A_119 = arith.extui %lt3A_118 : i1 to i32
      %cond3A_120 = arith.constant 0 : i32
      %cond3A_121 = arith.cmpi ne, %convert_element_type3A_119, %cond3A_120 : i32
      scf.if %cond3A_121 {
        %dma_start3A_207 = arith.constant 0 : i32
        %dma_start3A_208 = tpu.memref_slice %arg6[%sub3A_116, %dma_start3A_207] : memref<80x128xi32, #tpu.memory_space<vmem>> -> memref<1x128xi32, #tpu.memory_space<vmem>>
        %dma_start3A_209 = tpu.memref_squeeze %dma_start3A_208 : memref<1x128xi32, #tpu.memory_space<vmem>> -> memref<128xi32, #tpu.memory_space<vmem>>
        %dma_start3A_210 = arith.constant 0 : i32
        %dma_start3A_211 = arith.constant 0 : i32
        %dma_start3A_212 = tpu.memref_slice %arg2[%dma_start3A_210, %dma_start3A_211] : memref<10000x32xbf16, #tpu.memory_space<hbm>> -> memref<10000x32xbf16, #tpu.memory_space<hbm>>
        tpu.enqueue_indirect_dma source(%dma_start3A_212 : memref<10000x32xbf16, #tpu.memory_space<hbm>>) target(%arg9 : memref<128x32xbf16, #tpu.memory_space<vmem>>) offsets(%dma_start3A_209 : memref<128xi32, #tpu.memory_space<vmem>>) semaphore(%arg19 : memref<!tpu.dma_semaphore, #tpu.memory_space<semaphore_mem>>)
      } else {
      }
      "tpu.region"() ({
        %run_scoped3A = tpu.sem_alloc : memref<!tpu.dma_semaphore, #tpu.memory_space<semaphore_mem>>
        %dma_start3A_207 = arith.constant 0 : i32
        %dma_start3A_208 = tpu.memref_slice %arg7[%add3A_106, %dma_start3A_207] : memref<80x128xi32, #tpu.memory_space<vmem>> -> memref<1x128xi32, #tpu.memory_space<vmem>>
        %dma_start3A_209 = tpu.memref_squeeze %dma_start3A_208 : memref<1x128xi32, #tpu.memory_space<vmem>> -> memref<128xi32, #tpu.memory_space<vmem>>
        %dma_start3A_210 = arith.constant 0 : i32
        %dma_start3A_211 = arith.constant 0 : i32
        %dma_start3A_212 = tpu.memref_slice %arg17[%dma_start3A_210, %dma_start3A_211] : memref<10240x32xbf16, #tpu.memory_space<vmem_shared>> -> memref<10240x32xbf16, #tpu.memory_space<vmem_shared>>
        tpu.enqueue_indirect_dma source(%arg10 : memref<128x32xbf16, #tpu.memory_space<vmem>>) target(%dma_start3A_212 : memref<10240x32xbf16, #tpu.memory_space<vmem_shared>>) offsets(%dma_start3A_209 : memref<128xi32, #tpu.memory_space<vmem>>) semaphore(%run_scoped3A : memref<!tpu.dma_semaphore, #tpu.memory_space<semaphore_mem>>) {add = true}
        %dma_wait3A_213 = arith.constant 0 : i32
        %dma_wait3A_214 = tpu.memref_slice %arg7[%add3A_106, %dma_wait3A_213] : memref<80x128xi32, #tpu.memory_space<vmem>> -> memref<1x128xi32, #tpu.memory_space<vmem>>
        %dma_wait3A_215 = tpu.memref_squeeze %dma_wait3A_214 : memref<1x128xi32, #tpu.memory_space<vmem>> -> memref<128xi32, #tpu.memory_space<vmem>>
        %dma_wait3A_216 = arith.constant 0 : i32
        %dma_wait3A_217 = arith.constant 0 : i32
        %dma_wait3A_218 = tpu.memref_slice %arg17[%dma_wait3A_216, %dma_wait3A_217] : memref<10240x32xbf16, #tpu.memory_space<vmem_shared>> -> memref<10240x32xbf16, #tpu.memory_space<vmem_shared>>
        tpu.wait_indirect_dma semaphore(%run_scoped3A : memref<!tpu.dma_semaphore, #tpu.memory_space<semaphore_mem>>) src(%arg10 : memref<128x32xbf16, #tpu.memory_space<vmem>>) dst(%dma_wait3A_218 : memref<10240x32xbf16, #tpu.memory_space<vmem_shared>>)
        tpu.yield
      }) : () -> ()
      %add3A_122 = arith.constant 3 : i32
      %add3A_123 = arith.addi %mul3A_75, %add3A_122 : i32
      %dma_wait3A_124 = arith.constant 0 : i32
      %dma_wait3A_125 = tpu.memref_slice %arg6[%add3A_123, %dma_wait3A_124] : memref<80x128xi32, #tpu.memory_space<vmem>> -> memref<1x128xi32, #tpu.memory_space<vmem>>
      %dma_wait3A_126 = tpu.memref_squeeze %dma_wait3A_125 : memref<1x128xi32, #tpu.memory_space<vmem>> -> memref<128xi32, #tpu.memory_space<vmem>>
      %dma_wait3A_127 = arith.constant 0 : i32
      %dma_wait3A_128 = arith.constant 0 : i32
      %dma_wait3A_129 = tpu.memref_slice %arg2[%dma_wait3A_127, %dma_wait3A_128] : memref<10000x32xbf16, #tpu.memory_space<hbm>> -> memref<10000x32xbf16, #tpu.memory_space<hbm>>
      tpu.wait_indirect_dma semaphore(%arg21 : memref<!tpu.dma_semaphore, #tpu.memory_space<semaphore_mem>>) src(%dma_wait3A_129 : memref<10000x32xbf16, #tpu.memory_space<hbm>>) dst(%arg11 : memref<128x32xbf16, #tpu.memory_space<vmem>>)
      %add3A_130 = arith.constant 8 : i32
      %add3A_131 = arith.addi %add3A_123, %add3A_130 : i32
      %sub3A_132 = arith.constant 1 : i32
      %sub3A_133 = arith.subi %add3A_131, %sub3A_132 : i32
      %lt3A_134 = arith.constant 80 : i32
      %lt3A_135 = arith.cmpi slt, %sub3A_133, %lt3A_134 : i32
      %convert_element_type3A_136 = arith.extui %lt3A_135 : i1 to i32
      %cond3A_137 = arith.constant 0 : i32
      %cond3A_138 = arith.cmpi ne, %convert_element_type3A_136, %cond3A_137 : i32
      scf.if %cond3A_138 {
        %dma_start3A_207 = arith.constant 0 : i32
        %dma_start3A_208 = tpu.memref_slice %arg6[%sub3A_133, %dma_start3A_207] : memref<80x128xi32, #tpu.memory_space<vmem>> -> memref<1x128xi32, #tpu.memory_space<vmem>>
        %dma_start3A_209 = tpu.memref_squeeze %dma_start3A_208 : memref<1x128xi32, #tpu.memory_space<vmem>> -> memref<128xi32, #tpu.memory_space<vmem>>
        %dma_start3A_210 = arith.constant 0 : i32
        %dma_start3A_211 = arith.constant 0 : i32
        %dma_start3A_212 = tpu.memref_slice %arg2[%dma_start3A_210, %dma_start3A_211] : memref<10000x32xbf16, #tpu.memory_space<hbm>> -> memref<10000x32xbf16, #tpu.memory_space<hbm>>
        tpu.enqueue_indirect_dma source(%dma_start3A_212 : memref<10000x32xbf16, #tpu.memory_space<hbm>>) target(%arg10 : memref<128x32xbf16, #tpu.memory_space<vmem>>) offsets(%dma_start3A_209 : memref<128xi32, #tpu.memory_space<vmem>>) semaphore(%arg20 : memref<!tpu.dma_semaphore, #tpu.memory_space<semaphore_mem>>)
      } else {
      }
      "tpu.region"() ({
        %run_scoped3A = tpu.sem_alloc : memref<!tpu.dma_semaphore, #tpu.memory_space<semaphore_mem>>
        %dma_start3A_207 = arith.constant 0 : i32
        %dma_start3A_208 = tpu.memref_slice %arg7[%add3A_123, %dma_start3A_207] : memref<80x128xi32, #tpu.memory_space<vmem>> -> memref<1x128xi32, #tpu.memory_space<vmem>>
        %dma_start3A_209 = tpu.memref_squeeze %dma_start3A_208 : memref<1x128xi32, #tpu.memory_space<vmem>> -> memref<128xi32, #tpu.memory_space<vmem>>
        %dma_start3A_210 = arith.constant 0 : i32
        %dma_start3A_211 = arith.constant 0 : i32
        %dma_start3A_212 = tpu.memref_slice %arg17[%dma_start3A_210, %dma_start3A_211] : memref<10240x32xbf16, #tpu.memory_space<vmem_shared>> -> memref<10240x32xbf16, #tpu.memory_space<vmem_shared>>
        tpu.enqueue_indirect_dma source(%arg11 : memref<128x32xbf16, #tpu.memory_space<vmem>>) target(%dma_start3A_212 : memref<10240x32xbf16, #tpu.memory_space<vmem_shared>>) offsets(%dma_start3A_209 : memref<128xi32, #tpu.memory_space<vmem>>) semaphore(%run_scoped3A : memref<!tpu.dma_semaphore, #tpu.memory_space<semaphore_mem>>) {add = true}
        %dma_wait3A_213 = arith.constant 0 : i32
        %dma_wait3A_214 = tpu.memref_slice %arg7[%add3A_123, %dma_wait3A_213] : memref<80x128xi32, #tpu.memory_space<vmem>> -> memref<1x128xi32, #tpu.memory_space<vmem>>
        %dma_wait3A_215 = tpu.memref_squeeze %dma_wait3A_214 : memref<1x128xi32, #tpu.memory_space<vmem>> -> memref<128xi32, #tpu.memory_space<vmem>>
        %dma_wait3A_216 = arith.constant 0 : i32
        %dma_wait3A_217 = arith.constant 0 : i32
        %dma_wait3A_218 = tpu.memref_slice %arg17[%dma_wait3A_216, %dma_wait3A_217] : memref<10240x32xbf16, #tpu.memory_space<vmem_shared>> -> memref<10240x32xbf16, #tpu.memory_space<vmem_shared>>
        tpu.wait_indirect_dma semaphore(%run_scoped3A : memref<!tpu.dma_semaphore, #tpu.memory_space<semaphore_mem>>) src(%arg11 : memref<128x32xbf16, #tpu.memory_space<vmem>>) dst(%dma_wait3A_218 : memref<10240x32xbf16, #tpu.memory_space<vmem_shared>>)
        tpu.yield
      }) : () -> ()
      %add3A_139 = arith.constant 4 : i32
      %add3A_140 = arith.addi %mul3A_75, %add3A_139 : i32
      %dma_wait3A_141 = arith.constant 0 : i32
      %dma_wait3A_142 = tpu.memref_slice %arg6[%add3A_140, %dma_wait3A_141] : memref<80x128xi32, #tpu.memory_space<vmem>> -> memref<1x128xi32, #tpu.memory_space<vmem>>
      %dma_wait3A_143 = tpu.memref_squeeze %dma_wait3A_142 : memref<1x128xi32, #tpu.memory_space<vmem>> -> memref<128xi32, #tpu.memory_space<vmem>>
      %dma_wait3A_144 = arith.constant 0 : i32
      %dma_wait3A_145 = arith.constant 0 : i32
      %dma_wait3A_146 = tpu.memref_slice %arg2[%dma_wait3A_144, %dma_wait3A_145] : memref<10000x32xbf16, #tpu.memory_space<hbm>> -> memref<10000x32xbf16, #tpu.memory_space<hbm>>
      tpu.wait_indirect_dma semaphore(%arg22 : memref<!tpu.dma_semaphore, #tpu.memory_space<semaphore_mem>>) src(%dma_wait3A_146 : memref<10000x32xbf16, #tpu.memory_space<hbm>>) dst(%arg12 : memref<128x32xbf16, #tpu.memory_space<vmem>>)
      %add3A_147 = arith.constant 8 : i32
      %add3A_148 = arith.addi %add3A_140, %add3A_147 : i32
      %sub3A_149 = arith.constant 1 : i32
      %sub3A_150 = arith.subi %add3A_148, %sub3A_149 : i32
      %lt3A_151 = arith.constant 80 : i32
      %lt3A_152 = arith.cmpi slt, %sub3A_150, %lt3A_151 : i32
      %convert_element_type3A_153 = arith.extui %lt3A_152 : i1 to i32
      %cond3A_154 = arith.constant 0 : i32
      %cond3A_155 = arith.cmpi ne, %convert_element_type3A_153, %cond3A_154 : i32
      scf.if %cond3A_155 {
        %dma_start3A_207 = arith.constant 0 : i32
        %dma_start3A_208 = tpu.memref_slice %arg6[%sub3A_150, %dma_start3A_207] : memref<80x128xi32, #tpu.memory_space<vmem>> -> memref<1x128xi32, #tpu.memory_space<vmem>>
        %dma_start3A_209 = tpu.memref_squeeze %dma_start3A_208 : memref<1x128xi32, #tpu.memory_space<vmem>> -> memref<128xi32, #tpu.memory_space<vmem>>
        %dma_start3A_210 = arith.constant 0 : i32
        %dma_start3A_211 = arith.constant 0 : i32
        %dma_start3A_212 = tpu.memref_slice %arg2[%dma_start3A_210, %dma_start3A_211] : memref<10000x32xbf16, #tpu.memory_space<hbm>> -> memref<10000x32xbf16, #tpu.memory_space<hbm>>
        tpu.enqueue_indirect_dma source(%dma_start3A_212 : memref<10000x32xbf16, #tpu.memory_space<hbm>>) target(%arg11 : memref<128x32xbf16, #tpu.memory_space<vmem>>) offsets(%dma_start3A_209 : memref<128xi32, #tpu.memory_space<vmem>>) semaphore(%arg21 : memref<!tpu.dma_semaphore, #tpu.memory_space<semaphore_mem>>)
      } else {
      }
      "tpu.region"() ({
        %run_scoped3A = tpu.sem_alloc : memref<!tpu.dma_semaphore, #tpu.memory_space<semaphore_mem>>
        %dma_start3A_207 = arith.constant 0 : i32
        %dma_start3A_208 = tpu.memref_slice %arg7[%add3A_140, %dma_start3A_207] : memref<80x128xi32, #tpu.memory_space<vmem>> -> memref<1x128xi32, #tpu.memory_space<vmem>>
        %dma_start3A_209 = tpu.memref_squeeze %dma_start3A_208 : memref<1x128xi32, #tpu.memory_space<vmem>> -> memref<128xi32, #tpu.memory_space<vmem>>
        %dma_start3A_210 = arith.constant 0 : i32
        %dma_start3A_211 = arith.constant 0 : i32
        %dma_start3A_212 = tpu.memref_slice %arg17[%dma_start3A_210, %dma_start3A_211] : memref<10240x32xbf16, #tpu.memory_space<vmem_shared>> -> memref<10240x32xbf16, #tpu.memory_space<vmem_shared>>
        tpu.enqueue_indirect_dma source(%arg12 : memref<128x32xbf16, #tpu.memory_space<vmem>>) target(%dma_start3A_212 : memref<10240x32xbf16, #tpu.memory_space<vmem_shared>>) offsets(%dma_start3A_209 : memref<128xi32, #tpu.memory_space<vmem>>) semaphore(%run_scoped3A : memref<!tpu.dma_semaphore, #tpu.memory_space<semaphore_mem>>) {add = true}
        %dma_wait3A_213 = arith.constant 0 : i32
        %dma_wait3A_214 = tpu.memref_slice %arg7[%add3A_140, %dma_wait3A_213] : memref<80x128xi32, #tpu.memory_space<vmem>> -> memref<1x128xi32, #tpu.memory_space<vmem>>
        %dma_wait3A_215 = tpu.memref_squeeze %dma_wait3A_214 : memref<1x128xi32, #tpu.memory_space<vmem>> -> memref<128xi32, #tpu.memory_space<vmem>>
        %dma_wait3A_216 = arith.constant 0 : i32
        %dma_wait3A_217 = arith.constant 0 : i32
        %dma_wait3A_218 = tpu.memref_slice %arg17[%dma_wait3A_216, %dma_wait3A_217] : memref<10240x32xbf16, #tpu.memory_space<vmem_shared>> -> memref<10240x32xbf16, #tpu.memory_space<vmem_shared>>
        tpu.wait_indirect_dma semaphore(%run_scoped3A : memref<!tpu.dma_semaphore, #tpu.memory_space<semaphore_mem>>) src(%arg12 : memref<128x32xbf16, #tpu.memory_space<vmem>>) dst(%dma_wait3A_218 : memref<10240x32xbf16, #tpu.memory_space<vmem_shared>>)
        tpu.yield
      }) : () -> ()
      %add3A_156 = arith.constant 5 : i32
      %add3A_157 = arith.addi %mul3A_75, %add3A_156 : i32
      %dma_wait3A_158 = arith.constant 0 : i32
      %dma_wait3A_159 = tpu.memref_slice %arg6[%add3A_157, %dma_wait3A_158] : memref<80x128xi32, #tpu.memory_space<vmem>> -> memref<1x128xi32, #tpu.memory_space<vmem>>
      %dma_wait3A_160 = tpu.memref_squeeze %dma_wait3A_159 : memref<1x128xi32, #tpu.memory_space<vmem>> -> memref<128xi32, #tpu.memory_space<vmem>>
      %dma_wait3A_161 = arith.constant 0 : i32
      %dma_wait3A_162 = arith.constant 0 : i32
      %dma_wait3A_163 = tpu.memref_slice %arg2[%dma_wait3A_161, %dma_wait3A_162] : memref<10000x32xbf16, #tpu.memory_space<hbm>> -> memref<10000x32xbf16, #tpu.memory_space<hbm>>
      tpu.wait_indirect_dma semaphore(%arg23 : memref<!tpu.dma_semaphore, #tpu.memory_space<semaphore_mem>>) src(%dma_wait3A_163 : memref<10000x32xbf16, #tpu.memory_space<hbm>>) dst(%arg13 : memref<128x32xbf16, #tpu.memory_space<vmem>>)
      %add3A_164 = arith.constant 8 : i32
      %add3A_165 = arith.addi %add3A_157, %add3A_164 : i32
      %sub3A_166 = arith.constant 1 : i32
      %sub3A_167 = arith.subi %add3A_165, %sub3A_166 : i32
      %lt3A_168 = arith.constant 80 : i32
      %lt3A_169 = arith.cmpi slt, %sub3A_167, %lt3A_168 : i32
      %convert_element_type3A_170 = arith.extui %lt3A_169 : i1 to i32
      %cond3A_171 = arith.constant 0 : i32
      %cond3A_172 = arith.cmpi ne, %convert_element_type3A_170, %cond3A_171 : i32
      scf.if %cond3A_172 {
        %dma_start3A_207 = arith.constant 0 : i32
        %dma_start3A_208 = tpu.memref_slice %arg6[%sub3A_167, %dma_start3A_207] : memref<80x128xi32, #tpu.memory_space<vmem>> -> memref<1x128xi32, #tpu.memory_space<vmem>>
        %dma_start3A_209 = tpu.memref_squeeze %dma_start3A_208 : memref<1x128xi32, #tpu.memory_space<vmem>> -> memref<128xi32, #tpu.memory_space<vmem>>
        %dma_start3A_210 = arith.constant 0 : i32
        %dma_start3A_211 = arith.constant 0 : i32
        %dma_start3A_212 = tpu.memref_slice %arg2[%dma_start3A_210, %dma_start3A_211] : memref<10000x32xbf16, #tpu.memory_space<hbm>> -> memref<10000x32xbf16, #tpu.memory_space<hbm>>
        tpu.enqueue_indirect_dma source(%dma_start3A_212 : memref<10000x32xbf16, #tpu.memory_space<hbm>>) target(%arg12 : memref<128x32xbf16, #tpu.memory_space<vmem>>) offsets(%dma_start3A_209 : memref<128xi32, #tpu.memory_space<vmem>>) semaphore(%arg22 : memref<!tpu.dma_semaphore, #tpu.memory_space<semaphore_mem>>)
      } else {
      }
      "tpu.region"() ({
        %run_scoped3A = tpu.sem_alloc : memref<!tpu.dma_semaphore, #tpu.memory_space<semaphore_mem>>
        %dma_start3A_207 = arith.constant 0 : i32
        %dma_start3A_208 = tpu.memref_slice %arg7[%add3A_157, %dma_start3A_207] : memref<80x128xi32, #tpu.memory_space<vmem>> -> memref<1x128xi32, #tpu.memory_space<vmem>>
        %dma_start3A_209 = tpu.memref_squeeze %dma_start3A_208 : memref<1x128xi32, #tpu.memory_space<vmem>> -> memref<128xi32, #tpu.memory_space<vmem>>
        %dma_start3A_210 = arith.constant 0 : i32
        %dma_start3A_211 = arith.constant 0 : i32
        %dma_start3A_212 = tpu.memref_slice %arg17[%dma_start3A_210, %dma_start3A_211] : memref<10240x32xbf16, #tpu.memory_space<vmem_shared>> -> memref<10240x32xbf16, #tpu.memory_space<vmem_shared>>
        tpu.enqueue_indirect_dma source(%arg13 : memref<128x32xbf16, #tpu.memory_space<vmem>>) target(%dma_start3A_212 : memref<10240x32xbf16, #tpu.memory_space<vmem_shared>>) offsets(%dma_start3A_209 : memref<128xi32, #tpu.memory_space<vmem>>) semaphore(%run_scoped3A : memref<!tpu.dma_semaphore, #tpu.memory_space<semaphore_mem>>) {add = true}
        %dma_wait3A_213 = arith.constant 0 : i32
        %dma_wait3A_214 = tpu.memref_slice %arg7[%add3A_157, %dma_wait3A_213] : memref<80x128xi32, #tpu.memory_space<vmem>> -> memref<1x128xi32, #tpu.memory_space<vmem>>
        %dma_wait3A_215 = tpu.memref_squeeze %dma_wait3A_214 : memref<1x128xi32, #tpu.memory_space<vmem>> -> memref<128xi32, #tpu.memory_space<vmem>>
        %dma_wait3A_216 = arith.constant 0 : i32
        %dma_wait3A_217 = arith.constant 0 : i32
        %dma_wait3A_218 = tpu.memref_slice %arg17[%dma_wait3A_216, %dma_wait3A_217] : memref<10240x32xbf16, #tpu.memory_space<vmem_shared>> -> memref<10240x32xbf16, #tpu.memory_space<vmem_shared>>
        tpu.wait_indirect_dma semaphore(%run_scoped3A : memref<!tpu.dma_semaphore, #tpu.memory_space<semaphore_mem>>) src(%arg13 : memref<128x32xbf16, #tpu.memory_space<vmem>>) dst(%dma_wait3A_218 : memref<10240x32xbf16, #tpu.memory_space<vmem_shared>>)
        tpu.yield
      }) : () -> ()
      %add3A_173 = arith.constant 6 : i32
      %add3A_174 = arith.addi %mul3A_75, %add3A_173 : i32
      %dma_wait3A_175 = arith.constant 0 : i32
      %dma_wait3A_176 = tpu.memref_slice %arg6[%add3A_174, %dma_wait3A_175] : memref<80x128xi32, #tpu.memory_space<vmem>> -> memref<1x128xi32, #tpu.memory_space<vmem>>
      %dma_wait3A_177 = tpu.memref_squeeze %dma_wait3A_176 : memref<1x128xi32, #tpu.memory_space<vmem>> -> memref<128xi32, #tpu.memory_space<vmem>>
      %dma_wait3A_178 = arith.constant 0 : i32
      %dma_wait3A_179 = arith.constant 0 : i32
      %dma_wait3A_180 = tpu.memref_slice %arg2[%dma_wait3A_178, %dma_wait3A_179] : memref<10000x32xbf16, #tpu.memory_space<hbm>> -> memref<10000x32xbf16, #tpu.memory_space<hbm>>
      tpu.wait_indirect_dma semaphore(%arg24 : memref<!tpu.dma_semaphore, #tpu.memory_space<semaphore_mem>>) src(%dma_wait3A_180 : memref<10000x32xbf16, #tpu.memory_space<hbm>>) dst(%arg14 : memref<128x32xbf16, #tpu.memory_space<vmem>>)
      %add3A_181 = arith.constant 8 : i32
      %add3A_182 = arith.addi %add3A_174, %add3A_181 : i32
      %sub3A_183 = arith.constant 1 : i32
      %sub3A_184 = arith.subi %add3A_182, %sub3A_183 : i32
      %lt3A_185 = arith.constant 80 : i32
      %lt3A_186 = arith.cmpi slt, %sub3A_184, %lt3A_185 : i32
      %convert_element_type3A_187 = arith.extui %lt3A_186 : i1 to i32
      %cond3A_188 = arith.constant 0 : i32
      %cond3A_189 = arith.cmpi ne, %convert_element_type3A_187, %cond3A_188 : i32
      scf.if %cond3A_189 {
        %dma_start3A_207 = arith.constant 0 : i32
        %dma_start3A_208 = tpu.memref_slice %arg6[%sub3A_184, %dma_start3A_207] : memref<80x128xi32, #tpu.memory_space<vmem>> -> memref<1x128xi32, #tpu.memory_space<vmem>>
        %dma_start3A_209 = tpu.memref_squeeze %dma_start3A_208 : memref<1x128xi32, #tpu.memory_space<vmem>> -> memref<128xi32, #tpu.memory_space<vmem>>
        %dma_start3A_210 = arith.constant 0 : i32
        %dma_start3A_211 = arith.constant 0 : i32
        %dma_start3A_212 = tpu.memref_slice %arg2[%dma_start3A_210, %dma_start3A_211] : memref<10000x32xbf16, #tpu.memory_space<hbm>> -> memref<10000x32xbf16, #tpu.memory_space<hbm>>
        tpu.enqueue_indirect_dma source(%dma_start3A_212 : memref<10000x32xbf16, #tpu.memory_space<hbm>>) target(%arg13 : memref<128x32xbf16, #tpu.memory_space<vmem>>) offsets(%dma_start3A_209 : memref<128xi32, #tpu.memory_space<vmem>>) semaphore(%arg23 : memref<!tpu.dma_semaphore, #tpu.memory_space<semaphore_mem>>)
      } else {
      }
      "tpu.region"() ({
        %run_scoped3A = tpu.sem_alloc : memref<!tpu.dma_semaphore, #tpu.memory_space<semaphore_mem>>
        %dma_start3A_207 = arith.constant 0 : i32
        %dma_start3A_208 = tpu.memref_slice %arg7[%add3A_174, %dma_start3A_207] : memref<80x128xi32, #tpu.memory_space<vmem>> -> memref<1x128xi32, #tpu.memory_space<vmem>>
        %dma_start3A_209 = tpu.memref_squeeze %dma_start3A_208 : memref<1x128xi32, #tpu.memory_space<vmem>> -> memref<128xi32, #tpu.memory_space<vmem>>
        %dma_start3A_210 = arith.constant 0 : i32
        %dma_start3A_211 = arith.constant 0 : i32
        %dma_start3A_212 = tpu.memref_slice %arg17[%dma_start3A_210, %dma_start3A_211] : memref<10240x32xbf16, #tpu.memory_space<vmem_shared>> -> memref<10240x32xbf16, #tpu.memory_space<vmem_shared>>
        tpu.enqueue_indirect_dma source(%arg14 : memref<128x32xbf16, #tpu.memory_space<vmem>>) target(%dma_start3A_212 : memref<10240x32xbf16, #tpu.memory_space<vmem_shared>>) offsets(%dma_start3A_209 : memref<128xi32, #tpu.memory_space<vmem>>) semaphore(%run_scoped3A : memref<!tpu.dma_semaphore, #tpu.memory_space<semaphore_mem>>) {add = true}
        %dma_wait3A_213 = arith.constant 0 : i32
        %dma_wait3A_214 = tpu.memref_slice %arg7[%add3A_174, %dma_wait3A_213] : memref<80x128xi32, #tpu.memory_space<vmem>> -> memref<1x128xi32, #tpu.memory_space<vmem>>
        %dma_wait3A_215 = tpu.memref_squeeze %dma_wait3A_214 : memref<1x128xi32, #tpu.memory_space<vmem>> -> memref<128xi32, #tpu.memory_space<vmem>>
        %dma_wait3A_216 = arith.constant 0 : i32
        %dma_wait3A_217 = arith.constant 0 : i32
        %dma_wait3A_218 = tpu.memref_slice %arg17[%dma_wait3A_216, %dma_wait3A_217] : memref<10240x32xbf16, #tpu.memory_space<vmem_shared>> -> memref<10240x32xbf16, #tpu.memory_space<vmem_shared>>
        tpu.wait_indirect_dma semaphore(%run_scoped3A : memref<!tpu.dma_semaphore, #tpu.memory_space<semaphore_mem>>) src(%arg14 : memref<128x32xbf16, #tpu.memory_space<vmem>>) dst(%dma_wait3A_218 : memref<10240x32xbf16, #tpu.memory_space<vmem_shared>>)
        tpu.yield
      }) : () -> ()
      %add3A_190 = arith.constant 7 : i32
      %add3A_191 = arith.addi %mul3A_75, %add3A_190 : i32
      %dma_wait3A_192 = arith.constant 0 : i32
      %dma_wait3A_193 = tpu.memref_slice %arg6[%add3A_191, %dma_wait3A_192] : memref<80x128xi32, #tpu.memory_space<vmem>> -> memref<1x128xi32, #tpu.memory_space<vmem>>
      %dma_wait3A_194 = tpu.memref_squeeze %dma_wait3A_193 : memref<1x128xi32, #tpu.memory_space<vmem>> -> memref<128xi32, #tpu.memory_space<vmem>>
      %dma_wait3A_195 = arith.constant 0 : i32
      %dma_wait3A_196 = arith.constant 0 : i32
      %dma_wait3A_197 = tpu.memref_slice %arg2[%dma_wait3A_195, %dma_wait3A_196] : memref<10000x32xbf16, #tpu.memory_space<hbm>> -> memref<10000x32xbf16, #tpu.memory_space<hbm>>
      tpu.wait_indirect_dma semaphore(%arg25 : memref<!tpu.dma_semaphore, #tpu.memory_space<semaphore_mem>>) src(%dma_wait3A_197 : memref<10000x32xbf16, #tpu.memory_space<hbm>>) dst(%arg15 : memref<128x32xbf16, #tpu.memory_space<vmem>>)
      %add3A_198 = arith.constant 8 : i32
      %add3A_199 = arith.addi %add3A_191, %add3A_198 : i32
      %sub3A_200 = arith.constant 1 : i32
      %sub3A_201 = arith.subi %add3A_199, %sub3A_200 : i32
      %lt3A_202 = arith.constant 80 : i32
      %lt3A_203 = arith.cmpi slt, %sub3A_201, %lt3A_202 : i32
      %convert_element_type3A_204 = arith.extui %lt3A_203 : i1 to i32
      %cond3A_205 = arith.constant 0 : i32
      %cond3A_206 = arith.cmpi ne, %convert_element_type3A_204, %cond3A_205 : i32
      scf.if %cond3A_206 {
        %dma_start3A_207 = arith.constant 0 : i32
        %dma_start3A_208 = tpu.memref_slice %arg6[%sub3A_201, %dma_start3A_207] : memref<80x128xi32, #tpu.memory_space<vmem>> -> memref<1x128xi32, #tpu.memory_space<vmem>>
        %dma_start3A_209 = tpu.memref_squeeze %dma_start3A_208 : memref<1x128xi32, #tpu.memory_space<vmem>> -> memref<128xi32, #tpu.memory_space<vmem>>
        %dma_start3A_210 = arith.constant 0 : i32
        %dma_start3A_211 = arith.constant 0 : i32
        %dma_start3A_212 = tpu.memref_slice %arg2[%dma_start3A_210, %dma_start3A_211] : memref<10000x32xbf16, #tpu.memory_space<hbm>> -> memref<10000x32xbf16, #tpu.memory_space<hbm>>
        tpu.enqueue_indirect_dma source(%dma_start3A_212 : memref<10000x32xbf16, #tpu.memory_space<hbm>>) target(%arg14 : memref<128x32xbf16, #tpu.memory_space<vmem>>) offsets(%dma_start3A_209 : memref<128xi32, #tpu.memory_space<vmem>>) semaphore(%arg24 : memref<!tpu.dma_semaphore, #tpu.memory_space<semaphore_mem>>)
      } else {
      }
      "tpu.region"() ({
        %run_scoped3A = tpu.sem_alloc : memref<!tpu.dma_semaphore, #tpu.memory_space<semaphore_mem>>
        %dma_start3A_207 = arith.constant 0 : i32
        %dma_start3A_208 = tpu.memref_slice %arg7[%add3A_191, %dma_start3A_207] : memref<80x128xi32, #tpu.memory_space<vmem>> -> memref<1x128xi32, #tpu.memory_space<vmem>>
        %dma_start3A_209 = tpu.memref_squeeze %dma_start3A_208 : memref<1x128xi32, #tpu.memory_space<vmem>> -> memref<128xi32, #tpu.memory_space<vmem>>
        %dma_start3A_210 = arith.constant 0 : i32
        %dma_start3A_211 = arith.constant 0 : i32
        %dma_start3A_212 = tpu.memref_slice %arg17[%dma_start3A_210, %dma_start3A_211] : memref<10240x32xbf16, #tpu.memory_space<vmem_shared>> -> memref<10240x32xbf16, #tpu.memory_space<vmem_shared>>
        tpu.enqueue_indirect_dma source(%arg15 : memref<128x32xbf16, #tpu.memory_space<vmem>>) target(%dma_start3A_212 : memref<10240x32xbf16, #tpu.memory_space<vmem_shared>>) offsets(%dma_start3A_209 : memref<128xi32, #tpu.memory_space<vmem>>) semaphore(%run_scoped3A : memref<!tpu.dma_semaphore, #tpu.memory_space<semaphore_mem>>) {add = true}
        %dma_wait3A_213 = arith.constant 0 : i32
        %dma_wait3A_214 = tpu.memref_slice %arg7[%add3A_191, %dma_wait3A_213] : memref<80x128xi32, #tpu.memory_space<vmem>> -> memref<1x128xi32, #tpu.memory_space<vmem>>
        %dma_wait3A_215 = tpu.memref_squeeze %dma_wait3A_214 : memref<1x128xi32, #tpu.memory_space<vmem>> -> memref<128xi32, #tpu.memory_space<vmem>>
        %dma_wait3A_216 = arith.constant 0 : i32
        %dma_wait3A_217 = arith.constant 0 : i32
        %dma_wait3A_218 = tpu.memref_slice %arg17[%dma_wait3A_216, %dma_wait3A_217] : memref<10240x32xbf16, #tpu.memory_space<vmem_shared>> -> memref<10240x32xbf16, #tpu.memory_space<vmem_shared>>
        tpu.wait_indirect_dma semaphore(%run_scoped3A : memref<!tpu.dma_semaphore, #tpu.memory_space<semaphore_mem>>) src(%arg15 : memref<128x32xbf16, #tpu.memory_space<vmem>>) dst(%dma_wait3A_218 : memref<10240x32xbf16, #tpu.memory_space<vmem_shared>>)
        tpu.yield
      }) : () -> ()
    }
    %scan3A_62 = arith.constant 10 : i32
    %barrier3A_63 = arith.constant 0 : index
    tpu.barrier barrier_id(%barrier3A_63)
    %scan3A_64 = arith.constant 0 : i32
    %scan3A_65 = arith.constant 5 : i32
    %scan3A_66 = arith.addi %scan3A_64, %scan3A_65 : i32
    %scan3A_67 = arith.constant 1 : i32
    scf.for %scan3A_69 = %scan3A_64 to %scan3A_66 step %scan3A_67  : i32 {
      %mul3A_70 = arith.constant 1 : i32
      %mul3A_71 = arith.muli %scan3A_69, %mul3A_70 : i32
      %add3A_72 = arith.constant 0 : i32
      %add3A_73 = arith.addi %add3A_72, %mul3A_71 : i32
      %mul3A_74 = arith.constant 640 : i32
      %mul3A_75 = arith.muli %arg1, %mul3A_74 : i32
      %mul3A_76 = arith.constant 128 : i32
      %mul3A_77 = arith.muli %add3A_73, %mul3A_76 : i32
      %add3A_78 = arith.addi %mul3A_75, %mul3A_77 : i32
      "tpu.region"() ({
        %run_scoped3A = tpu.sem_alloc : memref<!tpu.dma_semaphore, #tpu.memory_space<semaphore_mem>>
        %dma_start3A_79 = arith.constant 0 : i32
        %dma_start3A_80 = tpu.memref_slice %arg5[%arg0, %add3A_78, %dma_start3A_79] : memref<2x10240x32xbf16, #tpu.memory_space<hbm>> -> memref<1x128x32xbf16, #tpu.memory_space<hbm>>
        %dma_start3A_81 = tpu.memref_squeeze %dma_start3A_80 : memref<1x128x32xbf16, #tpu.memory_space<hbm>> -> memref<128x32xbf16, #tpu.memory_space<hbm>>
        %dma_start3A_82 = arith.constant 0 : i32
        %dma_start3A_83 = tpu.memref_slice %arg17[%add3A_78, %dma_start3A_82] : memref<10240x32xbf16, #tpu.memory_space<vmem_shared>> -> memref<128x32xbf16, #tpu.memory_space<vmem_shared>>
        tpu.enqueue_dma source(%dma_start3A_83 : memref<128x32xbf16, #tpu.memory_space<vmem_shared>>) target(%dma_start3A_81 : memref<128x32xbf16, #tpu.memory_space<hbm>>) target_semaphore(%run_scoped3A : memref<!tpu.dma_semaphore, #tpu.memory_space<semaphore_mem>>)
        %dma_wait3A = arith.constant 0 : i32
        %dma_wait3A_84 = tpu.memref_slice %arg5[%arg0, %add3A_78, %dma_wait3A] : memref<2x10240x32xbf16, #tpu.memory_space<hbm>> -> memref<1x128x32xbf16, #tpu.memory_space<hbm>>
        %dma_wait3A_85 = tpu.memref_squeeze %dma_wait3A_84 : memref<1x128x32xbf16, #tpu.memory_space<hbm>> -> memref<128x32xbf16, #tpu.memory_space<hbm>>
        %dma_wait3A_86 = arith.constant 0 : i32
        %dma_wait3A_87 = tpu.memref_slice %arg17[%add3A_78, %dma_wait3A_86] : memref<10240x32xbf16, #tpu.memory_space<vmem_shared>> -> memref<128x32xbf16, #tpu.memory_space<vmem_shared>>
        tpu.wait_dma2 semaphore(%run_scoped3A : memref<!tpu.dma_semaphore, #tpu.memory_space<semaphore_mem>>) src(%dma_wait3A_87 : memref<128x32xbf16, #tpu.memory_space<vmem_shared>>) dst(%dma_wait3A_85 : memref<128x32xbf16, #tpu.memory_space<hbm>>)
        tpu.yield
      }) : () -> ()
    }
    %scan3A_68 = arith.constant 5 : i32
    return
  }
}

#map = affine_map<(d0, d1) -> (0, 0)>
#map1 = affine_map<(d0, d1) -> (0, 0, 0)>
module attributes {stable_mosaic.version = 14 : i64} {
  func.func @sc_scatter(%arg0: i32, %arg1: i32, %arg2: memref<10000x48xbf16, #tpu.memory_space<hbm>>, %arg3: memref<32x80x128xi32, #tpu.memory_space<hbm>>, %arg4: memref<32x80x128xi32, #tpu.memory_space<hbm>>, %arg5: memref<2x10240x48xbf16, #tpu.memory_space<hbm>>, %arg6: memref<80x128xi32, #tpu.memory_space<vmem>>, %arg7: memref<80x128xi32, #tpu.memory_space<vmem>>, %arg8: memref<128x48xbf16, #tpu.memory_space<vmem>>, %arg9: memref<128x48xbf16, #tpu.memory_space<vmem>>, %arg10: memref<128x48xbf16, #tpu.memory_space<vmem>>, %arg11: memref<128x48xbf16, #tpu.memory_space<vmem>>, %arg12: memref<128x48xbf16, #tpu.memory_space<vmem>>, %arg13: memref<128x48xbf16, #tpu.memory_space<vmem>>, %arg14: memref<128x48xbf16, #tpu.memory_space<vmem>>, %arg15: memref<128x48xbf16, #tpu.memory_space<vmem>>, %arg16: memref<128x48xbf16, #tpu.memory_space<vmem>>, %arg17: memref<10240x48xbf16, #tpu.memory_space<vmem_shared>>, %arg18: memref<!tpu.dma_semaphore, #tpu.memory_space<semaphore_mem>>, %arg19: memref<!tpu.dma_semaphore, #tpu.memory_space<semaphore_mem>>, %arg20: memref<!tpu.dma_semaphore, #tpu.memory_space<semaphore_mem>>, %arg21: memref<!tpu.dma_semaphore, #tpu.memory_space<semaphore_mem>>, %arg22: memref<!tpu.dma_semaphore, #tpu.memory_space<semaphore_mem>>, %arg23: memref<!tpu.dma_semaphore, #tpu.memory_space<semaphore_mem>>, %arg24: memref<!tpu.dma_semaphore, #tpu.memory_space<semaphore_mem>>, %arg25: memref<!tpu.dma_semaphore, #tpu.memory_space<semaphore_mem>>) attributes {dimension_semantics = [#tpu.dimension_semantics<core_parallel>, #tpu.dimension_semantics<subcore_parallel>], iteration_bounds = array<i64: 2, 16>, scalar_prefetch = 0 : i64, scratch_operands = 20 : i64, tpu.core_type = #tpu.core_type<sc_vector_subcore>, window_params = [{transform_indices = #map}, {transform_indices = #map1}, {transform_indices = #map1}, {transform_indices = #map1}]} {
    %mul3A = arith.constant 16 : i32
    %mul3A_0 = arith.muli %arg0, %mul3A : i32
    %add3A = arith.addi %mul3A_0, %arg1 : i32
    %scan3A = arith.constant 0 : i32
    %scan3A_1 = arith.constant 64 : i32
    %scan3A_2 = arith.addi %scan3A, %scan3A_1 : i32
    %scan3A_3 = arith.constant 1 : i32
    scf.for %scan3A_69 = %scan3A to %scan3A_2 step %scan3A_3  : i32 {
      %mul3A_70 = arith.constant 1 : i32
      %mul3A_71 = arith.muli %scan3A_69, %mul3A_70 : i32
      %add3A_72 = arith.constant 0 : i32
      %add3A_73 = arith.addi %add3A_72, %mul3A_71 : i32
      %scan3A_74 = arith.constant 0 : i32
      %scan3A_75 = arith.constant 3 : i32
      %scan3A_76 = arith.addi %scan3A_74, %scan3A_75 : i32
      %scan3A_77 = arith.constant 1 : i32
      scf.for %scan3A_79 = %scan3A_74 to %scan3A_76 step %scan3A_77  : i32 {
        %mul3A_80 = arith.constant 1 : i32
        %mul3A_81 = arith.muli %scan3A_79, %mul3A_80 : i32
        %add3A_82 = arith.constant 0 : i32
        %add3A_83 = arith.addi %add3A_82, %mul3A_81 : i32
        %broadcast_in_dim3A = arith.constant 0.000000e+00 : bf16
        %broadcast_in_dim3A_84 = vector.broadcast %broadcast_in_dim3A : bf16 to vector<2x16xbf16>
        %mul3A_85 = arith.constant 2 : i32
        %mul3A_86 = arith.muli %add3A_73, %mul3A_85 : i32
        %mul3A_87 = arith.constant 16 : i32
        %mul3A_88 = arith.muli %add3A_83, %mul3A_87 : i32
        %swap3A = arith.index_cast %mul3A_86 : i32 to index
        %swap3A_89 = arith.index_cast %mul3A_88 : i32 to index
        %swap3A_90 = tpu.vector_load %arg16[%swap3A, %swap3A_89] {strides = array<i32>} : memref<128x48xbf16, #tpu.memory_space<vmem>>, vector<2x16xbf16>,
        %swap3A_91 = vector.shape_cast %swap3A_90 : vector<2x16xbf16> to vector<2x16xbf16>
        %swap3A_92 = vector.shape_cast %broadcast_in_dim3A_84 : vector<2x16xbf16> to vector<2x16xbf16>
        tpu.vector_store %arg16[%swap3A, %swap3A_89], %swap3A_92 {strides = array<i32>} : memref<128x48xbf16, #tpu.memory_space<vmem>>, vector<2x16xbf16>,
      }
      %scan3A_78 = arith.constant 3 : i32
    }
    %scan3A_4 = arith.constant 64 : i32
    %scan3A_5 = arith.constant 0 : i32
    %scan3A_6 = arith.constant 5 : i32
    %scan3A_7 = arith.addi %scan3A_5, %scan3A_6 : i32
    %scan3A_8 = arith.constant 1 : i32
    scf.for %scan3A_69 = %scan3A_5 to %scan3A_7 step %scan3A_8  : i32 {
      %mul3A_70 = arith.constant 1 : i32
      %mul3A_71 = arith.muli %scan3A_69, %mul3A_70 : i32
      %add3A_72 = arith.constant 0 : i32
      %add3A_73 = arith.addi %add3A_72, %mul3A_71 : i32
      %mul3A_74 = arith.constant 640 : i32
      %mul3A_75 = arith.muli %arg1, %mul3A_74 : i32
      %mul3A_76 = arith.constant 128 : i32
      %mul3A_77 = arith.muli %add3A_73, %mul3A_76 : i32
      %add3A_78 = arith.addi %mul3A_75, %mul3A_77 : i32
      "tpu.region"() ({
        %run_scoped3A = tpu.sem_alloc : memref<!tpu.dma_semaphore, #tpu.memory_space<semaphore_mem>>
        %dma_start3A_79 = arith.constant 0 : i32
        %dma_start3A_80 = tpu.memref_slice %arg17[%add3A_78, %dma_start3A_79] : memref<10240x48xbf16, #tpu.memory_space<vmem_shared>> -> memref<128x48xbf16, #tpu.memory_space<vmem_shared>>
        %dma_start3A_81 = arith.constant 0 : i32
        %dma_start3A_82 = tpu.memref_slice %arg17[%add3A_78, %dma_start3A_81] : memref<10240x48xbf16, #tpu.memory_space<vmem_shared>> -> memref<128x48xbf16, #tpu.memory_space<vmem_shared>>
        tpu.enqueue_dma source(%arg16 : memref<128x48xbf16, #tpu.memory_space<vmem>>) target(%dma_start3A_82 : memref<128x48xbf16, #tpu.memory_space<vmem_shared>>) target_semaphore(%run_scoped3A : memref<!tpu.dma_semaphore, #tpu.memory_space<semaphore_mem>>)
        %dma_wait3A = arith.constant 0 : i32
        %dma_wait3A_83 = tpu.memref_slice %arg17[%add3A_78, %dma_wait3A] : memref<10240x48xbf16, #tpu.memory_space<vmem_shared>> -> memref<128x48xbf16, #tpu.memory_space<vmem_shared>>
        %dma_wait3A_84 = arith.constant 0 : i32
        %dma_wait3A_85 = tpu.memref_slice %arg17[%add3A_78, %dma_wait3A_84] : memref<10240x48xbf16, #tpu.memory_space<vmem_shared>> -> memref<128x48xbf16, #tpu.memory_space<vmem_shared>>
        tpu.wait_dma2 semaphore(%run_scoped3A : memref<!tpu.dma_semaphore, #tpu.memory_space<semaphore_mem>>) src(%arg16 : memref<128x48xbf16, #tpu.memory_space<vmem>>) dst(%dma_wait3A_85 : memref<128x48xbf16, #tpu.memory_space<vmem_shared>>)
        tpu.yield
      }) : () -> ()
    }
    %scan3A_9 = arith.constant 5 : i32
    "tpu.region"() ({
      %run_scoped3A = tpu.sem_alloc : memref<!tpu.dma_semaphore, #tpu.memory_space<semaphore_mem>>
      %dma_start3A_69 = arith.constant 0 : i32
      %dma_start3A_70 = arith.constant 0 : i32
      %dma_start3A_71 = tpu.memref_slice %arg3[%add3A, %dma_start3A_69, %dma_start3A_70] : memref<32x80x128xi32, #tpu.memory_space<hbm>> -> memref<1x80x128xi32, #tpu.memory_space<hbm>>
      %dma_start3A_72 = tpu.memref_squeeze %dma_start3A_71 : memref<1x80x128xi32, #tpu.memory_space<hbm>> -> memref<80x128xi32, #tpu.memory_space<hbm>>
      %dma_start3A_73 = arith.constant 0 : i32
      %dma_start3A_74 = arith.constant 0 : i32
      %dma_start3A_75 = tpu.memref_slice %arg3[%add3A, %dma_start3A_73, %dma_start3A_74] : memref<32x80x128xi32, #tpu.memory_space<hbm>> -> memref<1x80x128xi32, #tpu.memory_space<hbm>>
      %dma_start3A_76 = tpu.memref_squeeze %dma_start3A_75 : memref<1x80x128xi32, #tpu.memory_space<hbm>> -> memref<80x128xi32, #tpu.memory_space<hbm>>
      tpu.enqueue_dma source(%dma_start3A_76 : memref<80x128xi32, #tpu.memory_space<hbm>>) target(%arg6 : memref<80x128xi32, #tpu.memory_space<vmem>>) target_semaphore(%run_scoped3A : memref<!tpu.dma_semaphore, #tpu.memory_space<semaphore_mem>>)
      %dma_wait3A = arith.constant 0 : i32
      %dma_wait3A_77 = arith.constant 0 : i32
      %dma_wait3A_78 = tpu.memref_slice %arg3[%add3A, %dma_wait3A, %dma_wait3A_77] : memref<32x80x128xi32, #tpu.memory_space<hbm>> -> memref<1x80x128xi32, #tpu.memory_space<hbm>>
      %dma_wait3A_79 = tpu.memref_squeeze %dma_wait3A_78 : memref<1x80x128xi32, #tpu.memory_space<hbm>> -> memref<80x128xi32, #tpu.memory_space<hbm>>
      %dma_wait3A_80 = arith.constant 0 : i32
      %dma_wait3A_81 = arith.constant 0 : i32
      %dma_wait3A_82 = tpu.memref_slice %arg3[%add3A, %dma_wait3A_80, %dma_wait3A_81] : memref<32x80x128xi32, #tpu.memory_space<hbm>> -> memref<1x80x128xi32, #tpu.memory_space<hbm>>
      %dma_wait3A_83 = tpu.memref_squeeze %dma_wait3A_82 : memref<1x80x128xi32, #tpu.memory_space<hbm>> -> memref<80x128xi32, #tpu.memory_space<hbm>>
      tpu.wait_dma2 semaphore(%run_scoped3A : memref<!tpu.dma_semaphore, #tpu.memory_space<semaphore_mem>>) src(%dma_wait3A_83 : memref<80x128xi32, #tpu.memory_space<hbm>>) dst(%arg6 : memref<80x128xi32, #tpu.memory_space<vmem>>)
      tpu.yield
    }) : () -> ()
    "tpu.region"() ({
      %run_scoped3A = tpu.sem_alloc : memref<!tpu.dma_semaphore, #tpu.memory_space<semaphore_mem>>
      %dma_start3A_69 = arith.constant 0 : i32
      %dma_start3A_70 = arith.constant 0 : i32
      %dma_start3A_71 = tpu.memref_slice %arg4[%add3A, %dma_start3A_69, %dma_start3A_70] : memref<32x80x128xi32, #tpu.memory_space<hbm>> -> memref<1x80x128xi32, #tpu.memory_space<hbm>>
      %dma_start3A_72 = tpu.memref_squeeze %dma_start3A_71 : memref<1x80x128xi32, #tpu.memory_space<hbm>> -> memref<80x128xi32, #tpu.memory_space<hbm>>
      %dma_start3A_73 = arith.constant 0 : i32
      %dma_start3A_74 = arith.constant 0 : i32
      %dma_start3A_75 = tpu.memref_slice %arg4[%add3A, %dma_start3A_73, %dma_start3A_74] : memref<32x80x128xi32, #tpu.memory_space<hbm>> -> memref<1x80x128xi32, #tpu.memory_space<hbm>>
      %dma_start3A_76 = tpu.memref_squeeze %dma_start3A_75 : memref<1x80x128xi32, #tpu.memory_space<hbm>> -> memref<80x128xi32, #tpu.memory_space<hbm>>
      tpu.enqueue_dma source(%dma_start3A_76 : memref<80x128xi32, #tpu.memory_space<hbm>>) target(%arg7 : memref<80x128xi32, #tpu.memory_space<vmem>>) target_semaphore(%run_scoped3A : memref<!tpu.dma_semaphore, #tpu.memory_space<semaphore_mem>>)
      %dma_wait3A = arith.constant 0 : i32
      %dma_wait3A_77 = arith.constant 0 : i32
      %dma_wait3A_78 = tpu.memref_slice %arg4[%add3A, %dma_wait3A, %dma_wait3A_77] : memref<32x80x128xi32, #tpu.memory_space<hbm>> -> memref<1x80x128xi32, #tpu.memory_space<hbm>>
      %dma_wait3A_79 = tpu.memref_squeeze %dma_wait3A_78 : memref<1x80x128xi32, #tpu.memory_space<hbm>> -> memref<80x128xi32, #tpu.memory_space<hbm>>
      %dma_wait3A_80 = arith.constant 0 : i32
      %dma_wait3A_81 = arith.constant 0 : i32
      %dma_wait3A_82 = tpu.memref_slice %arg4[%add3A, %dma_wait3A_80, %dma_wait3A_81] : memref<32x80x128xi32, #tpu.memory_space<hbm>> -> memref<1x80x128xi32, #tpu.memory_space<hbm>>
      %dma_wait3A_83 = tpu.memref_squeeze %dma_wait3A_82 : memref<1x80x128xi32, #tpu.memory_space<hbm>> -> memref<80x128xi32, #tpu.memory_space<hbm>>
      tpu.wait_dma2 semaphore(%run_scoped3A : memref<!tpu.dma_semaphore, #tpu.memory_space<semaphore_mem>>) src(%dma_wait3A_83 : memref<80x128xi32, #tpu.memory_space<hbm>>) dst(%arg7 : memref<80x128xi32, #tpu.memory_space<vmem>>)
      tpu.yield
    }) : () -> ()
    %barrier3A = arith.constant 0 : index
    tpu.barrier barrier_id(%barrier3A)
    %dma_start3A = arith.constant 0 : i32
    %dma_start3A_10 = arith.constant 0 : i32
    %dma_start3A_11 = tpu.memref_slice %arg6[%dma_start3A, %dma_start3A_10] : memref<80x128xi32, #tpu.memory_space<vmem>> -> memref<1x128xi32, #tpu.memory_space<vmem>>
    %dma_start3A_12 = tpu.memref_squeeze %dma_start3A_11 : memref<1x128xi32, #tpu.memory_space<vmem>> -> memref<128xi32, #tpu.memory_space<vmem>>
    %dma_start3A_13 = arith.constant 0 : i32
    %dma_start3A_14 = arith.constant 0 : i32
    %dma_start3A_15 = tpu.memref_slice %arg2[%dma_start3A_13, %dma_start3A_14] : memref<10000x48xbf16, #tpu.memory_space<hbm>> -> memref<10000x48xbf16, #tpu.memory_space<hbm>>
    tpu.enqueue_indirect_dma source(%dma_start3A_15 : memref<10000x48xbf16, #tpu.memory_space<hbm>>) target(%arg8 : memref<128x48xbf16, #tpu.memory_space<vmem>>) offsets(%dma_start3A_12 : memref<128xi32, #tpu.memory_space<vmem>>) semaphore(%arg18 : memref<!tpu.dma_semaphore, #tpu.memory_space<semaphore_mem>>)
    %dma_start3A_16 = arith.constant 1 : i32
    %dma_start3A_17 = arith.constant 0 : i32
    %dma_start3A_18 = tpu.memref_slice %arg6[%dma_start3A_16, %dma_start3A_17] : memref<80x128xi32, #tpu.memory_space<vmem>> -> memref<1x128xi32, #tpu.memory_space<vmem>>
    %dma_start3A_19 = tpu.memref_squeeze %dma_start3A_18 : memref<1x128xi32, #tpu.memory_space<vmem>> -> memref<128xi32, #tpu.memory_space<vmem>>
    %dma_start3A_20 = arith.constant 0 : i32
    %dma_start3A_21 = arith.constant 0 : i32
    %dma_start3A_22 = tpu.memref_slice %arg2[%dma_start3A_20, %dma_start3A_21] : memref<10000x48xbf16, #tpu.memory_space<hbm>> -> memref<10000x48xbf16, #tpu.memory_space<hbm>>
    tpu.enqueue_indirect_dma source(%dma_start3A_22 : memref<10000x48xbf16, #tpu.memory_space<hbm>>) target(%arg9 : memref<128x48xbf16, #tpu.memory_space<vmem>>) offsets(%dma_start3A_19 : memref<128xi32, #tpu.memory_space<vmem>>) semaphore(%arg19 : memref<!tpu.dma_semaphore, #tpu.memory_space<semaphore_mem>>)
    %dma_start3A_23 = arith.constant 2 : i32
    %dma_start3A_24 = arith.constant 0 : i32
    %dma_start3A_25 = tpu.memref_slice %arg6[%dma_start3A_23, %dma_start3A_24] : memref<80x128xi32, #tpu.memory_space<vmem>> -> memref<1x128xi32, #tpu.memory_space<vmem>>
    %dma_start3A_26 = tpu.memref_squeeze %dma_start3A_25 : memref<1x128xi32, #tpu.memory_space<vmem>> -> memref<128xi32, #tpu.memory_space<vmem>>
    %dma_start3A_27 = arith.constant 0 : i32
    %dma_start3A_28 = arith.constant 0 : i32
    %dma_start3A_29 = tpu.memref_slice %arg2[%dma_start3A_27, %dma_start3A_28] : memref<10000x48xbf16, #tpu.memory_space<hbm>> -> memref<10000x48xbf16, #tpu.memory_space<hbm>>
    tpu.enqueue_indirect_dma source(%dma_start3A_29 : memref<10000x48xbf16, #tpu.memory_space<hbm>>) target(%arg10 : memref<128x48xbf16, #tpu.memory_space<vmem>>) offsets(%dma_start3A_26 : memref<128xi32, #tpu.memory_space<vmem>>) semaphore(%arg20 : memref<!tpu.dma_semaphore, #tpu.memory_space<semaphore_mem>>)
    %dma_start3A_30 = arith.constant 3 : i32
    %dma_start3A_31 = arith.constant 0 : i32
    %dma_start3A_32 = tpu.memref_slice %arg6[%dma_start3A_30, %dma_start3A_31] : memref<80x128xi32, #tpu.memory_space<vmem>> -> memref<1x128xi32, #tpu.memory_space<vmem>>
    %dma_start3A_33 = tpu.memref_squeeze %dma_start3A_32 : memref<1x128xi32, #tpu.memory_space<vmem>> -> memref<128xi32, #tpu.memory_space<vmem>>
    %dma_start3A_34 = arith.constant 0 : i32
    %dma_start3A_35 = arith.constant 0 : i32
    %dma_start3A_36 = tpu.memref_slice %arg2[%dma_start3A_34, %dma_start3A_35] : memref<10000x48xbf16, #tpu.memory_space<hbm>> -> memref<10000x48xbf16, #tpu.memory_space<hbm>>
    tpu.enqueue_indirect_dma source(%dma_start3A_36 : memref<10000x48xbf16, #tpu.memory_space<hbm>>) target(%arg11 : memref<128x48xbf16, #tpu.memory_space<vmem>>) offsets(%dma_start3A_33 : memref<128xi32, #tpu.memory_space<vmem>>) semaphore(%arg21 : memref<!tpu.dma_semaphore, #tpu.memory_space<semaphore_mem>>)
    %dma_start3A_37 = arith.constant 4 : i32
    %dma_start3A_38 = arith.constant 0 : i32
    %dma_start3A_39 = tpu.memref_slice %arg6[%dma_start3A_37, %dma_start3A_38] : memref<80x128xi32, #tpu.memory_space<vmem>> -> memref<1x128xi32, #tpu.memory_space<vmem>>
    %dma_start3A_40 = tpu.memref_squeeze %dma_start3A_39 : memref<1x128xi32, #tpu.memory_space<vmem>> -> memref<128xi32, #tpu.memory_space<vmem>>
    %dma_start3A_41 = arith.constant 0 : i32
    %dma_start3A_42 = arith.constant 0 : i32
    %dma_start3A_43 = tpu.memref_slice %arg2[%dma_start3A_41, %dma_start3A_42] : memref<10000x48xbf16, #tpu.memory_space<hbm>> -> memref<10000x48xbf16, #tpu.memory_space<hbm>>
    tpu.enqueue_indirect_dma source(%dma_start3A_43 : memref<10000x48xbf16, #tpu.memory_space<hbm>>) target(%arg12 : memref<128x48xbf16, #tpu.memory_space<vmem>>) offsets(%dma_start3A_40 : memref<128xi32, #tpu.memory_space<vmem>>) semaphore(%arg22 : memref<!tpu.dma_semaphore, #tpu.memory_space<semaphore_mem>>)
    %dma_start3A_44 = arith.constant 5 : i32
    %dma_start3A_45 = arith.constant 0 : i32
    %dma_start3A_46 = tpu.memref_slice %arg6[%dma_start3A_44, %dma_start3A_45] : memref<80x128xi32, #tpu.memory_space<vmem>> -> memref<1x128xi32, #tpu.memory_space<vmem>>
    %dma_start3A_47 = tpu.memref_squeeze %dma_start3A_46 : memref<1x128xi32, #tpu.memory_space<vmem>> -> memref<128xi32, #tpu.memory_space<vmem>>
    %dma_start3A_48 = arith.constant 0 : i32
    %dma_start3A_49 = arith.constant 0 : i32
    %dma_start3A_50 = tpu.memref_slice %arg2[%dma_start3A_48, %dma_start3A_49] : memref<10000x48xbf16, #tpu.memory_space<hbm>> -> memref<10000x48xbf16, #tpu.memory_space<hbm>>
    tpu.enqueue_indirect_dma source(%dma_start3A_50 : memref<10000x48xbf16, #tpu.memory_space<hbm>>) target(%arg13 : memref<128x48xbf16, #tpu.memory_space<vmem>>) offsets(%dma_start3A_47 : memref<128xi32, #tpu.memory_space<vmem>>) semaphore(%arg23 : memref<!tpu.dma_semaphore, #tpu.memory_space<semaphore_mem>>)
    %dma_start3A_51 = arith.constant 6 : i32
    %dma_start3A_52 = arith.constant 0 : i32
    %dma_start3A_53 = tpu.memref_slice %arg6[%dma_start3A_51, %dma_start3A_52] : memref<80x128xi32, #tpu.memory_space<vmem>> -> memref<1x128xi32, #tpu.memory_space<vmem>>
    %dma_start3A_54 = tpu.memref_squeeze %dma_start3A_53 : memref<1x128xi32, #tpu.memory_space<vmem>> -> memref<128xi32, #tpu.memory_space<vmem>>
    %dma_start3A_55 = arith.constant 0 : i32
    %dma_start3A_56 = arith.constant 0 : i32
    %dma_start3A_57 = tpu.memref_slice %arg2[%dma_start3A_55, %dma_start3A_56] : memref<10000x48xbf16, #tpu.memory_space<hbm>> -> memref<10000x48xbf16, #tpu.memory_space<hbm>>
    tpu.enqueue_indirect_dma source(%dma_start3A_57 : memref<10000x48xbf16, #tpu.memory_space<hbm>>) target(%arg14 : memref<128x48xbf16, #tpu.memory_space<vmem>>) offsets(%dma_start3A_54 : memref<128xi32, #tpu.memory_space<vmem>>) semaphore(%arg24 : memref<!tpu.dma_semaphore, #tpu.memory_space<semaphore_mem>>)
    %scan3A_58 = arith.constant 0 : i32
    %scan3A_59 = arith.constant 10 : i32
    %scan3A_60 = arith.addi %scan3A_58, %scan3A_59 : i32
    %scan3A_61 = arith.constant 1 : i32
    scf.for %scan3A_69 = %scan3A_58 to %scan3A_60 step %scan3A_61  : i32 {
      %mul3A_70 = arith.constant 1 : i32
      %mul3A_71 = arith.muli %scan3A_69, %mul3A_70 : i32
      %add3A_72 = arith.constant 0 : i32
      %add3A_73 = arith.addi %add3A_72, %mul3A_71 : i32
      %mul3A_74 = arith.constant 8 : i32
      %mul3A_75 = arith.muli %add3A_73, %mul3A_74 : i32
      %add3A_76 = arith.constant 0 : i32
      %add3A_77 = arith.addi %mul3A_75, %add3A_76 : i32
      %dma_wait3A = arith.constant 0 : i32
      %dma_wait3A_78 = tpu.memref_slice %arg6[%add3A_77, %dma_wait3A] : memref<80x128xi32, #tpu.memory_space<vmem>> -> memref<1x128xi32, #tpu.memory_space<vmem>>
      %dma_wait3A_79 = tpu.memref_squeeze %dma_wait3A_78 : memref<1x128xi32, #tpu.memory_space<vmem>> -> memref<128xi32, #tpu.memory_space<vmem>>
      %dma_wait3A_80 = arith.constant 0 : i32
      %dma_wait3A_81 = arith.constant 0 : i32
      %dma_wait3A_82 = tpu.memref_slice %arg2[%dma_wait3A_80, %dma_wait3A_81] : memref<10000x48xbf16, #tpu.memory_space<hbm>> -> memref<10000x48xbf16, #tpu.memory_space<hbm>>
      tpu.wait_indirect_dma semaphore(%arg18 : memref<!tpu.dma_semaphore, #tpu.memory_space<semaphore_mem>>) src(%dma_wait3A_82 : memref<10000x48xbf16, #tpu.memory_space<hbm>>) dst(%arg8 : memref<128x48xbf16, #tpu.memory_space<vmem>>)
      %add3A_83 = arith.constant 8 : i32
      %add3A_84 = arith.addi %add3A_77, %add3A_83 : i32
      %sub3A = arith.constant 1 : i32
      %sub3A_85 = arith.subi %add3A_84, %sub3A : i32
      %lt3A = arith.constant 80 : i32
      %lt3A_86 = arith.cmpi slt, %sub3A_85, %lt3A : i32
      %convert_element_type3A = arith.extui %lt3A_86 : i1 to i32
      %cond3A = arith.constant 0 : i32
      %cond3A_87 = arith.cmpi ne, %convert_element_type3A, %cond3A : i32
      scf.if %cond3A_87 {
        %dma_start3A_207 = arith.constant 0 : i32
        %dma_start3A_208 = tpu.memref_slice %arg6[%sub3A_85, %dma_start3A_207] : memref<80x128xi32, #tpu.memory_space<vmem>> -> memref<1x128xi32, #tpu.memory_space<vmem>>
        %dma_start3A_209 = tpu.memref_squeeze %dma_start3A_208 : memref<1x128xi32, #tpu.memory_space<vmem>> -> memref<128xi32, #tpu.memory_space<vmem>>
        %dma_start3A_210 = arith.constant 0 : i32
        %dma_start3A_211 = arith.constant 0 : i32
        %dma_start3A_212 = tpu.memref_slice %arg2[%dma_start3A_210, %dma_start3A_211] : memref<10000x48xbf16, #tpu.memory_space<hbm>> -> memref<10000x48xbf16, #tpu.memory_space<hbm>>
        tpu.enqueue_indirect_dma source(%dma_start3A_212 : memref<10000x48xbf16, #tpu.memory_space<hbm>>) target(%arg15 : memref<128x48xbf16, #tpu.memory_space<vmem>>) offsets(%dma_start3A_209 : memref<128xi32, #tpu.memory_space<vmem>>) semaphore(%arg25 : memref<!tpu.dma_semaphore, #tpu.memory_space<semaphore_mem>>)
      } else {
      }
      "tpu.region"() ({
        %run_scoped3A = tpu.sem_alloc : memref<!tpu.dma_semaphore, #tpu.memory_space<semaphore_mem>>
        %dma_start3A_207 = arith.constant 0 : i32
        %dma_start3A_208 = tpu.memref_slice %arg7[%add3A_77, %dma_start3A_207] : memref<80x128xi32, #tpu.memory_space<vmem>> -> memref<1x128xi32, #tpu.memory_space<vmem>>
        %dma_start3A_209 = tpu.memref_squeeze %dma_start3A_208 : memref<1x128xi32, #tpu.memory_space<vmem>> -> memref<128xi32, #tpu.memory_space<vmem>>
        %dma_start3A_210 = arith.constant 0 : i32
        %dma_start3A_211 = arith.constant 0 : i32
        %dma_start3A_212 = tpu.memref_slice %arg17[%dma_start3A_210, %dma_start3A_211] : memref<10240x48xbf16, #tpu.memory_space<vmem_shared>> -> memref<10240x48xbf16, #tpu.memory_space<vmem_shared>>
        tpu.enqueue_indirect_dma source(%arg8 : memref<128x48xbf16, #tpu.memory_space<vmem>>) target(%dma_start3A_212 : memref<10240x48xbf16, #tpu.memory_space<vmem_shared>>) offsets(%dma_start3A_209 : memref<128xi32, #tpu.memory_space<vmem>>) semaphore(%run_scoped3A : memref<!tpu.dma_semaphore, #tpu.memory_space<semaphore_mem>>) {add = true}
        %dma_wait3A_213 = arith.constant 0 : i32
        %dma_wait3A_214 = tpu.memref_slice %arg7[%add3A_77, %dma_wait3A_213] : memref<80x128xi32, #tpu.memory_space<vmem>> -> memref<1x128xi32, #tpu.memory_space<vmem>>
        %dma_wait3A_215 = tpu.memref_squeeze %dma_wait3A_214 : memref<1x128xi32, #tpu.memory_space<vmem>> -> memref<128xi32, #tpu.memory_space<vmem>>
        %dma_wait3A_216 = arith.constant 0 : i32
        %dma_wait3A_217 = arith.constant 0 : i32
        %dma_wait3A_218 = tpu.memref_slice %arg17[%dma_wait3A_216, %dma_wait3A_217] : memref<10240x48xbf16, #tpu.memory_space<vmem_shared>> -> memref<10240x48xbf16, #tpu.memory_space<vmem_shared>>
        tpu.wait_indirect_dma semaphore(%run_scoped3A : memref<!tpu.dma_semaphore, #tpu.memory_space<semaphore_mem>>) src(%arg8 : memref<128x48xbf16, #tpu.memory_space<vmem>>) dst(%dma_wait3A_218 : memref<10240x48xbf16, #tpu.memory_space<vmem_shared>>)
        tpu.yield
      }) : () -> ()
      %add3A_88 = arith.constant 1 : i32
      %add3A_89 = arith.addi %mul3A_75, %add3A_88 : i32
      %dma_wait3A_90 = arith.constant 0 : i32
      %dma_wait3A_91 = tpu.memref_slice %arg6[%add3A_89, %dma_wait3A_90] : memref<80x128xi32, #tpu.memory_space<vmem>> -> memref<1x128xi32, #tpu.memory_space<vmem>>
      %dma_wait3A_92 = tpu.memref_squeeze %dma_wait3A_91 : memref<1x128xi32, #tpu.memory_space<vmem>> -> memref<128xi32, #tpu.memory_space<vmem>>
      %dma_wait3A_93 = arith.constant 0 : i32
      %dma_wait3A_94 = arith.constant 0 : i32
      %dma_wait3A_95 = tpu.memref_slice %arg2[%dma_wait3A_93, %dma_wait3A_94] : memref<10000x48xbf16, #tpu.memory_space<hbm>> -> memref<10000x48xbf16, #tpu.memory_space<hbm>>
      tpu.wait_indirect_dma semaphore(%arg19 : memref<!tpu.dma_semaphore, #tpu.memory_space<semaphore_mem>>) src(%dma_wait3A_95 : memref<10000x48xbf16, #tpu.memory_space<hbm>>) dst(%arg9 : memref<128x48xbf16, #tpu.memory_space<vmem>>)
      %add3A_96 = arith.constant 8 : i32
      %add3A_97 = arith.addi %add3A_89, %add3A_96 : i32
      %sub3A_98 = arith.constant 1 : i32
      %sub3A_99 = arith.subi %add3A_97, %sub3A_98 : i32
      %lt3A_100 = arith.constant 80 : i32
      %lt3A_101 = arith.cmpi slt, %sub3A_99, %lt3A_100 : i32
      %convert_element_type3A_102 = arith.extui %lt3A_101 : i1 to i32
      %cond3A_103 = arith.constant 0 : i32
      %cond3A_104 = arith.cmpi ne, %convert_element_type3A_102, %cond3A_103 : i32
      scf.if %cond3A_104 {
        %dma_start3A_207 = arith.constant 0 : i32
        %dma_start3A_208 = tpu.memref_slice %arg6[%sub3A_99, %dma_start3A_207] : memref<80x128xi32, #tpu.memory_space<vmem>> -> memref<1x128xi32, #tpu.memory_space<vmem>>
        %dma_start3A_209 = tpu.memref_squeeze %dma_start3A_208 : memref<1x128xi32, #tpu.memory_space<vmem>> -> memref<128xi32, #tpu.memory_space<vmem>>
        %dma_start3A_210 = arith.constant 0 : i32
        %dma_start3A_211 = arith.constant 0 : i32
        %dma_start3A_212 = tpu.memref_slice %arg2[%dma_start3A_210, %dma_start3A_211] : memref<10000x48xbf16, #tpu.memory_space<hbm>> -> memref<10000x48xbf16, #tpu.memory_space<hbm>>
        tpu.enqueue_indirect_dma source(%dma_start3A_212 : memref<10000x48xbf16, #tpu.memory_space<hbm>>) target(%arg8 : memref<128x48xbf16, #tpu.memory_space<vmem>>) offsets(%dma_start3A_209 : memref<128xi32, #tpu.memory_space<vmem>>) semaphore(%arg18 : memref<!tpu.dma_semaphore, #tpu.memory_space<semaphore_mem>>)
      } else {
      }
      "tpu.region"() ({
        %run_scoped3A = tpu.sem_alloc : memref<!tpu.dma_semaphore, #tpu.memory_space<semaphore_mem>>
        %dma_start3A_207 = arith.constant 0 : i32
        %dma_start3A_208 = tpu.memref_slice %arg7[%add3A_89, %dma_start3A_207] : memref<80x128xi32, #tpu.memory_space<vmem>> -> memref<1x128xi32, #tpu.memory_space<vmem>>
        %dma_start3A_209 = tpu.memref_squeeze %dma_start3A_208 : memref<1x128xi32, #tpu.memory_space<vmem>> -> memref<128xi32, #tpu.memory_space<vmem>>
        %dma_start3A_210 = arith.constant 0 : i32
        %dma_start3A_211 = arith.constant 0 : i32
        %dma_start3A_212 = tpu.memref_slice %arg17[%dma_start3A_210, %dma_start3A_211] : memref<10240x48xbf16, #tpu.memory_space<vmem_shared>> -> memref<10240x48xbf16, #tpu.memory_space<vmem_shared>>
        tpu.enqueue_indirect_dma source(%arg9 : memref<128x48xbf16, #tpu.memory_space<vmem>>) target(%dma_start3A_212 : memref<10240x48xbf16, #tpu.memory_space<vmem_shared>>) offsets(%dma_start3A_209 : memref<128xi32, #tpu.memory_space<vmem>>) semaphore(%run_scoped3A : memref<!tpu.dma_semaphore, #tpu.memory_space<semaphore_mem>>) {add = true}
        %dma_wait3A_213 = arith.constant 0 : i32
        %dma_wait3A_214 = tpu.memref_slice %arg7[%add3A_89, %dma_wait3A_213] : memref<80x128xi32, #tpu.memory_space<vmem>> -> memref<1x128xi32, #tpu.memory_space<vmem>>
        %dma_wait3A_215 = tpu.memref_squeeze %dma_wait3A_214 : memref<1x128xi32, #tpu.memory_space<vmem>> -> memref<128xi32, #tpu.memory_space<vmem>>
        %dma_wait3A_216 = arith.constant 0 : i32
        %dma_wait3A_217 = arith.constant 0 : i32
        %dma_wait3A_218 = tpu.memref_slice %arg17[%dma_wait3A_216, %dma_wait3A_217] : memref<10240x48xbf16, #tpu.memory_space<vmem_shared>> -> memref<10240x48xbf16, #tpu.memory_space<vmem_shared>>
        tpu.wait_indirect_dma semaphore(%run_scoped3A : memref<!tpu.dma_semaphore, #tpu.memory_space<semaphore_mem>>) src(%arg9 : memref<128x48xbf16, #tpu.memory_space<vmem>>) dst(%dma_wait3A_218 : memref<10240x48xbf16, #tpu.memory_space<vmem_shared>>)
        tpu.yield
      }) : () -> ()
      %add3A_105 = arith.constant 2 : i32
      %add3A_106 = arith.addi %mul3A_75, %add3A_105 : i32
      %dma_wait3A_107 = arith.constant 0 : i32
      %dma_wait3A_108 = tpu.memref_slice %arg6[%add3A_106, %dma_wait3A_107] : memref<80x128xi32, #tpu.memory_space<vmem>> -> memref<1x128xi32, #tpu.memory_space<vmem>>
      %dma_wait3A_109 = tpu.memref_squeeze %dma_wait3A_108 : memref<1x128xi32, #tpu.memory_space<vmem>> -> memref<128xi32, #tpu.memory_space<vmem>>
      %dma_wait3A_110 = arith.constant 0 : i32
      %dma_wait3A_111 = arith.constant 0 : i32
      %dma_wait3A_112 = tpu.memref_slice %arg2[%dma_wait3A_110, %dma_wait3A_111] : memref<10000x48xbf16, #tpu.memory_space<hbm>> -> memref<10000x48xbf16, #tpu.memory_space<hbm>>
      tpu.wait_indirect_dma semaphore(%arg20 : memref<!tpu.dma_semaphore, #tpu.memory_space<semaphore_mem>>) src(%dma_wait3A_112 : memref<10000x48xbf16, #tpu.memory_space<hbm>>) dst(%arg10 : memref<128x48xbf16, #tpu.memory_space<vmem>>)
      %add3A_113 = arith.constant 8 : i32
      %add3A_114 = arith.addi %add3A_106, %add3A_113 : i32
      %sub3A_115 = arith.constant 1 : i32
      %sub3A_116 = arith.subi %add3A_114, %sub3A_115 : i32
      %lt3A_117 = arith.constant 80 : i32
      %lt3A_118 = arith.cmpi slt, %sub3A_116, %lt3A_117 : i32
      %convert_element_type3A_119 = arith.extui %lt3A_118 : i1 to i32
      %cond3A_120 = arith.constant 0 : i32
      %cond3A_121 = arith.cmpi ne, %convert_element_type3A_119, %cond3A_120 : i32
      scf.if %cond3A_121 {
        %dma_start3A_207 = arith.constant 0 : i32
        %dma_start3A_208 = tpu.memref_slice %arg6[%sub3A_116, %dma_start3A_207] : memref<80x128xi32, #tpu.memory_space<vmem>> -> memref<1x128xi32, #tpu.memory_space<vmem>>
        %dma_start3A_209 = tpu.memref_squeeze %dma_start3A_208 : memref<1x128xi32, #tpu.memory_space<vmem>> -> memref<128xi32, #tpu.memory_space<vmem>>
        %dma_start3A_210 = arith.constant 0 : i32
        %dma_start3A_211 = arith.constant 0 : i32
        %dma_start3A_212 = tpu.memref_slice %arg2[%dma_start3A_210, %dma_start3A_211] : memref<10000x48xbf16, #tpu.memory_space<hbm>> -> memref<10000x48xbf16, #tpu.memory_space<hbm>>
        tpu.enqueue_indirect_dma source(%dma_start3A_212 : memref<10000x48xbf16, #tpu.memory_space<hbm>>) target(%arg9 : memref<128x48xbf16, #tpu.memory_space<vmem>>) offsets(%dma_start3A_209 : memref<128xi32, #tpu.memory_space<vmem>>) semaphore(%arg19 : memref<!tpu.dma_semaphore, #tpu.memory_space<semaphore_mem>>)
      } else {
      }
      "tpu.region"() ({
        %run_scoped3A = tpu.sem_alloc : memref<!tpu.dma_semaphore, #tpu.memory_space<semaphore_mem>>
        %dma_start3A_207 = arith.constant 0 : i32
        %dma_start3A_208 = tpu.memref_slice %arg7[%add3A_106, %dma_start3A_207] : memref<80x128xi32, #tpu.memory_space<vmem>> -> memref<1x128xi32, #tpu.memory_space<vmem>>
        %dma_start3A_209 = tpu.memref_squeeze %dma_start3A_208 : memref<1x128xi32, #tpu.memory_space<vmem>> -> memref<128xi32, #tpu.memory_space<vmem>>
        %dma_start3A_210 = arith.constant 0 : i32
        %dma_start3A_211 = arith.constant 0 : i32
        %dma_start3A_212 = tpu.memref_slice %arg17[%dma_start3A_210, %dma_start3A_211] : memref<10240x48xbf16, #tpu.memory_space<vmem_shared>> -> memref<10240x48xbf16, #tpu.memory_space<vmem_shared>>
        tpu.enqueue_indirect_dma source(%arg10 : memref<128x48xbf16, #tpu.memory_space<vmem>>) target(%dma_start3A_212 : memref<10240x48xbf16, #tpu.memory_space<vmem_shared>>) offsets(%dma_start3A_209 : memref<128xi32, #tpu.memory_space<vmem>>) semaphore(%run_scoped3A : memref<!tpu.dma_semaphore, #tpu.memory_space<semaphore_mem>>) {add = true}
        %dma_wait3A_213 = arith.constant 0 : i32
        %dma_wait3A_214 = tpu.memref_slice %arg7[%add3A_106, %dma_wait3A_213] : memref<80x128xi32, #tpu.memory_space<vmem>> -> memref<1x128xi32, #tpu.memory_space<vmem>>
        %dma_wait3A_215 = tpu.memref_squeeze %dma_wait3A_214 : memref<1x128xi32, #tpu.memory_space<vmem>> -> memref<128xi32, #tpu.memory_space<vmem>>
        %dma_wait3A_216 = arith.constant 0 : i32
        %dma_wait3A_217 = arith.constant 0 : i32
        %dma_wait3A_218 = tpu.memref_slice %arg17[%dma_wait3A_216, %dma_wait3A_217] : memref<10240x48xbf16, #tpu.memory_space<vmem_shared>> -> memref<10240x48xbf16, #tpu.memory_space<vmem_shared>>
        tpu.wait_indirect_dma semaphore(%run_scoped3A : memref<!tpu.dma_semaphore, #tpu.memory_space<semaphore_mem>>) src(%arg10 : memref<128x48xbf16, #tpu.memory_space<vmem>>) dst(%dma_wait3A_218 : memref<10240x48xbf16, #tpu.memory_space<vmem_shared>>)
        tpu.yield
      }) : () -> ()
      %add3A_122 = arith.constant 3 : i32
      %add3A_123 = arith.addi %mul3A_75, %add3A_122 : i32
      %dma_wait3A_124 = arith.constant 0 : i32
      %dma_wait3A_125 = tpu.memref_slice %arg6[%add3A_123, %dma_wait3A_124] : memref<80x128xi32, #tpu.memory_space<vmem>> -> memref<1x128xi32, #tpu.memory_space<vmem>>
      %dma_wait3A_126 = tpu.memref_squeeze %dma_wait3A_125 : memref<1x128xi32, #tpu.memory_space<vmem>> -> memref<128xi32, #tpu.memory_space<vmem>>
      %dma_wait3A_127 = arith.constant 0 : i32
      %dma_wait3A_128 = arith.constant 0 : i32
      %dma_wait3A_129 = tpu.memref_slice %arg2[%dma_wait3A_127, %dma_wait3A_128] : memref<10000x48xbf16, #tpu.memory_space<hbm>> -> memref<10000x48xbf16, #tpu.memory_space<hbm>>
      tpu.wait_indirect_dma semaphore(%arg21 : memref<!tpu.dma_semaphore, #tpu.memory_space<semaphore_mem>>) src(%dma_wait3A_129 : memref<10000x48xbf16, #tpu.memory_space<hbm>>) dst(%arg11 : memref<128x48xbf16, #tpu.memory_space<vmem>>)
      %add3A_130 = arith.constant 8 : i32
      %add3A_131 = arith.addi %add3A_123, %add3A_130 : i32
      %sub3A_132 = arith.constant 1 : i32
      %sub3A_133 = arith.subi %add3A_131, %sub3A_132 : i32
      %lt3A_134 = arith.constant 80 : i32
      %lt3A_135 = arith.cmpi slt, %sub3A_133, %lt3A_134 : i32
      %convert_element_type3A_136 = arith.extui %lt3A_135 : i1 to i32
      %cond3A_137 = arith.constant 0 : i32
      %cond3A_138 = arith.cmpi ne, %convert_element_type3A_136, %cond3A_137 : i32
      scf.if %cond3A_138 {
        %dma_start3A_207 = arith.constant 0 : i32
        %dma_start3A_208 = tpu.memref_slice %arg6[%sub3A_133, %dma_start3A_207] : memref<80x128xi32, #tpu.memory_space<vmem>> -> memref<1x128xi32, #tpu.memory_space<vmem>>
        %dma_start3A_209 = tpu.memref_squeeze %dma_start3A_208 : memref<1x128xi32, #tpu.memory_space<vmem>> -> memref<128xi32, #tpu.memory_space<vmem>>
        %dma_start3A_210 = arith.constant 0 : i32
        %dma_start3A_211 = arith.constant 0 : i32
        %dma_start3A_212 = tpu.memref_slice %arg2[%dma_start3A_210, %dma_start3A_211] : memref<10000x48xbf16, #tpu.memory_space<hbm>> -> memref<10000x48xbf16, #tpu.memory_space<hbm>>
        tpu.enqueue_indirect_dma source(%dma_start3A_212 : memref<10000x48xbf16, #tpu.memory_space<hbm>>) target(%arg10 : memref<128x48xbf16, #tpu.memory_space<vmem>>) offsets(%dma_start3A_209 : memref<128xi32, #tpu.memory_space<vmem>>) semaphore(%arg20 : memref<!tpu.dma_semaphore, #tpu.memory_space<semaphore_mem>>)
      } else {
      }
      "tpu.region"() ({
        %run_scoped3A = tpu.sem_alloc : memref<!tpu.dma_semaphore, #tpu.memory_space<semaphore_mem>>
        %dma_start3A_207 = arith.constant 0 : i32
        %dma_start3A_208 = tpu.memref_slice %arg7[%add3A_123, %dma_start3A_207] : memref<80x128xi32, #tpu.memory_space<vmem>> -> memref<1x128xi32, #tpu.memory_space<vmem>>
        %dma_start3A_209 = tpu.memref_squeeze %dma_start3A_208 : memref<1x128xi32, #tpu.memory_space<vmem>> -> memref<128xi32, #tpu.memory_space<vmem>>
        %dma_start3A_210 = arith.constant 0 : i32
        %dma_start3A_211 = arith.constant 0 : i32
        %dma_start3A_212 = tpu.memref_slice %arg17[%dma_start3A_210, %dma_start3A_211] : memref<10240x48xbf16, #tpu.memory_space<vmem_shared>> -> memref<10240x48xbf16, #tpu.memory_space<vmem_shared>>
        tpu.enqueue_indirect_dma source(%arg11 : memref<128x48xbf16, #tpu.memory_space<vmem>>) target(%dma_start3A_212 : memref<10240x48xbf16, #tpu.memory_space<vmem_shared>>) offsets(%dma_start3A_209 : memref<128xi32, #tpu.memory_space<vmem>>) semaphore(%run_scoped3A : memref<!tpu.dma_semaphore, #tpu.memory_space<semaphore_mem>>) {add = true}
        %dma_wait3A_213 = arith.constant 0 : i32
        %dma_wait3A_214 = tpu.memref_slice %arg7[%add3A_123, %dma_wait3A_213] : memref<80x128xi32, #tpu.memory_space<vmem>> -> memref<1x128xi32, #tpu.memory_space<vmem>>
        %dma_wait3A_215 = tpu.memref_squeeze %dma_wait3A_214 : memref<1x128xi32, #tpu.memory_space<vmem>> -> memref<128xi32, #tpu.memory_space<vmem>>
        %dma_wait3A_216 = arith.constant 0 : i32
        %dma_wait3A_217 = arith.constant 0 : i32
        %dma_wait3A_218 = tpu.memref_slice %arg17[%dma_wait3A_216, %dma_wait3A_217] : memref<10240x48xbf16, #tpu.memory_space<vmem_shared>> -> memref<10240x48xbf16, #tpu.memory_space<vmem_shared>>
        tpu.wait_indirect_dma semaphore(%run_scoped3A : memref<!tpu.dma_semaphore, #tpu.memory_space<semaphore_mem>>) src(%arg11 : memref<128x48xbf16, #tpu.memory_space<vmem>>) dst(%dma_wait3A_218 : memref<10240x48xbf16, #tpu.memory_space<vmem_shared>>)
        tpu.yield
      }) : () -> ()
      %add3A_139 = arith.constant 4 : i32
      %add3A_140 = arith.addi %mul3A_75, %add3A_139 : i32
      %dma_wait3A_141 = arith.constant 0 : i32
      %dma_wait3A_142 = tpu.memref_slice %arg6[%add3A_140, %dma_wait3A_141] : memref<80x128xi32, #tpu.memory_space<vmem>> -> memref<1x128xi32, #tpu.memory_space<vmem>>
      %dma_wait3A_143 = tpu.memref_squeeze %dma_wait3A_142 : memref<1x128xi32, #tpu.memory_space<vmem>> -> memref<128xi32, #tpu.memory_space<vmem>>
      %dma_wait3A_144 = arith.constant 0 : i32
      %dma_wait3A_145 = arith.constant 0 : i32
      %dma_wait3A_146 = tpu.memref_slice %arg2[%dma_wait3A_144, %dma_wait3A_145] : memref<10000x48xbf16, #tpu.memory_space<hbm>> -> memref<10000x48xbf16, #tpu.memory_space<hbm>>
      tpu.wait_indirect_dma semaphore(%arg22 : memref<!tpu.dma_semaphore, #tpu.memory_space<semaphore_mem>>) src(%dma_wait3A_146 : memref<10000x48xbf16, #tpu.memory_space<hbm>>) dst(%arg12 : memref<128x48xbf16, #tpu.memory_space<vmem>>)
      %add3A_147 = arith.constant 8 : i32
      %add3A_148 = arith.addi %add3A_140, %add3A_147 : i32
      %sub3A_149 = arith.constant 1 : i32
      %sub3A_150 = arith.subi %add3A_148, %sub3A_149 : i32
      %lt3A_151 = arith.constant 80 : i32
      %lt3A_152 = arith.cmpi slt, %sub3A_150, %lt3A_151 : i32
      %convert_element_type3A_153 = arith.extui %lt3A_152 : i1 to i32
      %cond3A_154 = arith.constant 0 : i32
      %cond3A_155 = arith.cmpi ne, %convert_element_type3A_153, %cond3A_154 : i32
      scf.if %cond3A_155 {
        %dma_start3A_207 = arith.constant 0 : i32
        %dma_start3A_208 = tpu.memref_slice %arg6[%sub3A_150, %dma_start3A_207] : memref<80x128xi32, #tpu.memory_space<vmem>> -> memref<1x128xi32, #tpu.memory_space<vmem>>
        %dma_start3A_209 = tpu.memref_squeeze %dma_start3A_208 : memref<1x128xi32, #tpu.memory_space<vmem>> -> memref<128xi32, #tpu.memory_space<vmem>>
        %dma_start3A_210 = arith.constant 0 : i32
        %dma_start3A_211 = arith.constant 0 : i32
        %dma_start3A_212 = tpu.memref_slice %arg2[%dma_start3A_210, %dma_start3A_211] : memref<10000x48xbf16, #tpu.memory_space<hbm>> -> memref<10000x48xbf16, #tpu.memory_space<hbm>>
        tpu.enqueue_indirect_dma source(%dma_start3A_212 : memref<10000x48xbf16, #tpu.memory_space<hbm>>) target(%arg11 : memref<128x48xbf16, #tpu.memory_space<vmem>>) offsets(%dma_start3A_209 : memref<128xi32, #tpu.memory_space<vmem>>) semaphore(%arg21 : memref<!tpu.dma_semaphore, #tpu.memory_space<semaphore_mem>>)
      } else {
      }
      "tpu.region"() ({
        %run_scoped3A = tpu.sem_alloc : memref<!tpu.dma_semaphore, #tpu.memory_space<semaphore_mem>>
        %dma_start3A_207 = arith.constant 0 : i32
        %dma_start3A_208 = tpu.memref_slice %arg7[%add3A_140, %dma_start3A_207] : memref<80x128xi32, #tpu.memory_space<vmem>> -> memref<1x128xi32, #tpu.memory_space<vmem>>
        %dma_start3A_209 = tpu.memref_squeeze %dma_start3A_208 : memref<1x128xi32, #tpu.memory_space<vmem>> -> memref<128xi32, #tpu.memory_space<vmem>>
        %dma_start3A_210 = arith.constant 0 : i32
        %dma_start3A_211 = arith.constant 0 : i32
        %dma_start3A_212 = tpu.memref_slice %arg17[%dma_start3A_210, %dma_start3A_211] : memref<10240x48xbf16, #tpu.memory_space<vmem_shared>> -> memref<10240x48xbf16, #tpu.memory_space<vmem_shared>>
        tpu.enqueue_indirect_dma source(%arg12 : memref<128x48xbf16, #tpu.memory_space<vmem>>) target(%dma_start3A_212 : memref<10240x48xbf16, #tpu.memory_space<vmem_shared>>) offsets(%dma_start3A_209 : memref<128xi32, #tpu.memory_space<vmem>>) semaphore(%run_scoped3A : memref<!tpu.dma_semaphore, #tpu.memory_space<semaphore_mem>>) {add = true}
        %dma_wait3A_213 = arith.constant 0 : i32
        %dma_wait3A_214 = tpu.memref_slice %arg7[%add3A_140, %dma_wait3A_213] : memref<80x128xi32, #tpu.memory_space<vmem>> -> memref<1x128xi32, #tpu.memory_space<vmem>>
        %dma_wait3A_215 = tpu.memref_squeeze %dma_wait3A_214 : memref<1x128xi32, #tpu.memory_space<vmem>> -> memref<128xi32, #tpu.memory_space<vmem>>
        %dma_wait3A_216 = arith.constant 0 : i32
        %dma_wait3A_217 = arith.constant 0 : i32
        %dma_wait3A_218 = tpu.memref_slice %arg17[%dma_wait3A_216, %dma_wait3A_217] : memref<10240x48xbf16, #tpu.memory_space<vmem_shared>> -> memref<10240x48xbf16, #tpu.memory_space<vmem_shared>>
        tpu.wait_indirect_dma semaphore(%run_scoped3A : memref<!tpu.dma_semaphore, #tpu.memory_space<semaphore_mem>>) src(%arg12 : memref<128x48xbf16, #tpu.memory_space<vmem>>) dst(%dma_wait3A_218 : memref<10240x48xbf16, #tpu.memory_space<vmem_shared>>)
        tpu.yield
      }) : () -> ()
      %add3A_156 = arith.constant 5 : i32
      %add3A_157 = arith.addi %mul3A_75, %add3A_156 : i32
      %dma_wait3A_158 = arith.constant 0 : i32
      %dma_wait3A_159 = tpu.memref_slice %arg6[%add3A_157, %dma_wait3A_158] : memref<80x128xi32, #tpu.memory_space<vmem>> -> memref<1x128xi32, #tpu.memory_space<vmem>>
      %dma_wait3A_160 = tpu.memref_squeeze %dma_wait3A_159 : memref<1x128xi32, #tpu.memory_space<vmem>> -> memref<128xi32, #tpu.memory_space<vmem>>
      %dma_wait3A_161 = arith.constant 0 : i32
      %dma_wait3A_162 = arith.constant 0 : i32
      %dma_wait3A_163 = tpu.memref_slice %arg2[%dma_wait3A_161, %dma_wait3A_162] : memref<10000x48xbf16, #tpu.memory_space<hbm>> -> memref<10000x48xbf16, #tpu.memory_space<hbm>>
      tpu.wait_indirect_dma semaphore(%arg23 : memref<!tpu.dma_semaphore, #tpu.memory_space<semaphore_mem>>) src(%dma_wait3A_163 : memref<10000x48xbf16, #tpu.memory_space<hbm>>) dst(%arg13 : memref<128x48xbf16, #tpu.memory_space<vmem>>)
      %add3A_164 = arith.constant 8 : i32
      %add3A_165 = arith.addi %add3A_157, %add3A_164 : i32
      %sub3A_166 = arith.constant 1 : i32
      %sub3A_167 = arith.subi %add3A_165, %sub3A_166 : i32
      %lt3A_168 = arith.constant 80 : i32
      %lt3A_169 = arith.cmpi slt, %sub3A_167, %lt3A_168 : i32
      %convert_element_type3A_170 = arith.extui %lt3A_169 : i1 to i32
      %cond3A_171 = arith.constant 0 : i32
      %cond3A_172 = arith.cmpi ne, %convert_element_type3A_170, %cond3A_171 : i32
      scf.if %cond3A_172 {
        %dma_start3A_207 = arith.constant 0 : i32
        %dma_start3A_208 = tpu.memref_slice %arg6[%sub3A_167, %dma_start3A_207] : memref<80x128xi32, #tpu.memory_space<vmem>> -> memref<1x128xi32, #tpu.memory_space<vmem>>
        %dma_start3A_209 = tpu.memref_squeeze %dma_start3A_208 : memref<1x128xi32, #tpu.memory_space<vmem>> -> memref<128xi32, #tpu.memory_space<vmem>>
        %dma_start3A_210 = arith.constant 0 : i32
        %dma_start3A_211 = arith.constant 0 : i32
        %dma_start3A_212 = tpu.memref_slice %arg2[%dma_start3A_210, %dma_start3A_211] : memref<10000x48xbf16, #tpu.memory_space<hbm>> -> memref<10000x48xbf16, #tpu.memory_space<hbm>>
        tpu.enqueue_indirect_dma source(%dma_start3A_212 : memref<10000x48xbf16, #tpu.memory_space<hbm>>) target(%arg12 : memref<128x48xbf16, #tpu.memory_space<vmem>>) offsets(%dma_start3A_209 : memref<128xi32, #tpu.memory_space<vmem>>) semaphore(%arg22 : memref<!tpu.dma_semaphore, #tpu.memory_space<semaphore_mem>>)
      } else {
      }
      "tpu.region"() ({
        %run_scoped3A = tpu.sem_alloc : memref<!tpu.dma_semaphore, #tpu.memory_space<semaphore_mem>>
        %dma_start3A_207 = arith.constant 0 : i32
        %dma_start3A_208 = tpu.memref_slice %arg7[%add3A_157, %dma_start3A_207] : memref<80x128xi32, #tpu.memory_space<vmem>> -> memref<1x128xi32, #tpu.memory_space<vmem>>
        %dma_start3A_209 = tpu.memref_squeeze %dma_start3A_208 : memref<1x128xi32, #tpu.memory_space<vmem>> -> memref<128xi32, #tpu.memory_space<vmem>>
        %dma_start3A_210 = arith.constant 0 : i32
        %dma_start3A_211 = arith.constant 0 : i32
        %dma_start3A_212 = tpu.memref_slice %arg17[%dma_start3A_210, %dma_start3A_211] : memref<10240x48xbf16, #tpu.memory_space<vmem_shared>> -> memref<10240x48xbf16, #tpu.memory_space<vmem_shared>>
        tpu.enqueue_indirect_dma source(%arg13 : memref<128x48xbf16, #tpu.memory_space<vmem>>) target(%dma_start3A_212 : memref<10240x48xbf16, #tpu.memory_space<vmem_shared>>) offsets(%dma_start3A_209 : memref<128xi32, #tpu.memory_space<vmem>>) semaphore(%run_scoped3A : memref<!tpu.dma_semaphore, #tpu.memory_space<semaphore_mem>>) {add = true}
        %dma_wait3A_213 = arith.constant 0 : i32
        %dma_wait3A_214 = tpu.memref_slice %arg7[%add3A_157, %dma_wait3A_213] : memref<80x128xi32, #tpu.memory_space<vmem>> -> memref<1x128xi32, #tpu.memory_space<vmem>>
        %dma_wait3A_215 = tpu.memref_squeeze %dma_wait3A_214 : memref<1x128xi32, #tpu.memory_space<vmem>> -> memref<128xi32, #tpu.memory_space<vmem>>
        %dma_wait3A_216 = arith.constant 0 : i32
        %dma_wait3A_217 = arith.constant 0 : i32
        %dma_wait3A_218 = tpu.memref_slice %arg17[%dma_wait3A_216, %dma_wait3A_217] : memref<10240x48xbf16, #tpu.memory_space<vmem_shared>> -> memref<10240x48xbf16, #tpu.memory_space<vmem_shared>>
        tpu.wait_indirect_dma semaphore(%run_scoped3A : memref<!tpu.dma_semaphore, #tpu.memory_space<semaphore_mem>>) src(%arg13 : memref<128x48xbf16, #tpu.memory_space<vmem>>) dst(%dma_wait3A_218 : memref<10240x48xbf16, #tpu.memory_space<vmem_shared>>)
        tpu.yield
      }) : () -> ()
      %add3A_173 = arith.constant 6 : i32
      %add3A_174 = arith.addi %mul3A_75, %add3A_173 : i32
      %dma_wait3A_175 = arith.constant 0 : i32
      %dma_wait3A_176 = tpu.memref_slice %arg6[%add3A_174, %dma_wait3A_175] : memref<80x128xi32, #tpu.memory_space<vmem>> -> memref<1x128xi32, #tpu.memory_space<vmem>>
      %dma_wait3A_177 = tpu.memref_squeeze %dma_wait3A_176 : memref<1x128xi32, #tpu.memory_space<vmem>> -> memref<128xi32, #tpu.memory_space<vmem>>
      %dma_wait3A_178 = arith.constant 0 : i32
      %dma_wait3A_179 = arith.constant 0 : i32
      %dma_wait3A_180 = tpu.memref_slice %arg2[%dma_wait3A_178, %dma_wait3A_179] : memref<10000x48xbf16, #tpu.memory_space<hbm>> -> memref<10000x48xbf16, #tpu.memory_space<hbm>>
      tpu.wait_indirect_dma semaphore(%arg24 : memref<!tpu.dma_semaphore, #tpu.memory_space<semaphore_mem>>) src(%dma_wait3A_180 : memref<10000x48xbf16, #tpu.memory_space<hbm>>) dst(%arg14 : memref<128x48xbf16, #tpu.memory_space<vmem>>)
      %add3A_181 = arith.constant 8 : i32
      %add3A_182 = arith.addi %add3A_174, %add3A_181 : i32
      %sub3A_183 = arith.constant 1 : i32
      %sub3A_184 = arith.subi %add3A_182, %sub3A_183 : i32
      %lt3A_185 = arith.constant 80 : i32
      %lt3A_186 = arith.cmpi slt, %sub3A_184, %lt3A_185 : i32
      %convert_element_type3A_187 = arith.extui %lt3A_186 : i1 to i32
      %cond3A_188 = arith.constant 0 : i32
      %cond3A_189 = arith.cmpi ne, %convert_element_type3A_187, %cond3A_188 : i32
      scf.if %cond3A_189 {
        %dma_start3A_207 = arith.constant 0 : i32
        %dma_start3A_208 = tpu.memref_slice %arg6[%sub3A_184, %dma_start3A_207] : memref<80x128xi32, #tpu.memory_space<vmem>> -> memref<1x128xi32, #tpu.memory_space<vmem>>
        %dma_start3A_209 = tpu.memref_squeeze %dma_start3A_208 : memref<1x128xi32, #tpu.memory_space<vmem>> -> memref<128xi32, #tpu.memory_space<vmem>>
        %dma_start3A_210 = arith.constant 0 : i32
        %dma_start3A_211 = arith.constant 0 : i32
        %dma_start3A_212 = tpu.memref_slice %arg2[%dma_start3A_210, %dma_start3A_211] : memref<10000x48xbf16, #tpu.memory_space<hbm>> -> memref<10000x48xbf16, #tpu.memory_space<hbm>>
        tpu.enqueue_indirect_dma source(%dma_start3A_212 : memref<10000x48xbf16, #tpu.memory_space<hbm>>) target(%arg13 : memref<128x48xbf16, #tpu.memory_space<vmem>>) offsets(%dma_start3A_209 : memref<128xi32, #tpu.memory_space<vmem>>) semaphore(%arg23 : memref<!tpu.dma_semaphore, #tpu.memory_space<semaphore_mem>>)
      } else {
      }
      "tpu.region"() ({
        %run_scoped3A = tpu.sem_alloc : memref<!tpu.dma_semaphore, #tpu.memory_space<semaphore_mem>>
        %dma_start3A_207 = arith.constant 0 : i32
        %dma_start3A_208 = tpu.memref_slice %arg7[%add3A_174, %dma_start3A_207] : memref<80x128xi32, #tpu.memory_space<vmem>> -> memref<1x128xi32, #tpu.memory_space<vmem>>
        %dma_start3A_209 = tpu.memref_squeeze %dma_start3A_208 : memref<1x128xi32, #tpu.memory_space<vmem>> -> memref<128xi32, #tpu.memory_space<vmem>>
        %dma_start3A_210 = arith.constant 0 : i32
        %dma_start3A_211 = arith.constant 0 : i32
        %dma_start3A_212 = tpu.memref_slice %arg17[%dma_start3A_210, %dma_start3A_211] : memref<10240x48xbf16, #tpu.memory_space<vmem_shared>> -> memref<10240x48xbf16, #tpu.memory_space<vmem_shared>>
        tpu.enqueue_indirect_dma source(%arg14 : memref<128x48xbf16, #tpu.memory_space<vmem>>) target(%dma_start3A_212 : memref<10240x48xbf16, #tpu.memory_space<vmem_shared>>) offsets(%dma_start3A_209 : memref<128xi32, #tpu.memory_space<vmem>>) semaphore(%run_scoped3A : memref<!tpu.dma_semaphore, #tpu.memory_space<semaphore_mem>>) {add = true}
        %dma_wait3A_213 = arith.constant 0 : i32
        %dma_wait3A_214 = tpu.memref_slice %arg7[%add3A_174, %dma_wait3A_213] : memref<80x128xi32, #tpu.memory_space<vmem>> -> memref<1x128xi32, #tpu.memory_space<vmem>>
        %dma_wait3A_215 = tpu.memref_squeeze %dma_wait3A_214 : memref<1x128xi32, #tpu.memory_space<vmem>> -> memref<128xi32, #tpu.memory_space<vmem>>
        %dma_wait3A_216 = arith.constant 0 : i32
        %dma_wait3A_217 = arith.constant 0 : i32
        %dma_wait3A_218 = tpu.memref_slice %arg17[%dma_wait3A_216, %dma_wait3A_217] : memref<10240x48xbf16, #tpu.memory_space<vmem_shared>> -> memref<10240x48xbf16, #tpu.memory_space<vmem_shared>>
        tpu.wait_indirect_dma semaphore(%run_scoped3A : memref<!tpu.dma_semaphore, #tpu.memory_space<semaphore_mem>>) src(%arg14 : memref<128x48xbf16, #tpu.memory_space<vmem>>) dst(%dma_wait3A_218 : memref<10240x48xbf16, #tpu.memory_space<vmem_shared>>)
        tpu.yield
      }) : () -> ()
      %add3A_190 = arith.constant 7 : i32
      %add3A_191 = arith.addi %mul3A_75, %add3A_190 : i32
      %dma_wait3A_192 = arith.constant 0 : i32
      %dma_wait3A_193 = tpu.memref_slice %arg6[%add3A_191, %dma_wait3A_192] : memref<80x128xi32, #tpu.memory_space<vmem>> -> memref<1x128xi32, #tpu.memory_space<vmem>>
      %dma_wait3A_194 = tpu.memref_squeeze %dma_wait3A_193 : memref<1x128xi32, #tpu.memory_space<vmem>> -> memref<128xi32, #tpu.memory_space<vmem>>
      %dma_wait3A_195 = arith.constant 0 : i32
      %dma_wait3A_196 = arith.constant 0 : i32
      %dma_wait3A_197 = tpu.memref_slice %arg2[%dma_wait3A_195, %dma_wait3A_196] : memref<10000x48xbf16, #tpu.memory_space<hbm>> -> memref<10000x48xbf16, #tpu.memory_space<hbm>>
      tpu.wait_indirect_dma semaphore(%arg25 : memref<!tpu.dma_semaphore, #tpu.memory_space<semaphore_mem>>) src(%dma_wait3A_197 : memref<10000x48xbf16, #tpu.memory_space<hbm>>) dst(%arg15 : memref<128x48xbf16, #tpu.memory_space<vmem>>)
      %add3A_198 = arith.constant 8 : i32
      %add3A_199 = arith.addi %add3A_191, %add3A_198 : i32
      %sub3A_200 = arith.constant 1 : i32
      %sub3A_201 = arith.subi %add3A_199, %sub3A_200 : i32
      %lt3A_202 = arith.constant 80 : i32
      %lt3A_203 = arith.cmpi slt, %sub3A_201, %lt3A_202 : i32
      %convert_element_type3A_204 = arith.extui %lt3A_203 : i1 to i32
      %cond3A_205 = arith.constant 0 : i32
      %cond3A_206 = arith.cmpi ne, %convert_element_type3A_204, %cond3A_205 : i32
      scf.if %cond3A_206 {
        %dma_start3A_207 = arith.constant 0 : i32
        %dma_start3A_208 = tpu.memref_slice %arg6[%sub3A_201, %dma_start3A_207] : memref<80x128xi32, #tpu.memory_space<vmem>> -> memref<1x128xi32, #tpu.memory_space<vmem>>
        %dma_start3A_209 = tpu.memref_squeeze %dma_start3A_208 : memref<1x128xi32, #tpu.memory_space<vmem>> -> memref<128xi32, #tpu.memory_space<vmem>>
        %dma_start3A_210 = arith.constant 0 : i32
        %dma_start3A_211 = arith.constant 0 : i32
        %dma_start3A_212 = tpu.memref_slice %arg2[%dma_start3A_210, %dma_start3A_211] : memref<10000x48xbf16, #tpu.memory_space<hbm>> -> memref<10000x48xbf16, #tpu.memory_space<hbm>>
        tpu.enqueue_indirect_dma source(%dma_start3A_212 : memref<10000x48xbf16, #tpu.memory_space<hbm>>) target(%arg14 : memref<128x48xbf16, #tpu.memory_space<vmem>>) offsets(%dma_start3A_209 : memref<128xi32, #tpu.memory_space<vmem>>) semaphore(%arg24 : memref<!tpu.dma_semaphore, #tpu.memory_space<semaphore_mem>>)
      } else {
      }
      "tpu.region"() ({
        %run_scoped3A = tpu.sem_alloc : memref<!tpu.dma_semaphore, #tpu.memory_space<semaphore_mem>>
        %dma_start3A_207 = arith.constant 0 : i32
        %dma_start3A_208 = tpu.memref_slice %arg7[%add3A_191, %dma_start3A_207] : memref<80x128xi32, #tpu.memory_space<vmem>> -> memref<1x128xi32, #tpu.memory_space<vmem>>
        %dma_start3A_209 = tpu.memref_squeeze %dma_start3A_208 : memref<1x128xi32, #tpu.memory_space<vmem>> -> memref<128xi32, #tpu.memory_space<vmem>>
        %dma_start3A_210 = arith.constant 0 : i32
        %dma_start3A_211 = arith.constant 0 : i32
        %dma_start3A_212 = tpu.memref_slice %arg17[%dma_start3A_210, %dma_start3A_211] : memref<10240x48xbf16, #tpu.memory_space<vmem_shared>> -> memref<10240x48xbf16, #tpu.memory_space<vmem_shared>>
        tpu.enqueue_indirect_dma source(%arg15 : memref<128x48xbf16, #tpu.memory_space<vmem>>) target(%dma_start3A_212 : memref<10240x48xbf16, #tpu.memory_space<vmem_shared>>) offsets(%dma_start3A_209 : memref<128xi32, #tpu.memory_space<vmem>>) semaphore(%run_scoped3A : memref<!tpu.dma_semaphore, #tpu.memory_space<semaphore_mem>>) {add = true}
        %dma_wait3A_213 = arith.constant 0 : i32
        %dma_wait3A_214 = tpu.memref_slice %arg7[%add3A_191, %dma_wait3A_213] : memref<80x128xi32, #tpu.memory_space<vmem>> -> memref<1x128xi32, #tpu.memory_space<vmem>>
        %dma_wait3A_215 = tpu.memref_squeeze %dma_wait3A_214 : memref<1x128xi32, #tpu.memory_space<vmem>> -> memref<128xi32, #tpu.memory_space<vmem>>
        %dma_wait3A_216 = arith.constant 0 : i32
        %dma_wait3A_217 = arith.constant 0 : i32
        %dma_wait3A_218 = tpu.memref_slice %arg17[%dma_wait3A_216, %dma_wait3A_217] : memref<10240x48xbf16, #tpu.memory_space<vmem_shared>> -> memref<10240x48xbf16, #tpu.memory_space<vmem_shared>>
        tpu.wait_indirect_dma semaphore(%run_scoped3A : memref<!tpu.dma_semaphore, #tpu.memory_space<semaphore_mem>>) src(%arg15 : memref<128x48xbf16, #tpu.memory_space<vmem>>) dst(%dma_wait3A_218 : memref<10240x48xbf16, #tpu.memory_space<vmem_shared>>)
        tpu.yield
      }) : () -> ()
    }
    %scan3A_62 = arith.constant 10 : i32
    %barrier3A_63 = arith.constant 0 : index
    tpu.barrier barrier_id(%barrier3A_63)
    %scan3A_64 = arith.constant 0 : i32
    %scan3A_65 = arith.constant 5 : i32
    %scan3A_66 = arith.addi %scan3A_64, %scan3A_65 : i32
    %scan3A_67 = arith.constant 1 : i32
    scf.for %scan3A_69 = %scan3A_64 to %scan3A_66 step %scan3A_67  : i32 {
      %mul3A_70 = arith.constant 1 : i32
      %mul3A_71 = arith.muli %scan3A_69, %mul3A_70 : i32
      %add3A_72 = arith.constant 0 : i32
      %add3A_73 = arith.addi %add3A_72, %mul3A_71 : i32
      %mul3A_74 = arith.constant 640 : i32
      %mul3A_75 = arith.muli %arg1, %mul3A_74 : i32
      %mul3A_76 = arith.constant 128 : i32
      %mul3A_77 = arith.muli %add3A_73, %mul3A_76 : i32
      %add3A_78 = arith.addi %mul3A_75, %mul3A_77 : i32
      "tpu.region"() ({
        %run_scoped3A = tpu.sem_alloc : memref<!tpu.dma_semaphore, #tpu.memory_space<semaphore_mem>>
        %dma_start3A_79 = arith.constant 0 : i32
        %dma_start3A_80 = tpu.memref_slice %arg5[%arg0, %add3A_78, %dma_start3A_79] : memref<2x10240x48xbf16, #tpu.memory_space<hbm>> -> memref<1x128x48xbf16, #tpu.memory_space<hbm>>
        %dma_start3A_81 = tpu.memref_squeeze %dma_start3A_80 : memref<1x128x48xbf16, #tpu.memory_space<hbm>> -> memref<128x48xbf16, #tpu.memory_space<hbm>>
        %dma_start3A_82 = arith.constant 0 : i32
        %dma_start3A_83 = tpu.memref_slice %arg17[%add3A_78, %dma_start3A_82] : memref<10240x48xbf16, #tpu.memory_space<vmem_shared>> -> memref<128x48xbf16, #tpu.memory_space<vmem_shared>>
        tpu.enqueue_dma source(%dma_start3A_83 : memref<128x48xbf16, #tpu.memory_space<vmem_shared>>) target(%dma_start3A_81 : memref<128x48xbf16, #tpu.memory_space<hbm>>) target_semaphore(%run_scoped3A : memref<!tpu.dma_semaphore, #tpu.memory_space<semaphore_mem>>)
        %dma_wait3A = arith.constant 0 : i32
        %dma_wait3A_84 = tpu.memref_slice %arg5[%arg0, %add3A_78, %dma_wait3A] : memref<2x10240x48xbf16, #tpu.memory_space<hbm>> -> memref<1x128x48xbf16, #tpu.memory_space<hbm>>
        %dma_wait3A_85 = tpu.memref_squeeze %dma_wait3A_84 : memref<1x128x48xbf16, #tpu.memory_space<hbm>> -> memref<128x48xbf16, #tpu.memory_space<hbm>>
        %dma_wait3A_86 = arith.constant 0 : i32
        %dma_wait3A_87 = tpu.memref_slice %arg17[%add3A_78, %dma_wait3A_86] : memref<10240x48xbf16, #tpu.memory_space<vmem_shared>> -> memref<128x48xbf16, #tpu.memory_space<vmem_shared>>
        tpu.wait_dma2 semaphore(%run_scoped3A : memref<!tpu.dma_semaphore, #tpu.memory_space<semaphore_mem>>) src(%dma_wait3A_87 : memref<128x48xbf16, #tpu.memory_space<vmem_shared>>) dst(%dma_wait3A_85 : memref<128x48xbf16, #tpu.memory_space<hbm>>)
        tpu.yield
      }) : () -> ()
    }
    %scan3A_68 = arith.constant 5 : i32
    return
  }
}

module attributes {stable_mosaic.version = 14 : i64} {
  func.func @_tc_table1_body(%arg0: i32, %arg1: memref<5000x128xf32, #tpu.memory_space<vmem>>, %arg2: memref<48x128xf32, #tpu.memory_space<vmem>>, %arg3: memref<5000x48xbf16, #tpu.memory_space<vmem>>) attributes {dimension_semantics = [#tpu.dimension_semantics<arbitrary>], iteration_bounds = array<i64: 2>, scalar_prefetch = 0 : i64, scratch_operands = 0 : i64, tpu.core_type = #tpu.core_type<tc>, window_params = [{transform_indices = @transform_0, window_bounds = array<i64: 5000, 128>}, {pipeline_mode = #tpu.pipeline_mode<synchronous>, transform_indices = @transform_1, window_bounds = array<i64: 48, 128>}, {transform_indices = @transform_2, window_bounds = array<i64: 5000, 48>}]} {
    %get3A = arith.constant 0 : index
    %get3A_0 = arith.constant 0 : index
    %get3A_1 = vector.load %arg1[%get3A, %get3A_0] : memref<5000x128xf32, #tpu.memory_space<vmem>>, vector<5000x128xf32>
    %get3A_2 = arith.constant 0 : index
    %get3A_3 = arith.constant 0 : index
    %get3A_4 = vector.load %arg2[%get3A_2, %get3A_3] : memref<48x128xf32, #tpu.memory_space<vmem>>, vector<48x128xf32>
    %dot_general3A = arith.constant dense<0.000000e+00> : vector<5000x48xf32>
    %dot_general3A_5 = tpu.matmul %get3A_1, %get3A_4, %dot_general3A {dimension_numbers = #tpu.dot_dimension_numbers<[1], [1], [0], [0], [0, 0, 1, 0], [], []>, transpose_lhs_hint = false} : vector<5000x128xf32>, vector<48x128xf32>, vector<5000x48xf32> -> vector<5000x48xf32>
    %iota3A = tpu.iota {dimensions = array<i32: 1>} : vector<5000x48xi32>
    %eq3A = arith.constant 40 : i32
    %eq3A_6 = vector.broadcast %eq3A : i32 to vector<5000x48xi32>
    %eq3A_7 = arith.cmpi eq, %iota3A, %eq3A_6 : vector<5000x48xi32>
    %jit3A = arith.constant 1.000000e+00 : f32
    %jit3A_8 = arith.constant 0.000000e+00 : f32
    %broadcast_in_dim3A = vector.broadcast %jit3A : f32 to vector<5000x48xf32>
    %broadcast_in_dim3A_9 = vector.broadcast %jit3A_8 : f32 to vector<5000x48xf32>
    %select_n3A = arith.select %eq3A_7, %broadcast_in_dim3A, %broadcast_in_dim3A_9 : vector<5000x48xi1>, vector<5000x48xf32>
    %add3A = arith.addf %dot_general3A_5, %select_n3A : vector<5000x48xf32>
    %convert_element_type3A = arith.truncf %add3A : vector<5000x48xf32> to vector<5000x48xbf16>
    %swap3A = arith.constant 0 : index
    %swap3A_10 = arith.constant 0 : index
    %swap3A_11 = vector.load %arg3[%swap3A, %swap3A_10] : memref<5000x48xbf16, #tpu.memory_space<vmem>>, vector<5000x48xbf16>
    tpu.vector_store %arg3[%swap3A, %swap3A_10], %convert_element_type3A {strides = array<i32>} : memref<5000x48xbf16, #tpu.memory_space<vmem>>, vector<5000x48xbf16>,
    return
  }
  func.func @transform_0(%arg0: i32) -> (i32, i32) {
    %c0_i32 = arith.constant 0 : i32
    %c0_i32_0 = arith.constant 0 : i32
    return %arg0, %c0_i32 : i32, i32
  }
  func.func @transform_1(%arg0: i32) -> (i32, i32) {
    %c0_i32 = arith.constant 0 : i32
    %c0_i32_0 = arith.constant 0 : i32
    %c0_i32_1 = arith.constant 0 : i32
    return %c0_i32, %c0_i32_0 : i32, i32
  }
  func.func @transform_2(%arg0: i32) -> (i32, i32) {
    %c0_i32 = arith.constant 0 : i32
    %c0_i32_0 = arith.constant 0 : i32
    return %arg0, %c0_i32 : i32, i32
  }
}

module attributes {stable_mosaic.version = 14 : i64} {
  func.func @_tc_p1_body(%arg0: i32, %arg1: memref<5000x128xf32, #tpu.memory_space<vmem>>, %arg2: memref<40x128xf32, #tpu.memory_space<vmem>>, %arg3: memref<1x40xf32, #tpu.memory_space<vmem>>, %arg4: memref<5000x40xf32, #tpu.memory_space<vmem>>) attributes {dimension_semantics = [#tpu.dimension_semantics<arbitrary>], iteration_bounds = array<i64: 2>, scalar_prefetch = 0 : i64, scratch_operands = 0 : i64, tpu.core_type = #tpu.core_type<tc>, window_params = [{transform_indices = @transform_0, window_bounds = array<i64: 5000, 128>}, {pipeline_mode = #tpu.pipeline_mode<synchronous>, transform_indices = @transform_1, window_bounds = array<i64: 40, 128>}, {pipeline_mode = #tpu.pipeline_mode<synchronous>, transform_indices = @transform_2, window_bounds = array<i64: 1, 40>}, {transform_indices = @transform_3, window_bounds = array<i64: 5000, 40>}]} {
    %get3A = arith.constant 0 : index
    %get3A_0 = arith.constant 0 : index
    %get3A_1 = vector.load %arg1[%get3A, %get3A_0] : memref<5000x128xf32, #tpu.memory_space<vmem>>, vector<5000x128xf32>
    %get3A_2 = arith.constant 0 : index
    %get3A_3 = arith.constant 0 : index
    %get3A_4 = vector.load %arg2[%get3A_2, %get3A_3] : memref<40x128xf32, #tpu.memory_space<vmem>>, vector<40x128xf32>
    %dot_general3A = arith.constant dense<0.000000e+00> : vector<5000x40xf32>
    %dot_general3A_5 = tpu.matmul %get3A_1, %get3A_4, %dot_general3A {dimension_numbers = #tpu.dot_dimension_numbers<[1], [1], [0], [0], [0, 0, 1, 0], [], []>, transpose_lhs_hint = false} : vector<5000x128xf32>, vector<40x128xf32>, vector<5000x40xf32> -> vector<5000x40xf32>
    %get3A_6 = arith.constant 0 : index
    %get3A_7 = arith.constant 0 : index
    %get3A_8 = vector.load %arg3[%get3A_6, %get3A_7] : memref<1x40xf32, #tpu.memory_space<vmem>>, vector<1x40xf32>
    %add3A = vector.broadcast %get3A_8 : vector<1x40xf32> to vector<5000x40xf32>
    %add3A_9 = arith.addf %dot_general3A_5, %add3A : vector<5000x40xf32>
    %swap3A = arith.constant 0 : index
    %swap3A_10 = arith.constant 0 : index
    %swap3A_11 = vector.load %arg4[%swap3A, %swap3A_10] : memref<5000x40xf32, #tpu.memory_space<vmem>>, vector<5000x40xf32>
    tpu.vector_store %arg4[%swap3A, %swap3A_10], %add3A_9 {strides = array<i32>} : memref<5000x40xf32, #tpu.memory_space<vmem>>, vector<5000x40xf32>,
    return
  }
  func.func @transform_0(%arg0: i32) -> (i32, i32) {
    %c0_i32 = arith.constant 0 : i32
    %c0_i32_0 = arith.constant 0 : i32
    return %arg0, %c0_i32 : i32, i32
  }
  func.func @transform_1(%arg0: i32) -> (i32, i32) {
    %c0_i32 = arith.constant 0 : i32
    %c0_i32_0 = arith.constant 0 : i32
    %c0_i32_1 = arith.constant 0 : i32
    return %c0_i32, %c0_i32_0 : i32, i32
  }
  func.func @transform_2(%arg0: i32) -> (i32, i32) {
    %c0_i32 = arith.constant 0 : i32
    %c0_i32_0 = arith.constant 0 : i32
    %c0_i32_1 = arith.constant 0 : i32
    return %c0_i32, %c0_i32_0 : i32, i32
  }
  func.func @transform_3(%arg0: i32) -> (i32, i32) {
    %c0_i32 = arith.constant 0 : i32
    %c0_i32_0 = arith.constant 0 : i32
    return %arg0, %c0_i32 : i32, i32
  }
}

module attributes {stable_mosaic.version = 14 : i64} {
  func.func @_tc_mid_body(%arg0: i32, %arg1: memref<5000x48xbf16, #tpu.memory_space<vmem>>, %arg2: memref<5000x48xbf16, #tpu.memory_space<vmem>>, %arg3: memref<5000x40xf32, #tpu.memory_space<vmem>>, %arg4: memref<32x40xf32, #tpu.memory_space<vmem>>, %arg5: memref<24x40xf32, #tpu.memory_space<vmem>>, %arg6: memref<1x24xf32, #tpu.memory_space<vmem>>, %arg7: memref<5000x32xbf16, #tpu.memory_space<vmem>>, %arg8: memref<5000x24xf32, #tpu.memory_space<vmem>>, %arg9: memref<5000x1xf32, #tpu.memory_space<vmem>>) attributes {dimension_semantics = [#tpu.dimension_semantics<arbitrary>], iteration_bounds = array<i64: 2>, scalar_prefetch = 0 : i64, scratch_operands = 0 : i64, tpu.core_type = #tpu.core_type<tc>, window_params = [{transform_indices = @transform_0, window_bounds = array<i64: 5000, 48>}, {transform_indices = @transform_1, window_bounds = array<i64: 5000, 48>}, {transform_indices = @transform_2, window_bounds = array<i64: 5000, 40>}, {pipeline_mode = #tpu.pipeline_mode<synchronous>, transform_indices = @transform_3, window_bounds = array<i64: 32, 40>}, {pipeline_mode = #tpu.pipeline_mode<synchronous>, transform_indices = @transform_4, window_bounds = array<i64: 24, 40>}, {pipeline_mode = #tpu.pipeline_mode<synchronous>, transform_indices = @transform_5, window_bounds = array<i64: 1, 24>}, {transform_indices = @transform_6, window_bounds = array<i64: 5000, 32>}, {transform_indices = @transform_7, window_bounds = array<i64: 5000, 24>}, {transform_indices = @transform_8, window_bounds = array<i64: 5000, 1>}]} {
    %get3A = arith.constant 0 : index
    %get3A_0 = arith.constant 0 : index
    %get3A_1 = vector.load %arg1[%get3A, %get3A_0] : memref<5000x48xbf16, #tpu.memory_space<vmem>>, vector<5000x48xbf16>
    %convert_element_type3A = arith.extf %get3A_1 : vector<5000x48xbf16> to vector<5000x48xf32>
    %get3A_2 = arith.constant 0 : index
    %get3A_3 = arith.constant 0 : index
    %get3A_4 = vector.load %arg2[%get3A_2, %get3A_3] : memref<5000x48xbf16, #tpu.memory_space<vmem>>, vector<5000x48xbf16>
    %convert_element_type3A_5 = arith.extf %get3A_4 : vector<5000x48xbf16> to vector<5000x48xf32>
    %add3A = arith.addf %convert_element_type3A, %convert_element_type3A_5 : vector<5000x48xf32>
    %slice3A = vector.extract_strided_slice %add3A {offsets = [0, 40], sizes = [5000, 1], strides = [1, 1]} : vector<5000x48xf32> to vector<5000x1xf32>
    %max3A = arith.constant 1.000000e+00 : f32
    %max3A_6 = vector.broadcast %max3A : f32 to vector<5000x1xf32>
    %max3A_7 = arith.maximumf %slice3A, %max3A_6 : vector<5000x1xf32>
    %div3A = arith.constant 1.000000e+00 : f32
    %div3A_8 = vector.broadcast %div3A : f32 to vector<5000x1xf32>
    %div3A_9 = arith.divf %div3A_8, %max3A_7 : vector<5000x1xf32>
    %slice3A_10 = vector.extract_strided_slice %add3A {offsets = [0, 0], sizes = [5000, 40], strides = [1, 1]} : vector<5000x48xf32> to vector<5000x40xf32>
    %mul3A = vector.broadcast %div3A_9 : vector<5000x1xf32> to vector<5000x40xf32>
    %mul3A_11 = arith.mulf %slice3A_10, %mul3A : vector<5000x40xf32>
    %get3A_12 = arith.constant 0 : index
    %get3A_13 = arith.constant 0 : index
    %get3A_14 = vector.load %arg3[%get3A_12, %get3A_13] : memref<5000x40xf32, #tpu.memory_space<vmem>>, vector<5000x40xf32>
    %add3A_15 = arith.addf %mul3A_11, %get3A_14 : vector<5000x40xf32>
    %max3A_16 = arith.constant 0.000000e+00 : f32
    %max3A_17 = vector.broadcast %max3A_16 : f32 to vector<5000x40xf32>
    %max3A_18 = arith.maximumf %add3A_15, %max3A_17 : vector<5000x40xf32>
    %get3A_19 = arith.constant 0 : index
    %get3A_20 = arith.constant 0 : index
    %get3A_21 = vector.load %arg4[%get3A_19, %get3A_20] : memref<32x40xf32, #tpu.memory_space<vmem>>, vector<32x40xf32>
    %dot_general3A = arith.constant dense<0.000000e+00> : vector<5000x32xf32>
    %dot_general3A_22 = tpu.matmul %max3A_18, %get3A_21, %dot_general3A {dimension_numbers = #tpu.dot_dimension_numbers<[1], [1], [0], [0], [0, 0, 1, 0], [], []>, transpose_lhs_hint = false} : vector<5000x40xf32>, vector<32x40xf32>, vector<5000x32xf32> -> vector<5000x32xf32>
    %convert_element_type3A_23 = arith.truncf %dot_general3A_22 : vector<5000x32xf32> to vector<5000x32xbf16>
    %swap3A = arith.constant 0 : index
    %swap3A_24 = arith.constant 0 : index
    %swap3A_25 = vector.load %arg7[%swap3A, %swap3A_24] : memref<5000x32xbf16, #tpu.memory_space<vmem>>, vector<5000x32xbf16>
    tpu.vector_store %arg7[%swap3A, %swap3A_24], %convert_element_type3A_23 {strides = array<i32>} : memref<5000x32xbf16, #tpu.memory_space<vmem>>, vector<5000x32xbf16>,
    %get3A_26 = arith.constant 0 : index
    %get3A_27 = arith.constant 0 : index
    %get3A_28 = vector.load %arg5[%get3A_26, %get3A_27] : memref<24x40xf32, #tpu.memory_space<vmem>>, vector<24x40xf32>
    %dot_general3A_29 = arith.constant dense<0.000000e+00> : vector<5000x24xf32>
    %dot_general3A_30 = tpu.matmul %max3A_18, %get3A_28, %dot_general3A_29 {dimension_numbers = #tpu.dot_dimension_numbers<[1], [1], [0], [0], [0, 0, 1, 0], [], []>, transpose_lhs_hint = false} : vector<5000x40xf32>, vector<24x40xf32>, vector<5000x24xf32> -> vector<5000x24xf32>
    %get3A_31 = arith.constant 0 : index
    %get3A_32 = arith.constant 0 : index
    %get3A_33 = vector.load %arg6[%get3A_31, %get3A_32] : memref<1x24xf32, #tpu.memory_space<vmem>>, vector<1x24xf32>
    %add3A_34 = vector.broadcast %get3A_33 : vector<1x24xf32> to vector<5000x24xf32>
    %add3A_35 = arith.addf %dot_general3A_30, %add3A_34 : vector<5000x24xf32>
    %swap3A_36 = arith.constant 0 : index
    %swap3A_37 = arith.constant 0 : index
    %swap3A_38 = vector.load %arg8[%swap3A_36, %swap3A_37] : memref<5000x24xf32, #tpu.memory_space<vmem>>, vector<5000x24xf32>
    tpu.vector_store %arg8[%swap3A_36, %swap3A_37], %add3A_35 {strides = array<i32>} : memref<5000x24xf32, #tpu.memory_space<vmem>>, vector<5000x24xf32>,
    %swap3A_39 = arith.constant 0 : index
    %swap3A_40 = arith.constant 0 : index
    %swap3A_41 = vector.load %arg9[%swap3A_39, %swap3A_40] : memref<5000x1xf32, #tpu.memory_space<vmem>>, vector<5000x1xf32>
    tpu.vector_store %arg9[%swap3A_39, %swap3A_40], %div3A_9 {strides = array<i32>} : memref<5000x1xf32, #tpu.memory_space<vmem>>, vector<5000x1xf32>,
    return
  }
  func.func @transform_0(%arg0: i32) -> (i32, i32) {
    %c0_i32 = arith.constant 0 : i32
    %c0_i32_0 = arith.constant 0 : i32
    return %arg0, %c0_i32 : i32, i32
  }
  func.func @transform_1(%arg0: i32) -> (i32, i32) {
    %c0_i32 = arith.constant 0 : i32
    %c0_i32_0 = arith.constant 0 : i32
    return %arg0, %c0_i32 : i32, i32
  }
  func.func @transform_2(%arg0: i32) -> (i32, i32) {
    %c0_i32 = arith.constant 0 : i32
    %c0_i32_0 = arith.constant 0 : i32
    return %arg0, %c0_i32 : i32, i32
  }
  func.func @transform_3(%arg0: i32) -> (i32, i32) {
    %c0_i32 = arith.constant 0 : i32
    %c0_i32_0 = arith.constant 0 : i32
    %c0_i32_1 = arith.constant 0 : i32
    return %c0_i32, %c0_i32_0 : i32, i32
  }
  func.func @transform_4(%arg0: i32) -> (i32, i32) {
    %c0_i32 = arith.constant 0 : i32
    %c0_i32_0 = arith.constant 0 : i32
    %c0_i32_1 = arith.constant 0 : i32
    return %c0_i32, %c0_i32_0 : i32, i32
  }
  func.func @transform_5(%arg0: i32) -> (i32, i32) {
    %c0_i32 = arith.constant 0 : i32
    %c0_i32_0 = arith.constant 0 : i32
    %c0_i32_1 = arith.constant 0 : i32
    return %c0_i32, %c0_i32_0 : i32, i32
  }
  func.func @transform_6(%arg0: i32) -> (i32, i32) {
    %c0_i32 = arith.constant 0 : i32
    %c0_i32_0 = arith.constant 0 : i32
    return %arg0, %c0_i32 : i32, i32
  }
  func.func @transform_7(%arg0: i32) -> (i32, i32) {
    %c0_i32 = arith.constant 0 : i32
    %c0_i32_0 = arith.constant 0 : i32
    return %arg0, %c0_i32 : i32, i32
  }
  func.func @transform_8(%arg0: i32) -> (i32, i32) {
    %c0_i32 = arith.constant 0 : i32
    %c0_i32_0 = arith.constant 0 : i32
    return %arg0, %c0_i32 : i32, i32
  }
}

module attributes {stable_mosaic.version = 14 : i64} {
  func.func @_tc_post_body(%arg0: i32, %arg1: memref<5000x32xbf16, #tpu.memory_space<vmem>>, %arg2: memref<5000x32xbf16, #tpu.memory_space<vmem>>, %arg3: memref<5000x1xf32, #tpu.memory_space<vmem>>, %arg4: memref<5000x24xf32, #tpu.memory_space<vmem>>, %arg5: memref<5000x24xf32, #tpu.memory_space<vmem>>) attributes {dimension_semantics = [#tpu.dimension_semantics<arbitrary>], iteration_bounds = array<i64: 2>, scalar_prefetch = 0 : i64, scratch_operands = 0 : i64, tpu.core_type = #tpu.core_type<tc>, window_params = [{transform_indices = @transform_0, window_bounds = array<i64: 5000, 32>}, {transform_indices = @transform_1, window_bounds = array<i64: 5000, 32>}, {transform_indices = @transform_2, window_bounds = array<i64: 5000, 1>}, {transform_indices = @transform_3, window_bounds = array<i64: 5000, 24>}, {transform_indices = @transform_4, window_bounds = array<i64: 5000, 24>}]} {
    %get3A = arith.constant 0 : index
    %get3A_0 = arith.constant 0 : index
    %get3A_1 = vector.load %arg1[%get3A, %get3A_0] : memref<5000x32xbf16, #tpu.memory_space<vmem>>, vector<5000x32xbf16>
    %convert_element_type3A = arith.extf %get3A_1 : vector<5000x32xbf16> to vector<5000x32xf32>
    %get3A_2 = arith.constant 0 : index
    %get3A_3 = arith.constant 0 : index
    %get3A_4 = vector.load %arg2[%get3A_2, %get3A_3] : memref<5000x32xbf16, #tpu.memory_space<vmem>>, vector<5000x32xbf16>
    %convert_element_type3A_5 = arith.extf %get3A_4 : vector<5000x32xbf16> to vector<5000x32xf32>
    %add3A = arith.addf %convert_element_type3A, %convert_element_type3A_5 : vector<5000x32xf32>
    %slice3A = vector.extract_strided_slice %add3A {offsets = [0, 0], sizes = [5000, 24], strides = [1, 1]} : vector<5000x32xf32> to vector<5000x24xf32>
    %get3A_6 = arith.constant 0 : index
    %get3A_7 = arith.constant 0 : index
    %get3A_8 = vector.load %arg3[%get3A_6, %get3A_7] : memref<5000x1xf32, #tpu.memory_space<vmem>>, vector<5000x1xf32>
    %mul3A = vector.broadcast %get3A_8 : vector<5000x1xf32> to vector<5000x24xf32>
    %mul3A_9 = arith.mulf %slice3A, %mul3A : vector<5000x24xf32>
    %get3A_10 = arith.constant 0 : index
    %get3A_11 = arith.constant 0 : index
    %get3A_12 = vector.load %arg4[%get3A_10, %get3A_11] : memref<5000x24xf32, #tpu.memory_space<vmem>>, vector<5000x24xf32>
    %add3A_13 = arith.addf %mul3A_9, %get3A_12 : vector<5000x24xf32>
    %reduce_max3A = arith.constant dense<0xFF800000> : vector<5000xf32>
    %reduce_max3A_14 = vector.multi_reduction <maximumf>, %add3A_13, %reduce_max3A [1] : vector<5000x24xf32> to vector<5000xf32>
    %broadcast_in_dim3A = vector.shape_cast %reduce_max3A_14 : vector<5000xf32> to vector<5000x1xf32>
    %sub3A = vector.broadcast %broadcast_in_dim3A : vector<5000x1xf32> to vector<5000x24xf32>
    %sub3A_15 = arith.subf %add3A_13, %sub3A : vector<5000x24xf32>
    %exp3A = math.exp %sub3A_15 : vector<5000x24xf32>
    %reduce_sum3A = arith.constant dense<0.000000e+00> : vector<5000xf32>
    %reduce_sum3A_16 = vector.multi_reduction <add>, %exp3A, %reduce_sum3A [1] : vector<5000x24xf32> to vector<5000xf32>
    %broadcast_in_dim3A_17 = vector.shape_cast %reduce_sum3A_16 : vector<5000xf32> to vector<5000x1xf32>
    %log3A = math.log %broadcast_in_dim3A_17 : vector<5000x1xf32>
    %sub3A_18 = vector.broadcast %log3A : vector<5000x1xf32> to vector<5000x24xf32>
    %sub3A_19 = arith.subf %sub3A_15, %sub3A_18 : vector<5000x24xf32>
    %swap3A = arith.constant 0 : index
    %swap3A_20 = arith.constant 0 : index
    %swap3A_21 = vector.load %arg5[%swap3A, %swap3A_20] : memref<5000x24xf32, #tpu.memory_space<vmem>>, vector<5000x24xf32>
    tpu.vector_store %arg5[%swap3A, %swap3A_20], %sub3A_19 {strides = array<i32>} : memref<5000x24xf32, #tpu.memory_space<vmem>>, vector<5000x24xf32>,
    return
  }
  func.func @transform_0(%arg0: i32) -> (i32, i32) {
    %c0_i32 = arith.constant 0 : i32
    %c0_i32_0 = arith.constant 0 : i32
    return %arg0, %c0_i32 : i32, i32
  }
  func.func @transform_1(%arg0: i32) -> (i32, i32) {
    %c0_i32 = arith.constant 0 : i32
    %c0_i32_0 = arith.constant 0 : i32
    return %arg0, %c0_i32 : i32, i32
  }
  func.func @transform_2(%arg0: i32) -> (i32, i32) {
    %c0_i32 = arith.constant 0 : i32
    %c0_i32_0 = arith.constant 0 : i32
    return %arg0, %c0_i32 : i32, i32
  }
  func.func @transform_3(%arg0: i32) -> (i32, i32) {
    %c0_i32 = arith.constant 0 : i32
    %c0_i32_0 = arith.constant 0 : i32
    return %arg0, %c0_i32 : i32, i32
  }
  func.func @transform_4(%arg0: i32) -> (i32, i32) {
    %c0_i32 = arith.constant 0 : i32
    %c0_i32_0 = arith.constant 0 : i32
    return %arg0, %c0_i32 : i32, i32
  }
}

</mosaic_0001>

<sc_bundles>
// kernel: kernel.11.cloned.1.call-start
scs
__scs_entry_jumppad:
0x0: {  	(pc) =	sbr.rel $0x88, $3  }
0x1: {  	(tag) =	ssettag $0x0;
	lr =	simm.s32 $0x1  }
0x2: {  	[smem:$0x3F99] =	sst lr;
	_ =	strace $0xD0000000  }
0x3: {  	_ = 	snop  }
0x4: {  	_ = 	snop  }
0x5: {  	_ = 	snop  }
0x6: {  	_ = 	snop  }
0x7: {  	_ = 	snop  }
__scs_overlays_trampoline_lowered:
0x8: {  	[smem:$0x3FA8] =	sst s0  }
0x9: {  	[smem:$0x3FA9] =	sst s1  }
0xa: {  	[smem:$0x3FAA] =	sst s2  }
0xb: {  	[smem:$0x3FAB] =	sst s3  }
0xc: {  	[smem:$0x3FAC] =	sst s4  }
0xd: {  	[smem:$0x3FAD] =	sst s5  }
0xe: {  	[smem:$0x3FAE] =	sst s6  }
0xf: {  	[smem:$0x3FAF] =	sst s7  }
0x10: {  	[smem:$0x3FB0] =	sst s8  }
0x11: {  	[smem:$0x3FB1] =	sst s9;
	s0 =	simm.s32 @!p0 $0x0  }
0x12: {  	s1 =	sld [smem:$0x3F97];
	s0 =	simm.s32 @p0 $0x1  }
0x13: {  	[smem:$0x3FB2] =	sst s0;
	s0 =	simm.s32 @!p1 $0x0  }
0x14: {  	s2 =	sld [smem:$0x3F96];
	s0 =	simm.s32 @p1 $0x1  }
0x15: {  	[smem:$0x3FB3] =	sst s0;
	s0 =	simm.s32 @!p2 $0x0  }
0x16: {  	s3 =	sld [smem:$0x3FDB];
	s0 =	simm.s32 @p2 $0x1  }
0x17: {  	s4 =	simm.s32 $0x1BF5;
	[smem:$0x3FB5] =	sst s0  }
0x18: {  	s0 =	sld [smem:$0x3F98];
	_ =	swait.ge [sflag:s4], $0x0  }
0x19: {  	s7 =	sld [smem:$0x3F99]  }
0x1a: {  	s8 =	sadd.s32 $0xFFFFE003, lr  }
0x1b: {  	s9 =	sadd.s32 $0xFFFFFEF7, lr;
	s5 =	simm.s32 $0xFFFFFFFF;
	p2 =	slt.u32 s8, $0xFFFFF086  }
0x1c: {  	p1 =	slt.u32 s9, $0xF7A;
	s5 =	simm.s32 @!p2 $0x0  }
0x1d: {  	s5 =	simm.s32 @p1 $0x1;
	p0 =	seq.s32 s7, s2  }
0x1e: {  	s7 =	smul.u32 @!p0 $0xF7A, s2;
	p2 =	seq.s32 @!p0 s5, $0x0  }
0x1f: {  	s9 =	smul.u32 $0xF7A, s1;
	s8 =	simm.s32 @!p0 $0x1BF5;
	p2 =	por !p2, p0  }
0x20: {  	[sflag:s8] =	ssyncset.s32 @!p0 $0xFFFFF086;
	s6 =	sadd.s32 @!p0 s3, s7;
	s7 =	simm.s32 @!p0 $0x108  }
0x21: {  	s3 =	sadd.s32 s3, s9;
	s6 =	sadd.s32 @!p0 $0x88, s6;
	s7 =	simm.s32 @p2 $0x1082  }
0x22: {  	[simem:s7], [sflag:s8] =	dma.local @!p0 [hbm:s6], $0xF7A  }
0x23: {  	s9 =	sor.u32 $0xD0000000, s2;
	s6 =	simm.s32 $0x108;
	_ =	swait.ge @!p0 [sflag:s8], $0x0  }
0x24: {  	s3 =	sadd.s32 $0x88, s3;
	s6 =	simm.s32 @!p1 $0x1082;
	[sflag:s4] =	ssyncset.s32 $0xFFFFF086  }
0x25: {  	[simem:s6], [sflag:s4] =	dma.local [hbm:s3], $0xF7A  }
0x26: {  	[smem:$0x3F99] =	sst s1;
	(tag) =	ssettag s2;
	_ =	strace s9  }
0x27: {  	s1 =	sld [smem:$0x3FA9]  }
0x28: {  	s2 =	sld [smem:$0x3FAA]  }
0x29: {  	s4 =	sld [smem:$0x3FAC]  }
0x2a: {  	p0 =	seq.s32 s5, $0x0;
	s5 =	sld [smem:$0x3FAD]  }
0x2b: {  	s6 =	sld [smem:$0x3FAE]  }
0x2c: {  	s7 =	sld [smem:$0x3FAF]  }
0x2d: {  	s3 =	simm.s32 $0x108;
	s8 =	sld [smem:$0x3FB0]  }
0x2e: {  	s3 =	simm.s32 @!p0 $0x1082;
	s9 =	sld [smem:$0x3FB1]  }
0x2f: {  	lr =	sadd.s32 s0, s3;
	s0 =	sld [smem:$0x3FA8]  }
0x30: {  	s3 =	sld [smem:$0x3FAB]  }
0x31: {  	[smem:$0x3FB4] =	sst s10  }
0x32: {  	s10 =	sld [smem:$0x3FB2];
	_ =	sdelay $0x3  }
0x33: {  	p0 =	seq.s32 s10, $0x1;
	s10 =	sld [smem:$0x3FB4];
	_ =	sdelay $0x3  }
0x34: {  	[smem:$0x3FB4] =	sst s10  }
0x35: {  	s10 =	sld [smem:$0x3FB3];
	_ =	sdelay $0x3  }
0x36: {  	p1 =	seq.s32 s10, $0x1;
	s10 =	sld [smem:$0x3FB4];
	_ =	sdelay $0x3  }
0x37: {  	[smem:$0x3FB4] =	sst s10  }
0x38: {  	s10 =	sld [smem:$0x3FB5]  }
0x39: {  	_ = 	snop;
	(pc) =	sbr.ind lr, $3  }
0x3a: {  	_ = 	snop  }
0x3b: {  	_ = 	snop  }
0x3c: {  	p2 =	seq.s32 s10, $0x1;
	s10 =	sld [smem:$0x3FB4]  }
0x3d: {  	_ =	shalt  }
0x3e: {  	_ =	shalt  }
0x3f: {  	_ =	shalt  }
0x40: {  	_ =	shalt  }
0x41: {  	_ =	shalt  }
0x42: {  	_ =	shalt  }
0x43: {  	_ =	shalt  }
0x44: {  	_ =	shalt  }
0x45: {  	_ =	shalt  }
0x46: {  	_ =	shalt  }
0x47: {  	_ =	shalt  }
0x48: {  	_ =	shalt  }
0x49: {  	_ =	shalt  }
0x4a: {  	_ =	shalt  }
0x4b: {  	_ =	shalt  }
0x4c: {  	_ =	shalt  }
0x4d: {  	_ =	shalt  }
0x4e: {  	_ =	shalt  }
0x4f: {  	_ =	shalt  }
0x50: {  	_ =	shalt  }
0x51: {  	_ =	shalt  }
0x52: {  	_ =	shalt  }
0x53: {  	_ =	shalt  }
0x54: {  	_ =	shalt  }
0x55: {  	_ =	shalt  }
0x56: {  	_ =	shalt  }
0x57: {  	_ =	shalt  }
0x58: {  	_ =	shalt  }
0x59: {  	_ =	shalt  }
0x5a: {  	_ =	shalt  }
0x5b: {  	_ =	shalt  }
0x5c: {  	_ =	shalt  }
0x5d: {  	_ =	shalt  }
0x5e: {  	_ =	shalt  }
0x5f: {  	_ =	shalt  }
0x60: {  	_ =	shalt  }
0x61: {  	_ =	shalt  }
0x62: {  	_ =	shalt  }
0x63: {  	_ =	shalt  }
0x64: {  	_ =	shalt  }
0x65: {  	_ =	shalt  }
0x66: {  	_ =	shalt  }
0x67: {  	_ =	shalt  }
0x68: {  	_ =	shalt  }
0x69: {  	_ =	shalt  }
0x6a: {  	_ =	shalt  }
0x6b: {  	_ =	shalt  }
0x6c: {  	_ =	shalt  }
0x6d: {  	_ =	shalt  }
0x6e: {  	_ =	shalt  }
0x6f: {  	_ =	shalt  }
0x70: {  	_ =	shalt  }
0x71: {  	_ =	shalt  }
0x72: {  	_ =	shalt  }
0x73: {  	_ =	shalt  }
0x74: {  	_ =	shalt  }
0x75: {  	_ =	shalt  }
0x76: {  	_ =	shalt  }
0x77: {  	_ =	shalt  }
0x78: {  	_ =	shalt  }
0x79: {  	_ =	shalt  }
0x7a: {  	_ =	shalt  }
0x7b: {  	_ =	shalt  }
0x7c: {  	_ =	shalt  }
0x7d: {  	_ =	shalt  }
0x7e: {  	_ =	shalt  }
0x7f: {  	_ =	shalt  }
0x80: {  	_ =	shalt  }
0x81: {  	_ =	shalt  }
0x82: {  	_ =	shalt  }
0x83: {  	_ =	shalt  }
0x84: {  	_ =	shalt  }
0x85: {  	_ =	shalt  }
0x86: {  	_ =	shalt  }
0x87: {  	_ =	shalt  }
.Lfunc_end0:
.L_simem_size_0:
called_computation.1_lowered:
.L_overlay_start_0:
0x88: {  	s2 =	sld [smem:$0x3FD9]  }
0x89: {  	s3 =	sld [smem:$0x3FFE];
	_ =	sdelay $0x1  }
0x8a: {  	s1 =	srdreg.scid  }
0x8b: {  	s0 =	sand.u32 $0x1, s1  }
0x8c: {  	s17 =	sshll.u32 s0, $0xA;
	s2 =	sadd.s32 s3, s2  }
0x8d: {  	s2 =	sadd.s32 s2, s17  }
0x8e: {  	[smem:$0x3FC0] =	sst s2  }
0x8f: {  	_ = 	snop  }
0x90: {  	s2 =	sld [smem:$0x3FD0];
	(tm) =	ssettm $0x1  }
0x91: {  	s18 =	sld [smem:$0x3FFB];
	_ =	sdelay $0x3  }
0x92: {  	_ =	strace s18  }
0x93: {  	s3 =	sld [smem:$0x3FFC];
	_ =	sdelay $0x3  }
0x94: {  	_ =	strace s3  }
0x95: {  	s3 =	sld [smem:$0x3FFD];
	_ =	sdelay $0x3  }
0x96: {  	_ =	strace s3  }
0x97: {  	_ =	strace $0x8FFFFFFF  }
0x98: {  	s19 =	sld [smem:$0x3FDB];
	_ =	sdelay $0x1  }
0x99: {  	s4 =	simm.s32 $_scs_section_size  }
0x9a: {  	s5 =	simm.s32 $_size__tile_overlayer_lowered;
	s6 =	simm.s32 $_tile_overlayer_lowered  }
0x9b: {  	s22 =	simm.s32 $0x1BFF;
	s21 =	sshll.u32 s6, $0x1;
	s3 =	sadd.s32 s4, s19  }
0x9c: {  	s7 =	simm.s32 $0x0;
	s20 =	sshll.u32 s5, $0x1;
	s5 =	sadd.s32 s21, s3  }
0x9d: {  	[timem:s7], [sflag:s22] =	dma.local [hbm:s5], s20  }
0x9e: {  	_ =	swait.ge [sflag:s22], s20  }
0x9f: {  	s4 =	ssub.s32 $0x0, s20;
	[sflag:s22] =	ssyncset.done $0x0  }
0xa0: {  	[sflag:s22] =	ssyncadd.s32 s4;
	_ =	sdelay $0x1  }
0xa1: {  	s23 =	simm.s32 $0x1B8B  }
0xa2: {  	_ =	swait.ge [sflag:s23], $0x1  }
0xa3: {  	[sflag:s23] =	ssyncset.done $0x0  }
0xa4: {  	s25 =	simm.s32 $0x1B8E;
	s24 =	sld [smem:$0x3FFE];
	[sflag:s23] =	ssyncadd.s32 $0xFFFFFFFF  }
0xa5: {  	s26 =	simm.s32 $execute0_lowered;
	[smem:$0x3FD2] =	sst s25  }
0xa6: {  	s5 =	sshll.u32 s26, $0x1;
	_ =	strace $0x80000049;
	[dreg:$0x1] =	wrdreg $0xFFFFFFFF  }
0xa7: {  	s28 =	simm.s32 $_size_execute0_lowered;
	s3 =	sadd.s32 s3, s5;
	[dreg:$0x0] =	wrdreg $0x0  }
0xa8: {  	s5 =	sshll.u32 s28, $0x1;
	[dreg:$0x2] =	wrdreg s3  }
0xa9: {  	[dreg:$0x3] =	wrdreg s5  }
0xaa: {  	[dreg:$0x4] =	wrdreg $0xC0  }
0xab: {  	_ =	task [dreg:s7], $0x5FFFF  }
0xac: {  	[dreg:$0x1] =	wrdreg $0xFFFFFFFF  }
0xad: {  	[dreg:$0x0] =	wrdreg $0x60  }
0xae: {  	[dreg:$0x2] =	wrdreg s2  }
0xaf: {  	[dreg:$0x3] =	wrdreg s24  }
0xb0: {  	[dreg:$0x4] =	wrdreg $0x98000  }
0xb1: {  	[dreg:$0x5] =	wrdreg $0x9  }
0xb2: {  	_ =	task.clear_ibuf [dreg:s7], $0x6FFFF;
	_ =	strace $0x90000049  }
0xb3: {  	s29 =	simm.s32 $0x9;
	_ =	strace $0x8000004B  }
0xb4: {  	_ =	swait.ge [sflag:s29], $0x1  }
0xb5: {  	[sflag:s29] =	ssyncadd.s32 $0xFFFFFFFF  }
0xb6: {  	_ =	strace $0x9000004B  }
0xb7: {  	_ =	sfence  }
0xb8: {  	s30 =	sld [smem:$0x0];
	_ =	sdelay $0x2  }
0xb9: {  	s31 =	sshll.u32 s1, $0xD;
	s1 =	sshrl.u32 s1, $0x2  }
0xba: {  	s3 =	sand.u32 $0x4000, s31;
	s1 =	sadd.s32 s1, s30  }
0xbb: {  	s0 =	sor.u32 s3, s0;
	s1 =	sshll.u32 s1, $0x11  }
0xbc: {  	s0 =	sor.u32 s1, s0  }
0xbd: {  	s0 =	sadd.s32 $0x8F2B, s0  }
0xbe: {  	[sflag:s0] =	ssyncadd.remote.s32 $0x1  }
0xbf: {  	_ =	sfence.sel $0xFFFF  }
0xc0: {  	[dreg:$0x0] =	wrdreg $0xFFFFFFFF;
	(pc) =	sbr.abs _section_cstart, $3  }
0xc1: {  	[dreg:$0x1] =	wrdreg $0xFFFFFFFF  }
0xc2: {  	_ =	task.clear_ibuf [dreg:s7], $0x2FFFF;
	_ =	strace $0x9FFFFFFF  }
0xc3: {  	(tm) =	ssettm $0x7FFFFFFF  }
tec
execute0_lowered:
.L_overlay_start_1:
0x0: {  	(tag) =	ssettag $0x1  }
0x1: {  	s1 =	rddreg [dreg:$0x0]  }
0x2: {  	s0 =	srdreg.scid;
	s5 =	rddreg [dreg:$0x1]  }
0x3: {  	s4 =	stileid.u32;
	s3 =	rddreg [dreg:$0x2];
	s11 =	simm.s32 $0x0  }
0x4: {  	s31 =	simm.s32 $0x6000;
	s29 =	simm.s32 $0x7000;
	s6 =	smul.u32 $0xA000, s4  }
0x5: {  	s30 =	simm.s32 $0x1;
	s0 =	sand.u32 $0x1, s0;
	s8 =	smul.u32 $0x5000, s4  }
0x6: {  	[smem:$0x7FF] =	sst s11;
	s2 =	sshll.u32 s0, $0x4;
	s7 =	smul.u32 $0x50000, s0  }
0x7: {  	_ =	strace $0x8000004A;
	s0 =	ssub.s32 $0x2, s0;
	s2 =	sor.u32 s4, s2  }
0x8: {  	s9 =	sshrl.u32 s0, $0x1;
	s6 =	sshrl.u32 s6, $0x2;
	s13 =	sadd.s32 $0x1000, s8  }
0x9: {  	s17 =	sshrl.u32 s8, $0x1;
	s18 =	sadd.s32 $0x2000, s8;
	s2 =	smul.u32 $0x500, s2  }
0xa: {  	s0 =	ssub.s32 s0, s9;
	s24 =	sadd.s32 s7, s8;
	s25 =	sadd.s32 s6, s3  }
0xb: {  	s16 =	sadd.s32 s7, s13;
	s6 =	sadd.s32 s17, s3;
	s19 =	sadd.s32 s7, s18  }
0xc: {  	s28 =	sshrl.u32 s24, $0x4;
	s0 =	smax.u32 s0, $0x1;
	[dreg:$0x5] =	wrdreg s25  }
0xd: {  	s10 =	sadd.s32 $0x800, s25;
	s12 =	sadd.s32 $0x1000, s25;
	[dreg:$0x9] =	wrdreg s0  }
0xe: {  	s14 =	sadd.s32 $0x1800, s25;
	s15 =	sadd.s32 $0x2000, s25;
	[dreg:$0xa] =	wrdreg s10  }
0xf: {  	s24 =	sshrl.u32 s6, $0x3;
	s6 =	simm.s32 $0x4;
	[dreg:$0xb] =	wrdreg s12  }
0x10: {  	s2 =	sadd.s32 s2, s5;
	s5 =	sadd.s32 $0x15800, s5;
	[dreg:$0xc] =	wrdreg s14  }
0x11: {  	[dreg:$0xd] =	wrdreg s15;
	s0 =	sshrl.u32 s13, $0x1;
	s10 =	sadd.s32 $0x3000, s8  }
0x12: {  	s8 =	sadd.s32 $0x4000, s8;
	[dreg:$0x12] =	wrdreg s24;
	s14 =	simm.s32 $0x5000  }
0x13: {  	s26 =	sadd.s32 $0x1800, s2;
	s2 =	sadd.s32 $0xB800, s2;
	s9 =	sadd.s32 s5, s28  }
0x14: {  	s0 =	sadd.s32 s0, s3;
	s20 =	sadd.s32 s7, s10;
	[dreg:$0x6] =	wrdreg s26  }
0x15: {  	s21 =	sadd.s32 s7, s8;
	s22 =	sshrl.u32 s10, $0x1;
	[dreg:$0x7] =	wrdreg s2  }
0x16: {  	s8 =	sshrl.u32 s8, $0x1;
	[dreg:$0x8] =	wrdreg s9;
	s2 =	sshrl.u32 s16, $0x4  }
0x17: {  	s9 =	sshrl.u32 s18, $0x1;
	s7 =	sadd.s32 s22, s3;
	s23 =	sadd.s32 s8, s3  }
0x18: {  	s0 =	sshrl.u32 s0, $0x3;
	s8 =	simm.s32 $0x8;
	s2 =	sadd.s32 s5, s2  }
0x19: {  	s9 =	sadd.s32 s9, s3;
	[dreg:$0x13] =	wrdreg s0;
	s26 =	sshrl.u32 s7, $0x3  }
0x1a: {  	s28 =	sshrl.u32 s23, $0x3;
	[dreg:$0xe] =	wrdreg s2;
	s2 =	sshrl.u32 s19, $0x4  }
0x1b: {  	s0 =	simm.s32 $0x2;
	[dreg:$0x15] =	wrdreg s26;
	s2 =	sadd.s32 s5, s2  }
0x1c: {  	s7 =	simm.s32 $0x6;
	[dreg:$0xf] =	wrdreg s2;
	s2 =	sshrl.u32 s20, $0x4  }
0x1d: {  	s19 =	simm.s32 $0x9;
	[dreg:$0x16] =	wrdreg s28;
	s2 =	sadd.s32 s5, s2  }
0x1e: {  	s25 =	sshrl.u32 s9, $0x3;
	[dreg:$0x10] =	wrdreg s2;
	s2 =	sshrl.u32 s21, $0x4  }
0x1f: {  	s26 =	simm.s32 $0x80;
	[dreg:$0x14] =	wrdreg s25;
	s2 =	sadd.s32 s5, s2  }
0x20: {  	v0 =	vimm.bf16 $0.0e+00;
	s20 =	simm.s32 $0x8000;
	[dreg:$0x11] =	wrdreg s2;
	s2 =	simm.s32 $0x8800  }
.LBB2_1:
0x21: {  	s9 =	simm.s32 $0x80;
	s5 =	simm.s32 $0x0  }
.LBB2_2:
0x22: {  	p0 =	seq.s32 s9, $0x1F80;
	[tilespmem:s5+$0x9018] =	vst.msk $0xff, v0;
	s10 =	smov.u32 s9;
	s9 =	sadd.s32 $0x80, s9  }
.Ltmp0:
0x23: {  	[tilespmem:s5+$0x9008] =	vst.msk $0xff, v0;
	(pc) =	sbr.rel @!p0 .LBB2_2-.Ltmp0, $3  }
0x24: {  	[tilespmem:s5+$0x9000] =	vst.msk $0xff, v0  }
0x25: {  	[tilespmem:s5+$0x9010] =	vst.msk $0xff, v0;
	_ =	sdelay $0x1  }
0x26: {  	s5 =	sshra.s32 s10, $0x2  }
0x27: {  	[tilespmem:s5+$0x9018] =	vst.msk $0xff, v0  }
0x28: {  	[tilespmem:s5+$0x9008] =	vst.msk $0xff, v0  }
0x29: {  	[tilespmem:s5+$0x9000] =	vst.msk $0xff, v0;
	[dreg:$0x4] =	wrdreg s11  }
0x2a: {  	[tilespmem:s5+$0x9010] =	vst.msk $0xff, v0;
	s4 =	rddreg [dreg:$0x5];
	s17 =	simm.s32 $0x9000  }
0x2b: {  	[spmem:s4] =	stream.linear.scatter [tilespmem:s17], [sflag:$0x9], $0x800, $0x38;
	[tilespmem:$0xC000] =	vst v63  }
0x2c: {  	_ =	swait.ge [sflag:s19], $0x800  }
0x2d: {  	[sflag:s19] =	ssyncset.done $0x0  }
0x2e: {  	s18 =	rddreg [dreg:$0xa];
	[sflag:s19] =	ssyncadd.s32 $0xFFFFF800  }
0x2f: {  	[spmem:s18] =	stream.linear.scatter [tilespmem:s17], [sflag:$0x9], $0x800, $0x38;
	[tilespmem:$0xC000] =	vst v63  }
0x30: {  	_ =	swait.ge [sflag:s19], $0x800  }
0x31: {  	[sflag:s19] =	ssyncset.done $0x0  }
0x32: {  	s21 =	rddreg [dreg:$0xb];
	[sflag:s19] =	ssyncadd.s32 $0xFFFFF800  }
0x33: {  	[spmem:s21] =	stream.linear.scatter [tilespmem:s17], [sflag:$0x9], $0x800, $0x38;
	[tilespmem:$0xC000] =	vst v63  }
0x34: {  	_ =	swait.ge [sflag:s19], $0x800  }
0x35: {  	[sflag:s19] =	ssyncset.done $0x0  }
0x36: {  	s22 =	rddreg [dreg:$0xc];
	[sflag:s19] =	ssyncadd.s32 $0xFFFFF800  }
0x37: {  	[spmem:s22] =	stream.linear.scatter [tilespmem:s17], [sflag:$0x9], $0x800, $0x38;
	[tilespmem:$0xC000] =	vst v63  }
0x38: {  	_ =	swait.ge [sflag:s19], $0x800  }
0x39: {  	[sflag:s19] =	ssyncset.done $0x0  }
0x3a: {  	s23 =	rddreg [dreg:$0xd];
	[sflag:s19] =	ssyncadd.s32 $0xFFFFF800  }
0x3b: {  	[spmem:s23] =	stream.linear.scatter [tilespmem:s17], [sflag:$0x9], $0x800, $0x38;
	[tilespmem:$0xC000] =	vst v63  }
0x3c: {  	_ =	swait.ge [sflag:s19], $0x800  }
0x3d: {  	[sflag:s19] =	ssyncset.done $0x0  }
0x3e: {  	s24 =	simm.s32 $0x0;
	s25 =	rddreg [dreg:$0x6];
	[sflag:s19] =	ssyncadd.s32 $0xFFFFF800  }
0x3f: {  	[tilespmem:s24], [sflag:$0x9] =	stream.linear.gather [hbm4b:s25+s24], $0x2800, $0x38;
	[tilespmem:$0xC000] =	vst v63  }
0x40: {  	_ =	swait.ge [sflag:s19], $0x2800  }
0x41: {  	[sflag:s19] =	ssyncset.done $0x0  }
0x42: {  	s9 =	simm.s32 $0x2800;
	s28 =	rddreg [dreg:$0x7];
	[sflag:s19] =	ssyncadd.s32 $0xFFFFD800  }
0x43: {  	[tilespmem:s9], [sflag:$0x9] =	stream.linear.gather [hbm4b:s28+s24], $0x2800, $0x38;
	[tilespmem:$0xC000] =	vst v63  }
0x44: {  	_ =	swait.ge [sflag:s19], $0x2800  }
0x45: {  	[sflag:s19] =	ssyncset.done $0x0  }
0x46: {  	[sflag:s19] =	ssyncadd.s32 $0xFFFFD800  }
0x47: {  	[bflag:$0x0] =	sbarrier.arrive $0xFFFF  }
0x48: {  	[tilespmem:s14], [sflag:$0x1] =	stream.indirect.gather [hbm4b:s1+s26], $0x10, s24, s26, $0xb8;
	[tilespmem:$0xC000] =	vst v63  }
0x49: {  	s10 =	simm.s32 $0x5800  }
0x4a: {  	[tilespmem:s10], [sflag:$0x2] =	stream.indirect.gather [hbm4b:s1+s26], $0x10, s26, s26, $0xb8;
	[tilespmem:$0xC000] =	vst v63  }
0x4b: {  	s11 =	simm.s32 $0x100  }
0x4c: {  	[tilespmem:s31], [sflag:$0x3] =	stream.indirect.gather [hbm4b:s1+s26], $0x10, s11, s26, $0xb8;
	[tilespmem:$0xC000] =	vst v63  }
0x4d: {  	s12 =	simm.s32 $0x180;
	s13 =	simm.s32 $0x6800  }
0x4e: {  	[tilespmem:s13], [sflag:$0x4] =	stream.indirect.gather [hbm4b:s1+s26], $0x10, s12, s26, $0xb8;
	[tilespmem:$0xC000] =	vst v63  }
0x4f: {  	s15 =	simm.s32 $0x200  }
0x50: {  	[tilespmem:s29], [sflag:$0x5] =	stream.indirect.gather [hbm4b:s1+s26], $0x10, s15, s26, $0xb8;
	[tilespmem:$0xC000] =	vst v63  }
0x51: {  	s16 =	simm.s32 $0x280;
	s17 =	simm.s32 $0x7800  }
0x52: {  	[tilespmem:s17], [sflag:$0x6] =	stream.indirect.gather [hbm4b:s1+s26], $0x10, s16, s26, $0xb8;
	[tilespmem:$0xC000] =	vst v63  }
0x53: {  	s18 =	simm.s32 $0x300  }
0x54: {  	[tilespmem:s20], [sflag:$0x7] =	stream.indirect.gather [hbm4b:s1+s26], $0x10, s18, s26, $0xb8;
	[tilespmem:$0xC000] =	vst v63  }
0x55: {  	_ =	swait.ge [sflag:s30], $0x800  }
0x56: {  	[sflag:s30] =	ssyncset.done $0x0  }
0x57: {  	s21 =	simm.s32 $0x380;
	[sflag:s30] =	ssyncadd.s32 $0xFFFFF800  }
0x58: {  	[tilespmem:s2], [sflag:$0x8] =	stream.indirect.gather [hbm4b:s1+s26], $0x10, s21, s26, $0xb8;
	[tilespmem:$0xC000] =	vst v63  }
0x59: {  	s22 =	simm.s32 $0x2800  }
0x5a: {  	[spmem:s3] =	stream.indirect.scatter.add.bf16 [tilespmem:s14], [sflag:$0x9], $0x10, s22, s26, $0xb8;
	[tilespmem:$0xC000] =	vst v63  }
0x5b: {  	_ =	swait.ge [sflag:s19], $0x800  }
0x5c: {  	[sflag:s19] =	ssyncset.done $0x0  }
0x5d: {  	[sflag:s19] =	ssyncadd.s32 $0xFFFFF800  }
0x5e: {  	p0 =	por $0x0, $0x0;
	_ =	swait.ge [sflag:s0], $0x800  }
0x5f: {  	s5 =	simm.s32 @p0 $0x2880;
	s9 =	simm.s32 @p0 $0x5800;
	[sflag:s0] =	ssyncset.done $0x0  }
0x60: {  	s10 =	simm.s32 @p0 $0x80;
	s11 =	simm.s32 @p0 $0x9;
	[sflag:s0] =	ssyncadd.s32 $0xFFFFF800  }
0x61: {  	[spmem:s3] =	stream.indirect.scatter.add.bf16 @p0 [tilespmem:s9], [sflag:$0x9], $0x10, s5, s10, $0xb8;
	[tilespmem:$0xC000] =	vst v63  }
0x62: {  	_ =	swait.ge @p0 [sflag:s11], $0x800  }
0x63: {  	[sflag:s11] =	ssyncset.done @p0 $0x0  }
0x64: {  	s5 =	simm.s32 @p0 $0x3;
	[sflag:s11] =	ssyncadd.s32 @p0 $0xFFFFF800  }
0x65: {  	_ =	swait.ge @p0 [sflag:s5], $0x800  }
0x66: {  	s12 =	simm.s32 @!p0 $0x400;
	[sflag:s5] =	ssyncset.done @p0 $0x0  }
0x67: {  	s13 =	simm.s32 @!p0 $0x5000;
	s9 =	simm.s32 @!p0 $0x80;
	[sflag:s5] =	ssyncadd.s32 @p0 $0xFFFFF800  }
0x68: {  	[tilespmem:s13], [sflag:$0x1] =	stream.indirect.gather @!p0 [hbm4b:s1+s9], $0x10, s12, s9, $0xb8;
	[tilespmem:$0xC000] =	vst v63  }
0x69: {  	s5 =	simm.s32 @!p0 $0x2880;
	s13 =	simm.s32 @!p0 $0x5800;
	s12 =	simm.s32 @!p0 $0x9  }
0x6a: {  	[spmem:s3] =	stream.indirect.scatter.add.bf16 @!p0 [tilespmem:s13], [sflag:$0x9], $0x10, s5, s9, $0xb8;
	[tilespmem:$0xC000] =	vst v63  }
0x6b: {  	_ =	swait.ge @!p0 [sflag:s12], $0x800  }
0x6c: {  	[sflag:s12] =	ssyncset.done @!p0 $0x0  }
0x6d: {  	s5 =	simm.s32 @!p0 $0x3;
	[sflag:s12] =	ssyncadd.s32 @!p0 $0xFFFFF800  }
0x6e: {  	_ =	swait.ge @!p0 [sflag:s5], $0x800  }
0x6f: {  	[sflag:s5] =	ssyncset.done @!p0 $0x0  }
0x70: {  	[sflag:s5] =	ssyncadd.s32 @!p0 $0xFFFFF800;
	s5 =	simm.s32 @!p0 $0x480  }
0x71: {  	[tilespmem:s13], [sflag:$0x2] =	stream.indirect.gather @!p0 [hbm4b:s1+s9], $0x10, s5, s9, $0xb8;
	[tilespmem:$0xC000] =	vst v63  }
0x72: {  	s23 =	simm.s32 $0x2900  }
0x73: {  	[spmem:s3] =	stream.indirect.scatter.add.bf16 [tilespmem:s31], [sflag:$0x9], $0x10, s23, s26, $0xb8;
	[tilespmem:$0xC000] =	vst v63  }
0x74: {  	_ =	swait.ge [sflag:s19], $0x800  }
0x75: {  	[sflag:s19] =	ssyncset.done $0x0  }
0x76: {  	[sflag:s19] =	ssyncadd.s32 $0xFFFFF800  }
0x77: {  	_ =	swait.ge [sflag:s6], $0x800  }
0x78: {  	[sflag:s6] =	ssyncset.done $0x0  }
0x79: {  	s5 =	simm.s32 @p0 $0x2980;
	s13 =	simm.s32 @p0 $0x6800;
	[sflag:s6] =	ssyncadd.s32 $0xFFFFF800  }
0x7a: {  	[spmem:s3] =	stream.indirect.scatter.add.bf16 @p0 [tilespmem:s13], [sflag:$0x9], $0x10, s5, s10, $0xb8;
	[tilespmem:$0xC000] =	vst v63  }
0x7b: {  	_ =	swait.ge @p0 [sflag:s11], $0x800  }
0x7c: {  	[sflag:s11] =	ssyncset.done @p0 $0x0  }
0x7d: {  	s5 =	simm.s32 @p0 $0x5;
	[sflag:s11] =	ssyncadd.s32 @p0 $0xFFFFF800  }
0x7e: {  	_ =	swait.ge @p0 [sflag:s5], $0x800  }
0x7f: {  	[sflag:s5] =	ssyncset.done @p0 $0x0  }
0x80: {  	s13 =	simm.s32 @!p0 $0x500;
	[sflag:s5] =	ssyncadd.s32 @p0 $0xFFFFF800;
	s5 =	simm.s32 @!p0 $0x6000  }
0x81: {  	[tilespmem:s5], [sflag:$0x3] =	stream.indirect.gather @!p0 [hbm4b:s1+s9], $0x10, s13, s9, $0xb8;
	[tilespmem:$0xC000] =	vst v63  }
0x82: {  	s5 =	simm.s32 @!p0 $0x2980;
	s13 =	simm.s32 @!p0 $0x6800  }
0x83: {  	[spmem:s3] =	stream.indirect.scatter.add.bf16 @!p0 [tilespmem:s13], [sflag:$0x9], $0x10, s5, s9, $0xb8;
	[tilespmem:$0xC000] =	vst v63  }
0x84: {  	_ =	swait.ge @!p0 [sflag:s12], $0x800  }
0x85: {  	[sflag:s12] =	ssyncset.done @!p0 $0x0  }
0x86: {  	s5 =	simm.s32 @!p0 $0x5;
	[sflag:s12] =	ssyncadd.s32 @!p0 $0xFFFFF800  }
0x87: {  	_ =	swait.ge @!p0 [sflag:s5], $0x800  }
0x88: {  	[sflag:s5] =	ssyncset.done @!p0 $0x0  }
0x89: {  	[sflag:s5] =	ssyncadd.s32 @!p0 $0xFFFFF800;
	s5 =	simm.s32 @!p0 $0x580  }
0x8a: {  	[tilespmem:s13], [sflag:$0x4] =	stream.indirect.gather @!p0 [hbm4b:s1+s9], $0x10, s5, s9, $0xb8;
	[tilespmem:$0xC000] =	vst v63  }
0x8b: {  	s24 =	simm.s32 $0x2A00  }
0x8c: {  	[spmem:s3] =	stream.indirect.scatter.add.bf16 [tilespmem:s29], [sflag:$0x9], $0x10, s24, s26, $0xb8;
	[tilespmem:$0xC000] =	vst v63  }
0x8d: {  	_ =	swait.ge [sflag:s19], $0x800  }
0x8e: {  	[sflag:s19] =	ssyncset.done $0x0  }
0x8f: {  	[sflag:s19] =	ssyncadd.s32 $0xFFFFF800  }
0x90: {  	_ =	swait.ge [sflag:s7], $0x800  }
0x91: {  	[sflag:s7] =	ssyncset.done $0x0  }
0x92: {  	s5 =	simm.s32 @p0 $0x2A80;
	s13 =	simm.s32 @p0 $0x7800;
	[sflag:s7] =	ssyncadd.s32 $0xFFFFF800  }
0x93: {  	[spmem:s3] =	stream.indirect.scatter.add.bf16 @p0 [tilespmem:s13], [sflag:$0x9], $0x10, s5, s10, $0xb8;
	[tilespmem:$0xC000] =	vst v63  }
0x94: {  	_ =	swait.ge @p0 [sflag:s11], $0x800  }
0x95: {  	[sflag:s11] =	ssyncset.done @p0 $0x0  }
0x96: {  	s5 =	simm.s32 @p0 $0x7;
	[sflag:s11] =	ssyncadd.s32 @p0 $0xFFFFF800  }
0x97: {  	_ =	swait.ge @p0 [sflag:s5], $0x800  }
0x98: {  	[sflag:s5] =	ssyncset.done @p0 $0x0  }
0x99: {  	s10 =	simm.s32 @!p0 $0x600;
	[sflag:s5] =	ssyncadd.s32 @p0 $0xFFFFF800;
	s5 =	simm.s32 @!p0 $0x7000  }
0x9a: {  	[tilespmem:s5], [sflag:$0x5] =	stream.indirect.gather @!p0 [hbm4b:s1+s9], $0x10, s10, s9, $0xb8;
	[tilespmem:$0xC000] =	vst v63  }
0x9b: {  	s5 =	simm.s32 @!p0 $0x2A80;
	s10 =	simm.s32 @!p0 $0x7800  }
0x9c: {  	[spmem:s3] =	stream.indirect.scatter.add.bf16 @!p0 [tilespmem:s10], [sflag:$0x9], $0x10, s5, s9, $0xb8;
	[tilespmem:$0xC000] =	vst v63  }
0x9d: {  	_ =	swait.ge @!p0 [sflag:s12], $0x800  }
0x9e: {  	[sflag:s12] =	ssyncset.done @!p0 $0x0  }
0x9f: {  	s5 =	simm.s32 @!p0 $0x7;
	[sflag:s12] =	ssyncadd.s32 @!p0 $0xFFFFF800  }
0xa0: {  	_ =	swait.ge @!p0 [sflag:s5], $0x800  }
0xa1: {  	[sflag:s5] =	ssyncset.done @!p0 $0x0  }
0xa2: {  	[sflag:s5] =	ssyncadd.s32 @!p0 $0xFFFFF800;
	s5 =	simm.s32 @!p0 $0x680  }
0xa3: {  	[tilespmem:s10], [sflag:$0x6] =	stream.indirect.gather @!p0 [hbm4b:s1+s9], $0x10, s5, s9, $0xb8;
	[tilespmem:$0xC000] =	vst v63  }
0xa4: {  	s25 =	simm.s32 $0x2B00  }
0xa5: {  	[spmem:s3] =	stream.indirect.scatter.add.bf16 [tilespmem:s20], [sflag:$0x9], $0x10, s25, s26, $0xb8;
	[tilespmem:$0xC000] =	vst v63  }
0xa6: {  	_ =	swait.ge [sflag:s19], $0x800  }
0xa7: {  	[sflag:s19] =	ssyncset.done $0x0  }
0xa8: {  	[sflag:s19] =	ssyncadd.s32 $0xFFFFF800  }
0xa9: {  	_ =	swait.ge [sflag:s8], $0x800  }
0xaa: {  	[sflag:s8] =	ssyncset.done $0x0  }
0xab: {  	s5 =	simm.s32 @!p0 $0x700;
	s10 =	simm.s32 @!p0 $0x8000;
	[sflag:s8] =	ssyncadd.s32 $0xFFFFF800  }
0xac: {  	[tilespmem:s10], [sflag:$0x7] =	stream.indirect.gather @!p0 [hbm4b:s1+s9], $0x10, s5, s9, $0xb8;
	[tilespmem:$0xC000] =	vst v63  }
0xad: {  	s28 =	simm.s32 $0x2B80  }
0xae: {  	[spmem:s3] =	stream.indirect.scatter.add.bf16 [tilespmem:s2], [sflag:$0x9], $0x10, s28, s26, $0xb8;
	[tilespmem:$0xC000] =	vst v63  }
0xaf: {  	s9 =	simm.s32 $0x1000;
	_ =	swait.ge [sflag:s19], $0x800  }
.LBB2_4:
0xb0: {  	[sflag:s19] =	ssyncset.done $0x0;
	s5 =	smov.u32 s9;
	s9 =	sadd.s32 $0x1000, s9  }
0xb1: {  	p0 =	sne.s32 s9, $0xA000;
	[sflag:s19] =	ssyncadd.s32 $0xFFFFF800  }
0xb2: {  	_ =	swait.ge [sflag:s30], $0x800  }
0xb3: {  	s10 =	sshra.s32 s5, $0x2;
	[sflag:s30] =	ssyncset.done $0x0  }
0xb4: {  	s11 =	sadd.s32 $0x380, s10;
	[sflag:s30] =	ssyncadd.s32 $0xFFFFF800  }
0xb5: {  	[tilespmem:s2], [sflag:$0x8] =	stream.indirect.gather [hbm4b:s1+s26], $0x10, s11, s26, $0xb8;
	[tilespmem:$0xC000] =	vst v63  }
0xb6: {  	s11 =	sadd.s32 $0x2800, s10  }
0xb7: {  	[spmem:s3] =	stream.indirect.scatter.add.bf16 [tilespmem:s14], [sflag:$0x9], $0x10, s11, s26, $0xb8;
	[tilespmem:$0xC000] =	vst v63  }
0xb8: {  	_ =	swait.ge [sflag:s19], $0x800  }
0xb9: {  	[sflag:s19] =	ssyncset.done $0x0  }
0xba: {  	[sflag:s19] =	ssyncadd.s32 $0xFFFFF800  }
0xbb: {  	p1 =	seq.s32 s5, $0x9000;
	_ =	swait.ge [sflag:s0], $0x800  }
0xbc: {  	s13 =	simm.s32 @p1 $0x80;
	s11 =	sshra.s32 @p1 s5, $0x2;
	[sflag:s0] =	ssyncset.done $0x0  }
0xbd: {  	s14 =	simm.s32 @p1 $0x5800;
	s12 =	sadd.s32 @p1 $0x2880, s11;
	[sflag:s0] =	ssyncadd.s32 $0xFFFFF800  }
0xbe: {  	[spmem:s3] =	stream.indirect.scatter.add.bf16 @p1 [tilespmem:s14], [sflag:$0x9], $0x10, s12, s13, $0xb8;
	[tilespmem:$0xC000] =	vst v63  }
0xbf: {  	s14 =	simm.s32 @p1 $0x9;
	s12 =	sshra.s32 @!p1 s5, $0x2;
	s5 =	sadd.s32 @p1 $0x2980, s11  }
0xc0: {  	s15 =	sadd.s32 @!p1 $0x400, s12;
	s18 =	sadd.s32 @!p1 $0x2880, s12;
	_ =	swait.ge @p1 [sflag:s14], $0x800  }
0xc1: {  	s16 =	simm.s32 @p1 $0x3;
	s4 =	sadd.s32 @!p1 $0x480, s12;
	[sflag:s14] =	ssyncset.done @p1 $0x0  }
0xc2: {  	s25 =	sadd.s32 @!p1 $0x500, s12;
	s24 =	sadd.s32 @!p1 $0x2980, s12;
	[sflag:s14] =	ssyncadd.s32 @p1 $0xFFFFF800  }
0xc3: {  	s22 =	sadd.s32 @p1 $0x2A80, s11;
	s23 =	sadd.s32 @!p1 $0x580, s12;
	_ =	swait.ge @p1 [sflag:s16], $0x800  }
0xc4: {  	s21 =	simm.s32 @!p1 $0x5000;
	s11 =	simm.s32 @!p1 $0x80;
	[sflag:s16] =	ssyncset.done @p1 $0x0  }
0xc5: {  	s28 =	simm.s32 @!p1 $0x5800;
	s17 =	sadd.s32 @!p1 $0x600, s12;
	[sflag:s16] =	ssyncadd.s32 @p1 $0xFFFFF800  }
0xc6: {  	[tilespmem:s21], [sflag:$0x1] =	stream.indirect.gather @!p1 [hbm4b:s1+s11], $0x10, s15, s11, $0xb8;
	[tilespmem:$0xC000] =	vst v63  }
0xc7: {  	s16 =	simm.s32 @!p1 $0x9;
	s21 =	sadd.s32 @!p1 $0x2A80, s12;
	s15 =	sadd.s32 @!p1 $0x680, s12  }
0xc8: {  	[spmem:s3] =	stream.indirect.scatter.add.bf16 @!p1 [tilespmem:s28], [sflag:$0x9], $0x10, s18, s11, $0xb8;
	[tilespmem:$0xC000] =	vst v63  }
0xc9: {  	s12 =	sadd.s32 @!p1 $0x700, s12;
	_ =	swait.ge @!p1 [sflag:s16], $0x800  }
0xca: {  	s18 =	simm.s32 @!p1 $0x3;
	[sflag:s16] =	ssyncset.done @!p1 $0x0  }
0xcb: {  	[sflag:s16] =	ssyncadd.s32 @!p1 $0xFFFFF800  }
0xcc: {  	_ =	swait.ge @!p1 [sflag:s18], $0x800  }
0xcd: {  	[sflag:s18] =	ssyncset.done @!p1 $0x0  }
0xce: {  	[sflag:s18] =	ssyncadd.s32 @!p1 $0xFFFFF800;
	s18 =	sadd.s32 $0x2900, s10  }
0xcf: {  	[tilespmem:s28], [sflag:$0x2] =	stream.indirect.gather @!p1 [hbm4b:s1+s11], $0x10, s4, s11, $0xb8;
	[tilespmem:$0xC000] =	vst v63  }
0xd0: {  	_ = 	snop  }
0xd1: {  	[spmem:s3] =	stream.indirect.scatter.add.bf16 [tilespmem:s31], [sflag:$0x9], $0x10, s18, s26, $0xb8;
	[tilespmem:$0xC000] =	vst v63  }
0xd2: {  	_ =	swait.ge [sflag:s19], $0x800  }
0xd3: {  	[sflag:s19] =	ssyncset.done $0x0  }
0xd4: {  	[sflag:s19] =	ssyncadd.s32 $0xFFFFF800  }
0xd5: {  	_ =	swait.ge [sflag:s6], $0x800  }
0xd6: {  	s4 =	simm.s32 @p1 $0x6800;
	[sflag:s6] =	ssyncset.done $0x0  }
0xd7: {  	[sflag:s6] =	ssyncadd.s32 $0xFFFFF800  }
0xd8: {  	[spmem:s3] =	stream.indirect.scatter.add.bf16 @p1 [tilespmem:s4], [sflag:$0x9], $0x10, s5, s13, $0xb8;
	[tilespmem:$0xC000] =	vst v63  }
0xd9: {  	_ =	swait.ge @p1 [sflag:s14], $0x800  }
0xda: {  	s4 =	simm.s32 @p1 $0x5;
	[sflag:s14] =	ssyncset.done @p1 $0x0  }
0xdb: {  	[sflag:s14] =	ssyncadd.s32 @p1 $0xFFFFF800  }
0xdc: {  	_ =	swait.ge @p1 [sflag:s4], $0x800  }
0xdd: {  	s5 =	simm.s32 @!p1 $0x6000;
	[sflag:s4] =	ssyncset.done @p1 $0x0  }
0xde: {  	[sflag:s4] =	ssyncadd.s32 @p1 $0xFFFFF800;
	s4 =	simm.s32 @!p1 $0x6800  }
0xdf: {  	[tilespmem:s5], [sflag:$0x3] =	stream.indirect.gather @!p1 [hbm4b:s1+s11], $0x10, s25, s11, $0xb8;
	[tilespmem:$0xC000] =	vst v63  }
0xe0: {  	_ = 	snop  }
0xe1: {  	[spmem:s3] =	stream.indirect.scatter.add.bf16 @!p1 [tilespmem:s4], [sflag:$0x9], $0x10, s24, s11, $0xb8;
	[tilespmem:$0xC000] =	vst v63  }
0xe2: {  	_ =	swait.ge @!p1 [sflag:s16], $0x800  }
0xe3: {  	s5 =	simm.s32 @!p1 $0x5;
	[sflag:s16] =	ssyncset.done @!p1 $0x0  }
0xe4: {  	[sflag:s16] =	ssyncadd.s32 @!p1 $0xFFFFF800  }
0xe5: {  	_ =	swait.ge @!p1 [sflag:s5], $0x800  }
0xe6: {  	[sflag:s5] =	ssyncset.done @!p1 $0x0  }
0xe7: {  	[sflag:s5] =	ssyncadd.s32 @!p1 $0xFFFFF800;
	s5 =	sadd.s32 $0x2A00, s10  }
0xe8: {  	[tilespmem:s4], [sflag:$0x4] =	stream.indirect.gather @!p1 [hbm4b:s1+s11], $0x10, s23, s11, $0xb8;
	[tilespmem:$0xC000] =	vst v63  }
0xe9: {  	_ = 	snop  }
0xea: {  	[spmem:s3] =	stream.indirect.scatter.add.bf16 [tilespmem:s29], [sflag:$0x9], $0x10, s5, s26, $0xb8;
	[tilespmem:$0xC000] =	vst v63  }
0xeb: {  	_ =	swait.ge [sflag:s19], $0x800  }
0xec: {  	[sflag:s19] =	ssyncset.done $0x0  }
0xed: {  	[sflag:s19] =	ssyncadd.s32 $0xFFFFF800  }
0xee: {  	_ =	swait.ge [sflag:s7], $0x800  }
0xef: {  	s4 =	simm.s32 @p1 $0x7800;
	[sflag:s7] =	ssyncset.done $0x0  }
0xf0: {  	[sflag:s7] =	ssyncadd.s32 $0xFFFFF800  }
0xf1: {  	[spmem:s3] =	stream.indirect.scatter.add.bf16 @p1 [tilespmem:s4], [sflag:$0x9], $0x10, s22, s13, $0xb8;
	[tilespmem:$0xC000] =	vst v63  }
0xf2: {  	_ =	swait.ge @p1 [sflag:s14], $0x800  }
0xf3: {  	s4 =	simm.s32 @p1 $0x7;
	[sflag:s14] =	ssyncset.done @p1 $0x0  }
0xf4: {  	[sflag:s14] =	ssyncadd.s32 @p1 $0xFFFFF800;
	s14 =	simm.s32 $0x5000  }
0xf5: {  	_ =	swait.ge @p1 [sflag:s4], $0x800  }
0xf6: {  	s5 =	simm.s32 @!p1 $0x7000;
	[sflag:s4] =	ssyncset.done @p1 $0x0  }
0xf7: {  	[sflag:s4] =	ssyncadd.s32 @p1 $0xFFFFF800;
	s4 =	simm.s32 @!p1 $0x7800  }
0xf8: {  	[tilespmem:s5], [sflag:$0x5] =	stream.indirect.gather @!p1 [hbm4b:s1+s11], $0x10, s17, s11, $0xb8;
	[tilespmem:$0xC000] =	vst v63  }
0xf9: {  	_ = 	snop  }
0xfa: {  	[spmem:s3] =	stream.indirect.scatter.add.bf16 @!p1 [tilespmem:s4], [sflag:$0x9], $0x10, s21, s11, $0xb8;
	[tilespmem:$0xC000] =	vst v63  }
0xfb: {  	_ =	swait.ge @!p1 [sflag:s16], $0x800  }
0xfc: {  	s5 =	simm.s32 @!p1 $0x7;
	[sflag:s16] =	ssyncset.done @!p1 $0x0  }
0xfd: {  	[sflag:s16] =	ssyncadd.s32 @!p1 $0xFFFFF800  }
0xfe: {  	_ =	swait.ge @!p1 [sflag:s5], $0x800  }
0xff: {  	[sflag:s5] =	ssyncset.done @!p1 $0x0  }
0x100: {  	[sflag:s5] =	ssyncadd.s32 @!p1 $0xFFFFF800;
	s5 =	sadd.s32 $0x2B00, s10  }
0x101: {  	[tilespmem:s4], [sflag:$0x6] =	stream.indirect.gather @!p1 [hbm4b:s1+s11], $0x10, s15, s11, $0xb8;
	[tilespmem:$0xC000] =	vst v63  }
0x102: {  	_ = 	snop  }
0x103: {  	[spmem:s3] =	stream.indirect.scatter.add.bf16 [tilespmem:s20], [sflag:$0x9], $0x10, s5, s26, $0xb8;
	[tilespmem:$0xC000] =	vst v63  }
0x104: {  	_ =	swait.ge [sflag:s19], $0x800  }
0x105: {  	[sflag:s19] =	ssyncset.done $0x0  }
0x106: {  	[sflag:s19] =	ssyncadd.s32 $0xFFFFF800  }
0x107: {  	_ =	swait.ge [sflag:s8], $0x800  }
0x108: {  	s4 =	simm.s32 @!p1 $0x8000;
	[sflag:s8] =	ssyncset.done $0x0  }
.Ltmp1:
0x109: {  	s5 =	sadd.s32 $0x2B80, s10;
	[sflag:s8] =	ssyncadd.s32 $0xFFFFF800;
	(pc) =	sbr.rel @p0 .LBB2_4-.Ltmp1, $4  }
0x10a: {  	[tilespmem:s4], [sflag:$0x7] =	stream.indirect.gather @!p1 [hbm4b:s1+s11], $0x10, s12, s11, $0xb8;
	[tilespmem:$0xC000] =	vst v63  }
0x10b: {  	_ = 	snop  }
0x10c: {  	[spmem:s3] =	stream.indirect.scatter.add.bf16 [tilespmem:s2], [sflag:$0x9], $0x10, s5, s26, $0xb8;
	[tilespmem:$0xC000] =	vst v63  }
0x10d: {  	_ =	swait.ge [sflag:s19], $0x800  }
0x10e: {  	[sflag:s19] =	ssyncset.done $0x0  }
0x10f: {  	[sflag:s19] =	ssyncadd.s32 $0xFFFFF800  }
0x110: {  	s4 =	stileid.u32;
	[bflag:$0x0] =	sbarrier.arrive $0xFFFF  }
0x111: {  	s4 =	sshll.u32 s4, $0x6;
	s5 =	rddreg [dreg:$0x8]  }
0x112: {  	s4 =	sor.u32 $0x1C09, s4;
	s9 =	rddreg [dreg:$0x12]  }
0x113: {  	[hbm:s5], [sflag:s4] =	dma.local [spmem:s9], $0x100  }
0x114: {  	_ =	swait.ge [sflag:s19], $0x100  }
0x115: {  	[sflag:s19] =	ssyncset.done $0x0;
	s16 =	rddreg [dreg:$0xe]  }
0x116: {  	s17 =	rddreg [dreg:$0x13];
	[sflag:s19] =	ssyncadd.s32 $0xFFFFFF00  }
0x117: {  	[hbm:s16], [sflag:s4] =	dma.local [spmem:s17], $0x100  }
0x118: {  	_ =	swait.ge [sflag:s19], $0x100  }
0x119: {  	[sflag:s19] =	ssyncset.done $0x0;
	s18 =	rddreg [dreg:$0xf]  }
0x11a: {  	s21 =	rddreg [dreg:$0x14];
	[sflag:s19] =	ssyncadd.s32 $0xFFFFFF00  }
0x11b: {  	[hbm:s18], [sflag:s4] =	dma.local [spmem:s21], $0x100  }
0x11c: {  	_ =	swait.ge [sflag:s19], $0x100  }
0x11d: {  	[sflag:s19] =	ssyncset.done $0x0;
	s22 =	rddreg [dreg:$0x10]  }
0x11e: {  	s23 =	rddreg [dreg:$0x15];
	[sflag:s19] =	ssyncadd.s32 $0xFFFFFF00  }
0x11f: {  	[hbm:s22], [sflag:s4] =	dma.local [spmem:s23], $0x100  }
0x120: {  	_ =	swait.ge [sflag:s19], $0x100  }
0x121: {  	[sflag:s19] =	ssyncset.done $0x0;
	s24 =	rddreg [dreg:$0x11]  }
0x122: {  	s25 =	rddreg [dreg:$0x16];
	[sflag:s19] =	ssyncadd.s32 $0xFFFFFF00  }
0x123: {  	[hbm:s24], [sflag:s4] =	dma.local [spmem:s25], $0x100  }
0x124: {  	_ =	swait.ge [sflag:s19], $0x100  }
0x125: {  	s11 =	rddreg [dreg:$0x4]  }
0x126: {  	s28 =	rddreg [dreg:$0x9];
	s11 =	sadd.s32 $0x1, s11  }
0x127: {  	p0 =	sne.s32 s11, s28  }
.Ltmp2:
0x128: {  	_ = 	snop;
	(pc) =	sbr.rel @p0 .LBB2_1-.Ltmp2, $3  }
0x129: {  	_ =	sdelay $0x1  }
0x12a: {  	[sflag:s19] =	ssyncset.done $0x0  }
0x12b: {  	[sflag:s19] =	ssyncadd.s32 $0xFFFFFF00  }
0x12c: {  	_ =	sfence.sel $0x180000  }
0x12d: {  	[bflag:$0x0] =	sbarrier.arrive $0xFFFF  }
0x12e: {  	_ =	strace $0x9000004A  }
0x12f: {  	s0 =	stileid.u32;
	[bflag:$0x2] =	sbarrier.arrive $0xFFFF  }
0x130: {  	p0 =	sne.s32 s0, $0x0;
	s0 =	rddreg [dreg:$0x3]  }
0x131: {  	s0 =	sadd.s32 @!p0 $0x100000, s0  }
0x132: {  	[sflag:s0] =	ssyncadd.tile.s32 @!p0 $0x1;
	_ =	shalt  }
.Lfunc_end2:
_tile_overlayer_lowered:
.L_overlay_start_2:
0x133: {  	(tag) =	ssettag $0x2  }
0x134: {  	s0 =	rddreg [dreg:$0x0];
	s2 =	stileid.u32  }
0x135: {  	s1 =	rddreg [dreg:$0x1];
	p0 =	sne.s32 s2, $0x0  }
0x136: {  	s3 =	rddreg [dreg:$0x2];
	[bflag:$0x3] =	sbarrier.arrive $0xFFFF;
	s2 =	simm.s32 @!p0 $0x1C09  }
0x137: {  	[timem:s3], [sflag:s2] =	dma.local @!p0 [hbm:s0], s1  }
0x138: {  	s0 =	simm.s32 @!p0 $0x9  }
0x139: {  	_ =	swait.ge @!p0 [sflag:s0], s1  }
0x13a: {  	s1 =	ssub.s32 @!p0 $0x0, s1;
	[sflag:s0] =	ssyncset.done @!p0 $0x0  }
0x13b: {  	[sflag:s0] =	ssyncadd.s32 @!p0 s1  }
0x13c: {  	[bflag:$0x3] =	sbarrier.arrive $0xFFFF  }
0x13d: {  	_ =	shalt  }

// kernel: kernel.8.cloned.1.call-start
scs
__scs_entry_jumppad:
0x0: {  	(pc) =	sbr.rel $0x88, $3  }
0x1: {  	(tag) =	ssettag $0x0;
	lr =	simm.s32 $0x1  }
0x2: {  	[smem:$0x3F99] =	sst lr;
	_ =	strace $0xD0000000  }
0x3: {  	_ = 	snop  }
0x4: {  	_ = 	snop  }
0x5: {  	_ = 	snop  }
0x6: {  	_ = 	snop  }
0x7: {  	_ = 	snop  }
__scs_overlays_trampoline_lowered:
0x8: {  	[smem:$0x3FA8] =	sst s0  }
0x9: {  	[smem:$0x3FA9] =	sst s1  }
0xa: {  	[smem:$0x3FAA] =	sst s2  }
0xb: {  	[smem:$0x3FAB] =	sst s3  }
0xc: {  	[smem:$0x3FAC] =	sst s4  }
0xd: {  	[smem:$0x3FAD] =	sst s5  }
0xe: {  	[smem:$0x3FAE] =	sst s6  }
0xf: {  	[smem:$0x3FAF] =	sst s7  }
0x10: {  	[smem:$0x3FB0] =	sst s8  }
0x11: {  	[smem:$0x3FB1] =	sst s9;
	s0 =	simm.s32 @!p0 $0x0  }
0x12: {  	s1 =	sld [smem:$0x3F97];
	s0 =	simm.s32 @p0 $0x1  }
0x13: {  	[smem:$0x3FB2] =	sst s0;
	s0 =	simm.s32 @!p1 $0x0  }
0x14: {  	s2 =	sld [smem:$0x3F96];
	s0 =	simm.s32 @p1 $0x1  }
0x15: {  	[smem:$0x3FB3] =	sst s0;
	s0 =	simm.s32 @!p2 $0x0  }
0x16: {  	s3 =	sld [smem:$0x3FDB];
	s0 =	simm.s32 @p2 $0x1  }
0x17: {  	s4 =	simm.s32 $0x1BF5;
	[smem:$0x3FB5] =	sst s0  }
0x18: {  	s0 =	sld [smem:$0x3F98];
	_ =	swait.ge [sflag:s4], $0x0  }
0x19: {  	s7 =	sld [smem:$0x3F99]  }
0x1a: {  	s8 =	sadd.s32 $0xFFFFE003, lr  }
0x1b: {  	s9 =	sadd.s32 $0xFFFFFEF7, lr;
	s5 =	simm.s32 $0xFFFFFFFF;
	p2 =	slt.u32 s8, $0xFFFFF086  }
0x1c: {  	p1 =	slt.u32 s9, $0xF7A;
	s5 =	simm.s32 @!p2 $0x0  }
0x1d: {  	s5 =	simm.s32 @p1 $0x1;
	p0 =	seq.s32 s7, s2  }
0x1e: {  	s7 =	smul.u32 @!p0 $0xF7A, s2;
	p2 =	seq.s32 @!p0 s5, $0x0  }
0x1f: {  	s9 =	smul.u32 $0xF7A, s1;
	s8 =	simm.s32 @!p0 $0x1BF5;
	p2 =	por !p2, p0  }
0x20: {  	[sflag:s8] =	ssyncset.s32 @!p0 $0xFFFFF086;
	s6 =	sadd.s32 @!p0 s3, s7;
	s7 =	simm.s32 @!p0 $0x108  }
0x21: {  	s3 =	sadd.s32 s3, s9;
	s6 =	sadd.s32 @!p0 $0x88, s6;
	s7 =	simm.s32 @p2 $0x1082  }
0x22: {  	[simem:s7], [sflag:s8] =	dma.local @!p0 [hbm:s6], $0xF7A  }
0x23: {  	s9 =	sor.u32 $0xD0000000, s2;
	s6 =	simm.s32 $0x108;
	_ =	swait.ge @!p0 [sflag:s8], $0x0  }
0x24: {  	s3 =	sadd.s32 $0x88, s3;
	s6 =	simm.s32 @!p1 $0x1082;
	[sflag:s4] =	ssyncset.s32 $0xFFFFF086  }
0x25: {  	[simem:s6], [sflag:s4] =	dma.local [hbm:s3], $0xF7A  }
0x26: {  	[smem:$0x3F99] =	sst s1;
	(tag) =	ssettag s2;
	_ =	strace s9  }
0x27: {  	s1 =	sld [smem:$0x3FA9]  }
0x28: {  	s2 =	sld [smem:$0x3FAA]  }
0x29: {  	s4 =	sld [smem:$0x3FAC]  }
0x2a: {  	p0 =	seq.s32 s5, $0x0;
	s5 =	sld [smem:$0x3FAD]  }
0x2b: {  	s6 =	sld [smem:$0x3FAE]  }
0x2c: {  	s7 =	sld [smem:$0x3FAF]  }
0x2d: {  	s3 =	simm.s32 $0x108;
	s8 =	sld [smem:$0x3FB0]  }
0x2e: {  	s3 =	simm.s32 @!p0 $0x1082;
	s9 =	sld [smem:$0x3FB1]  }
0x2f: {  	lr =	sadd.s32 s0, s3;
	s0 =	sld [smem:$0x3FA8]  }
0x30: {  	s3 =	sld [smem:$0x3FAB]  }
0x31: {  	[smem:$0x3FB4] =	sst s10  }
0x32: {  	s10 =	sld [smem:$0x3FB2];
	_ =	sdelay $0x3  }
0x33: {  	p0 =	seq.s32 s10, $0x1;
	s10 =	sld [smem:$0x3FB4];
	_ =	sdelay $0x3  }
0x34: {  	[smem:$0x3FB4] =	sst s10  }
0x35: {  	s10 =	sld [smem:$0x3FB3];
	_ =	sdelay $0x3  }
0x36: {  	p1 =	seq.s32 s10, $0x1;
	s10 =	sld [smem:$0x3FB4];
	_ =	sdelay $0x3  }
0x37: {  	[smem:$0x3FB4] =	sst s10  }
0x38: {  	s10 =	sld [smem:$0x3FB5]  }
0x39: {  	_ = 	snop;
	(pc) =	sbr.ind lr, $3  }
0x3a: {  	_ = 	snop  }
0x3b: {  	_ = 	snop  }
0x3c: {  	p2 =	seq.s32 s10, $0x1;
	s10 =	sld [smem:$0x3FB4]  }
0x3d: {  	_ =	shalt  }
0x3e: {  	_ =	shalt  }
0x3f: {  	_ =	shalt  }
0x40: {  	_ =	shalt  }
0x41: {  	_ =	shalt  }
0x42: {  	_ =	shalt  }
0x43: {  	_ =	shalt  }
0x44: {  	_ =	shalt  }
0x45: {  	_ =	shalt  }
0x46: {  	_ =	shalt  }
0x47: {  	_ =	shalt  }
0x48: {  	_ =	shalt  }
0x49: {  	_ =	shalt  }
0x4a: {  	_ =	shalt  }
0x4b: {  	_ =	shalt  }
0x4c: {  	_ =	shalt  }
0x4d: {  	_ =	shalt  }
0x4e: {  	_ =	shalt  }
0x4f: {  	_ =	shalt  }
0x50: {  	_ =	shalt  }
0x51: {  	_ =	shalt  }
0x52: {  	_ =	shalt  }
0x53: {  	_ =	shalt  }
0x54: {  	_ =	shalt  }
0x55: {  	_ =	shalt  }
0x56: {  	_ =	shalt  }
0x57: {  	_ =	shalt  }
0x58: {  	_ =	shalt  }
0x59: {  	_ =	shalt  }
0x5a: {  	_ =	shalt  }
0x5b: {  	_ =	shalt  }
0x5c: {  	_ =	shalt  }
0x5d: {  	_ =	shalt  }
0x5e: {  	_ =	shalt  }
0x5f: {  	_ =	shalt  }
0x60: {  	_ =	shalt  }
0x61: {  	_ =	shalt  }
0x62: {  	_ =	shalt  }
0x63: {  	_ =	shalt  }
0x64: {  	_ =	shalt  }
0x65: {  	_ =	shalt  }
0x66: {  	_ =	shalt  }
0x67: {  	_ =	shalt  }
0x68: {  	_ =	shalt  }
0x69: {  	_ =	shalt  }
0x6a: {  	_ =	shalt  }
0x6b: {  	_ =	shalt  }
0x6c: {  	_ =	shalt  }
0x6d: {  	_ =	shalt  }
0x6e: {  	_ =	shalt  }
0x6f: {  	_ =	shalt  }
0x70: {  	_ =	shalt  }
0x71: {  	_ =	shalt  }
0x72: {  	_ =	shalt  }
0x73: {  	_ =	shalt  }
0x74: {  	_ =	shalt  }
0x75: {  	_ =	shalt  }
0x76: {  	_ =	shalt  }
0x77: {  	_ =	shalt  }
0x78: {  	_ =	shalt  }
0x79: {  	_ =	shalt  }
0x7a: {  	_ =	shalt  }
0x7b: {  	_ =	shalt  }
0x7c: {  	_ =	shalt  }
0x7d: {  	_ =	shalt  }
0x7e: {  	_ =	shalt  }
0x7f: {  	_ =	shalt  }
0x80: {  	_ =	shalt  }
0x81: {  	_ =	shalt  }
0x82: {  	_ =	shalt  }
0x83: {  	_ =	shalt  }
0x84: {  	_ =	shalt  }
0x85: {  	_ =	shalt  }
0x86: {  	_ =	shalt  }
0x87: {  	_ =	shalt  }
.Lfunc_end0:
.L_simem_size_0:
called_computation_lowered:
.L_overlay_start_0:
0x88: {  	s2 =	sld [smem:$0x3FD9]  }
0x89: {  	s3 =	sld [smem:$0x3FFE];
	_ =	sdelay $0x1  }
0x8a: {  	s1 =	srdreg.scid  }
0x8b: {  	s0 =	sand.u32 $0x1, s1  }
0x8c: {  	s17 =	sshll.u32 s0, $0xA;
	s2 =	sadd.s32 s3, s2  }
0x8d: {  	s2 =	sadd.s32 s2, s17  }
0x8e: {  	[smem:$0x3FC0] =	sst s2  }
0x8f: {  	_ = 	snop  }
0x90: {  	s2 =	sld [smem:$0x3FD0];
	(tm) =	ssettm $0x1  }
0x91: {  	s18 =	sld [smem:$0x3FFB];
	_ =	sdelay $0x3  }
0x92: {  	_ =	strace s18  }
0x93: {  	s3 =	sld [smem:$0x3FFC];
	_ =	sdelay $0x3  }
0x94: {  	_ =	strace s3  }
0x95: {  	s3 =	sld [smem:$0x3FFD];
	_ =	sdelay $0x3  }
0x96: {  	_ =	strace s3  }
0x97: {  	_ =	strace $0x8FFFFFFF  }
0x98: {  	s19 =	sld [smem:$0x3FDB];
	_ =	sdelay $0x1  }
0x99: {  	s4 =	simm.s32 $_scs_section_size  }
0x9a: {  	s5 =	simm.s32 $_size__tile_overlayer_lowered;
	s6 =	simm.s32 $_tile_overlayer_lowered  }
0x9b: {  	s22 =	simm.s32 $0x1BFF;
	s21 =	sshll.u32 s6, $0x1;
	s3 =	sadd.s32 s4, s19  }
0x9c: {  	s7 =	simm.s32 $0x0;
	s20 =	sshll.u32 s5, $0x1;
	s5 =	sadd.s32 s21, s3  }
0x9d: {  	[timem:s7], [sflag:s22] =	dma.local [hbm:s5], s20  }
0x9e: {  	_ =	swait.ge [sflag:s22], s20  }
0x9f: {  	s4 =	ssub.s32 $0x0, s20;
	[sflag:s22] =	ssyncset.done $0x0  }
0xa0: {  	[sflag:s22] =	ssyncadd.s32 s4;
	_ =	sdelay $0x1  }
0xa1: {  	s23 =	simm.s32 $0x1B8B  }
0xa2: {  	_ =	swait.ge [sflag:s23], $0x1  }
0xa3: {  	[sflag:s23] =	ssyncset.done $0x0  }
0xa4: {  	s25 =	simm.s32 $0x1B8E;
	s24 =	sld [smem:$0x3FFE];
	[sflag:s23] =	ssyncadd.s32 $0xFFFFFFFF  }
0xa5: {  	s26 =	simm.s32 $execute0_lowered;
	[smem:$0x3FD2] =	sst s25  }
0xa6: {  	s5 =	sshll.u32 s26, $0x1;
	_ =	strace $0x80000046;
	[dreg:$0x1] =	wrdreg $0xFFFFFFFF  }
0xa7: {  	s28 =	simm.s32 $_size_execute0_lowered;
	s3 =	sadd.s32 s3, s5;
	[dreg:$0x0] =	wrdreg $0x0  }
0xa8: {  	s5 =	sshll.u32 s28, $0x1;
	[dreg:$0x2] =	wrdreg s3  }
0xa9: {  	[dreg:$0x3] =	wrdreg s5  }
0xaa: {  	[dreg:$0x4] =	wrdreg $0xC0  }
0xab: {  	_ =	task [dreg:s7], $0x5FFFF  }
0xac: {  	[dreg:$0x1] =	wrdreg $0xFFFFFFFF  }
0xad: {  	[dreg:$0x0] =	wrdreg $0x60  }
0xae: {  	[dreg:$0x2] =	wrdreg s2  }
0xaf: {  	[dreg:$0x3] =	wrdreg s24  }
0xb0: {  	[dreg:$0x4] =	wrdreg $0xBC000  }
0xb1: {  	[dreg:$0x5] =	wrdreg $0x9  }
0xb2: {  	_ =	task.clear_ibuf [dreg:s7], $0x6FFFF;
	_ =	strace $0x90000046  }
0xb3: {  	s29 =	simm.s32 $0x9;
	_ =	strace $0x80000048  }
0xb4: {  	_ =	swait.ge [sflag:s29], $0x1  }
0xb5: {  	[sflag:s29] =	ssyncadd.s32 $0xFFFFFFFF  }
0xb6: {  	_ =	strace $0x90000048  }
0xb7: {  	_ =	sfence  }
0xb8: {  	s30 =	sld [smem:$0x0];
	_ =	sdelay $0x2  }
0xb9: {  	s31 =	sshll.u32 s1, $0xD;
	s1 =	sshrl.u32 s1, $0x2  }
0xba: {  	s3 =	sand.u32 $0x4000, s31;
	s1 =	sadd.s32 s1, s30  }
0xbb: {  	s0 =	sor.u32 s3, s0;
	s1 =	sshll.u32 s1, $0x11  }
0xbc: {  	s0 =	sor.u32 s1, s0  }
0xbd: {  	s0 =	sadd.s32 $0x8F2B, s0  }
0xbe: {  	[sflag:s0] =	ssyncadd.remote.s32 $0x1  }
0xbf: {  	_ =	sfence.sel $0xFFFF  }
0xc0: {  	[dreg:$0x0] =	wrdreg $0xFFFFFFFF;
	(pc) =	sbr.abs _section_cstart, $3  }
0xc1: {  	[dreg:$0x1] =	wrdreg $0xFFFFFFFF  }
0xc2: {  	_ =	task.clear_ibuf [dreg:s7], $0x2FFFF;
	_ =	strace $0x9FFFFFFF  }
0xc3: {  	(tm) =	ssettm $0x7FFFFFFF  }
tec
execute0_lowered:
.L_overlay_start_1:
0x0: {  	(tag) =	ssettag $0x1  }
0x1: {  	s0 =	srdreg.scid;
	s1 =	rddreg [dreg:$0x0]  }
0x2: {  	s4 =	stileid.u32;
	s5 =	rddreg [dreg:$0x1]  }
0x3: {  	s3 =	rddreg [dreg:$0x2];
	s12 =	simm.s32 $0x0;
	s28 =	simm.s32 $0x6800  }
0x4: {  	s29 =	simm.s32 $0x8000;
	s30 =	simm.s32 $0x1;
	s6 =	smul.u32 $0x280, s4  }
0x5: {  	s0 =	sand.u32 $0x1, s0;
	[smem:$0x7FF] =	sst s12;
	s9 =	smul.u32 $0x7800, s4  }
0x6: {  	s10 =	smul.u32 $0xF000, s4;
	s2 =	sshll.u32 s0, $0x4;
	s7 =	ssub.s32 $0x2, s0  }
0x7: {  	s0 =	smul.u32 $0x78000, s0;
	_ =	strace $0x80000047;
	s2 =	sor.u32 s4, s2  }
0x8: {  	s8 =	sshrl.u32 s7, $0x1;
	s6 =	sadd.s32 $0x80, s6;
	s26 =	sshrl.u32 s10, $0x2  }
0x9: {  	s4 =	sadd.s32 $0x6000, s10;
	s13 =	sadd.s32 $0xC000, s10;
	s18 =	sshrl.u32 s9, $0x1  }
0xa: {  	s19 =	sadd.s32 $0x3000, s9;
	s21 =	sadd.s32 $0x4800, s9;
	s2 =	smul.u32 $0x500, s2  }
0xb: {  	s7 =	ssub.s32 s7, s8;
	s22 =	sadd.s32 s0, s9;
	s11 =	smul.u32 $0x60, s6  }
0xc: {  	s6 =	smul.u32 $0x30, s6;
	s15 =	sshrl.u32 s13, $0x2;
	s20 =	sadd.s32 s0, s19  }
0xd: {  	s9 =	sadd.s32 $0x6000, s9;
	s8 =	sshrl.u32 s22, $0x4;
	s25 =	smax.u32 s7, $0x1  }
0xe: {  	s16 =	sadd.s32 s15, s3;
	s22 =	sadd.s32 s0, s21;
	s2 =	sadd.s32 s2, s5  }
0xf: {  	s5 =	sadd.s32 $0x15800, s5;
	[dreg:$0x8] =	wrdreg s25;
	s31 =	sshrl.u32 s11, $0x2  }
0x10: {  	s11 =	sadd.s32 $0x9000, s10;
	[dreg:$0xd] =	wrdreg s16;
	s17 =	sadd.s32 s0, s6  }
0x11: {  	s6 =	sshrl.u32 s6, $0x1;
	s0 =	sadd.s32 s0, s9;
	s9 =	sshrl.u32 s9, $0x1  }
0x12: {  	s23 =	sadd.s32 $0x1800, s2;
	s2 =	sadd.s32 $0xB800, s2;
	s24 =	sadd.s32 s5, s8  }
0x13: {  	s7 =	sadd.s32 s31, s3;
	s8 =	sshrl.u32 s4, $0x2;
	[dreg:$0x5] =	wrdreg s23  }
0x14: {  	s14 =	sshrl.u32 s11, $0x2;
	s6 =	sadd.s32 s6, s3;
	[dreg:$0x6] =	wrdreg s2  }
0x15: {  	s0 =	sshrl.u32 s0, $0x4;
	[dreg:$0x7] =	wrdreg s24;
	s2 =	sadd.s32 s26, s3  }
0x16: {  	[dreg:$0xa] =	wrdreg s7;
	s7 =	sadd.s32 s18, s3;
	s23 =	sshrl.u32 s21, $0x1  }
0x17: {  	s0 =	sadd.s32 s5, s0;
	s24 =	sadd.s32 s9, s3;
	[dreg:$0x9] =	wrdreg s2  }
0x18: {  	s26 =	sshrl.u32 s6, $0x3;
	s6 =	simm.s32 $0x6;
	[dreg:$0x11] =	wrdreg s0  }
0x19: {  	s2 =	sadd.s32 s8, s3;
	s8 =	sshrl.u32 s19, $0x1;
	[dreg:$0x13] =	wrdreg s26  }
0x1a: {  	s19 =	simm.s32 $0x9;
	[dreg:$0xb] =	wrdreg s2;
	s2 =	sadd.s32 s14, s3  }
0x1b: {  	s25 =	sshrl.u32 s7, $0x3;
	[dreg:$0xc] =	wrdreg s2;
	s2 =	sshrl.u32 s17, $0x4  }
0x1c: {  	s0 =	sshrl.u32 s24, $0x3;
	[dreg:$0x12] =	wrdreg s25;
	s2 =	sadd.s32 s5, s2  }
0x1d: {  	s26 =	simm.s32 $0x80;
	[dreg:$0xe] =	wrdreg s2;
	s2 =	sshrl.u32 s20, $0x4  }
0x1e: {  	s7 =	simm.s32 $0x8;
	[dreg:$0x16] =	wrdreg s0;
	s2 =	sadd.s32 s5, s2  }
0x1f: {  	s8 =	sadd.s32 s8, s3;
	[dreg:$0xf] =	wrdreg s2;
	s2 =	sshrl.u32 s22, $0x4  }
0x20: {  	s14 =	simm.s32 $0x5000;
	s0 =	simm.s32 $0x9800;
	s2 =	sadd.s32 s5, s2  }
0x21: {  	s31 =	sshrl.u32 s8, $0x3;
	[dreg:$0x10] =	wrdreg s2;
	s2 =	sadd.s32 s23, s3  }
0x22: {  	[dreg:$0x14] =	wrdreg s31;
	s20 =	simm.s32 $0x2;
	s2 =	sshrl.u32 s2, $0x3  }
0x23: {  	v0 =	vimm.bf16 $0.0e+00;
	s5 =	simm.s32 $0x4;
	[dreg:$0x15] =	wrdreg s2;
	s2 =	simm.s32 $0xA400  }
.LBB2_1:
0x24: {  	s8 =	simm.s32 $0x0  }
0x25: {  	[tilespmem:s8+$0xB028] =	vst.msk $0xff, v0  }
0x26: {  	[tilespmem:s8+$0xB000] =	vst.msk $0xff, v0  }
0x27: {  	[tilespmem:s8+$0xB018] =	vst.msk $0xff, v0  }
0x28: {  	[tilespmem:s8+$0xB008] =	vst.msk $0xff, v0  }
0x29: {  	s9 =	simm.s32 $0xC0;
	[tilespmem:s8+$0xB020] =	vst.msk $0xff, v0  }
.LBB2_2:
0x2a: {  	p0 =	seq.s32 s9, $0x2F40;
	[tilespmem:s8+$0xB010] =	vst.msk $0xff, v0;
	s8 =	sshra.s32 s9, $0x2;
	s9 =	sadd.s32 $0xC0, s9  }
.Ltmp0:
0x2b: {  	[tilespmem:s8+$0xB028] =	vst.msk $0xff, v0;
	(pc) =	sbr.rel @!p0 .LBB2_2-.Ltmp0, $4  }
0x2c: {  	[tilespmem:s8+$0xB000] =	vst.msk $0xff, v0  }
0x2d: {  	[tilespmem:s8+$0xB018] =	vst.msk $0xff, v0  }
0x2e: {  	[tilespmem:s8+$0xB008] =	vst.msk $0xff, v0  }
0x2f: {  	[tilespmem:s8+$0xB020] =	vst.msk $0xff, v0  }
0x30: {  	[dreg:$0x4] =	wrdreg s12  }
0x31: {  	[tilespmem:s8+$0xB010] =	vst.msk $0xff, v0;
	s4 =	rddreg [dreg:$0x9];
	s21 =	simm.s32 $0xB000  }
0x32: {  	[spmem:s4] =	stream.linear.scatter [tilespmem:s21], [sflag:$0x9], $0xC00, $0x38;
	[tilespmem:$0xF800] =	vst v63  }
0x33: {  	_ =	swait.ge [sflag:s19], $0xC00  }
0x34: {  	[sflag:s19] =	ssyncset.done $0x0  }
0x35: {  	s22 =	rddreg [dreg:$0xa];
	[sflag:s19] =	ssyncadd.s32 $0xFFFFF400  }
0x36: {  	[spmem:s22] =	stream.linear.scatter [tilespmem:s21], [sflag:$0x9], $0xC00, $0x38;
	[tilespmem:$0xF800] =	vst v63  }
0x37: {  	_ =	swait.ge [sflag:s19], $0xC00  }
0x38: {  	[sflag:s19] =	ssyncset.done $0x0  }
0x39: {  	s23 =	rddreg [dreg:$0xb];
	[sflag:s19] =	ssyncadd.s32 $0xFFFFF400  }
0x3a: {  	[spmem:s23] =	stream.linear.scatter [tilespmem:s21], [sflag:$0x9], $0xC00, $0x38;
	[tilespmem:$0xF800] =	vst v63  }
0x3b: {  	_ =	swait.ge [sflag:s19], $0xC00  }
0x3c: {  	[sflag:s19] =	ssyncset.done $0x0  }
0x3d: {  	s24 =	rddreg [dreg:$0xc];
	[sflag:s19] =	ssyncadd.s32 $0xFFFFF400  }
0x3e: {  	[spmem:s24] =	stream.linear.scatter [tilespmem:s21], [sflag:$0x9], $0xC00, $0x38;
	[tilespmem:$0xF800] =	vst v63  }
0x3f: {  	_ =	swait.ge [sflag:s19], $0xC00  }
0x40: {  	[sflag:s19] =	ssyncset.done $0x0  }
0x41: {  	s25 =	rddreg [dreg:$0xd];
	[sflag:s19] =	ssyncadd.s32 $0xFFFFF400  }
0x42: {  	[spmem:s25] =	stream.linear.scatter [tilespmem:s21], [sflag:$0x9], $0xC00, $0x38;
	[tilespmem:$0xF800] =	vst v63  }
0x43: {  	_ =	swait.ge [sflag:s19], $0xC00  }
0x44: {  	[sflag:s19] =	ssyncset.done $0x0  }
0x45: {  	s31 =	simm.s32 $0x0;
	s9 =	rddreg [dreg:$0x5];
	[sflag:s19] =	ssyncadd.s32 $0xFFFFF400  }
0x46: {  	[tilespmem:s31], [sflag:$0x9] =	stream.linear.gather [hbm4b:s9+s31], $0x2800, $0x38;
	[tilespmem:$0xF800] =	vst v63  }
0x47: {  	_ =	swait.ge [sflag:s19], $0x2800  }
0x48: {  	[sflag:s19] =	ssyncset.done $0x0  }
0x49: {  	s9 =	simm.s32 $0x2800;
	s10 =	rddreg [dreg:$0x6];
	[sflag:s19] =	ssyncadd.s32 $0xFFFFD800  }
0x4a: {  	[tilespmem:s9], [sflag:$0x9] =	stream.linear.gather [hbm4b:s10+s31], $0x2800, $0x38;
	[tilespmem:$0xF800] =	vst v63  }
0x4b: {  	_ =	swait.ge [sflag:s19], $0x2800  }
0x4c: {  	[sflag:s19] =	ssyncset.done $0x0  }
0x4d: {  	[sflag:s19] =	ssyncadd.s32 $0xFFFFD800  }
0x4e: {  	[bflag:$0x0] =	sbarrier.arrive $0xFFFF  }
0x4f: {  	[tilespmem:s14], [sflag:$0x1] =	stream.indirect.gather [hbm4b:s1+s26], $0x18, s31, s26, $0xb8;
	[tilespmem:$0xF800] =	vst v63  }
0x50: {  	s11 =	simm.s32 $0x5C00  }
0x51: {  	[tilespmem:s11], [sflag:$0x2] =	stream.indirect.gather [hbm4b:s1+s26], $0x18, s26, s26, $0xb8;
	[tilespmem:$0xF800] =	vst v63  }
0x52: {  	s12 =	simm.s32 $0x100  }
0x53: {  	[tilespmem:s28], [sflag:$0x3] =	stream.indirect.gather [hbm4b:s1+s26], $0x18, s12, s26, $0xb8;
	[tilespmem:$0xF800] =	vst v63  }
0x54: {  	s13 =	simm.s32 $0x180;
	s15 =	simm.s32 $0x7400  }
0x55: {  	[tilespmem:s15], [sflag:$0x4] =	stream.indirect.gather [hbm4b:s1+s26], $0x18, s13, s26, $0xb8;
	[tilespmem:$0xF800] =	vst v63  }
0x56: {  	s16 =	simm.s32 $0x200  }
0x57: {  	[tilespmem:s29], [sflag:$0x5] =	stream.indirect.gather [hbm4b:s1+s26], $0x18, s16, s26, $0xb8;
	[tilespmem:$0xF800] =	vst v63  }
0x58: {  	s17 =	simm.s32 $0x280;
	s18 =	simm.s32 $0x8C00  }
0x59: {  	[tilespmem:s18], [sflag:$0x6] =	stream.indirect.gather [hbm4b:s1+s26], $0x18, s17, s26, $0xb8;
	[tilespmem:$0xF800] =	vst v63  }
0x5a: {  	s21 =	simm.s32 $0x300  }
0x5b: {  	[tilespmem:s0], [sflag:$0x7] =	stream.indirect.gather [hbm4b:s1+s26], $0x18, s21, s26, $0xb8;
	[tilespmem:$0xF800] =	vst v63  }
0x5c: {  	_ =	swait.ge [sflag:s30], $0xC00  }
0x5d: {  	[sflag:s30] =	ssyncset.done $0x0  }
0x5e: {  	s22 =	simm.s32 $0x380;
	[sflag:s30] =	ssyncadd.s32 $0xFFFFF400  }
0x5f: {  	[tilespmem:s2], [sflag:$0x8] =	stream.indirect.gather [hbm4b:s1+s26], $0x18, s22, s26, $0xb8;
	[tilespmem:$0xF800] =	vst v63  }
0x60: {  	s23 =	simm.s32 $0x2800  }
0x61: {  	[spmem:s3] =	stream.indirect.scatter.add.bf16 [tilespmem:s14], [sflag:$0x9], $0x18, s23, s26, $0xb8;
	[tilespmem:$0xF800] =	vst v63  }
0x62: {  	_ =	swait.ge [sflag:s19], $0xC00  }
0x63: {  	[sflag:s19] =	ssyncset.done $0x0  }
0x64: {  	[sflag:s19] =	ssyncadd.s32 $0xFFFFF400  }
0x65: {  	p0 =	por $0x0, $0x0;
	_ =	swait.ge [sflag:s20], $0xC00  }
0x66: {  	s8 =	simm.s32 @p0 $0x2880;
	[sflag:s20] =	ssyncset.done $0x0  }
0x67: {  	s9 =	simm.s32 @p0 $0x80;
	s10 =	simm.s32 @p0 $0x5C00;
	[sflag:s20] =	ssyncadd.s32 $0xFFFFF400  }
0x68: {  	[spmem:s3] =	stream.indirect.scatter.add.bf16 @p0 [tilespmem:s10], [sflag:$0x9], $0x18, s8, s9, $0xb8;
	[tilespmem:$0xF800] =	vst v63  }
0x69: {  	s10 =	simm.s32 @p0 $0x9  }
0x6a: {  	_ =	swait.ge @p0 [sflag:s10], $0xC00  }
0x6b: {  	[sflag:s10] =	ssyncset.done @p0 $0x0  }
0x6c: {  	s11 =	simm.s32 @p0 $0x3;
	[sflag:s10] =	ssyncadd.s32 @p0 $0xFFFFF400  }
0x6d: {  	_ =	swait.ge @p0 [sflag:s11], $0xC00  }
0x6e: {  	s12 =	simm.s32 @!p0 $0x400;
	[sflag:s11] =	ssyncset.done @p0 $0x0  }
0x6f: {  	s13 =	simm.s32 @!p0 $0x5000;
	s8 =	simm.s32 @!p0 $0x80;
	[sflag:s11] =	ssyncadd.s32 @p0 $0xFFFFF400  }
0x70: {  	[tilespmem:s13], [sflag:$0x1] =	stream.indirect.gather @!p0 [hbm4b:s1+s8], $0x18, s12, s8, $0xb8;
	[tilespmem:$0xF800] =	vst v63  }
0x71: {  	s11 =	simm.s32 @!p0 $0x9;
	s12 =	simm.s32 @!p0 $0x2880;
	s13 =	simm.s32 @!p0 $0x5C00  }
0x72: {  	[spmem:s3] =	stream.indirect.scatter.add.bf16 @!p0 [tilespmem:s13], [sflag:$0x9], $0x18, s12, s8, $0xb8;
	[tilespmem:$0xF800] =	vst v63  }
0x73: {  	_ =	swait.ge @!p0 [sflag:s11], $0xC00  }
0x74: {  	[sflag:s11] =	ssyncset.done @!p0 $0x0  }
0x75: {  	s12 =	simm.s32 @!p0 $0x3;
	[sflag:s11] =	ssyncadd.s32 @!p0 $0xFFFFF400  }
0x76: {  	_ =	swait.ge @!p0 [sflag:s12], $0xC00  }
0x77: {  	[sflag:s12] =	ssyncset.done @!p0 $0x0  }
0x78: {  	[sflag:s12] =	ssyncadd.s32 @!p0 $0xFFFFF400;
	s12 =	simm.s32 @!p0 $0x480  }
0x79: {  	[tilespmem:s13], [sflag:$0x2] =	stream.indirect.gather @!p0 [hbm4b:s1+s8], $0x18, s12, s8, $0xb8;
	[tilespmem:$0xF800] =	vst v63  }
0x7a: {  	s24 =	simm.s32 $0x2900  }
0x7b: {  	[spmem:s3] =	stream.indirect.scatter.add.bf16 [tilespmem:s28], [sflag:$0x9], $0x18, s24, s26, $0xb8;
	[tilespmem:$0xF800] =	vst v63  }
0x7c: {  	_ =	swait.ge [sflag:s19], $0xC00  }
0x7d: {  	[sflag:s19] =	ssyncset.done $0x0  }
0x7e: {  	[sflag:s19] =	ssyncadd.s32 $0xFFFFF400  }
0x7f: {  	_ =	swait.ge [sflag:s5], $0xC00  }
0x80: {  	[sflag:s5] =	ssyncset.done $0x0  }
0x81: {  	s12 =	simm.s32 @p0 $0x2980;
	s13 =	simm.s32 @p0 $0x7400;
	[sflag:s5] =	ssyncadd.s32 $0xFFFFF400  }
0x82: {  	[spmem:s3] =	stream.indirect.scatter.add.bf16 @p0 [tilespmem:s13], [sflag:$0x9], $0x18, s12, s9, $0xb8;
	[tilespmem:$0xF800] =	vst v63  }
0x83: {  	_ =	swait.ge @p0 [sflag:s10], $0xC00  }
0x84: {  	[sflag:s10] =	ssyncset.done @p0 $0x0  }
0x85: {  	s12 =	simm.s32 @p0 $0x5;
	[sflag:s10] =	ssyncadd.s32 @p0 $0xFFFFF400  }
0x86: {  	_ =	swait.ge @p0 [sflag:s12], $0xC00  }
0x87: {  	[sflag:s12] =	ssyncset.done @p0 $0x0  }
0x88: {  	s13 =	simm.s32 @!p0 $0x500;
	[sflag:s12] =	ssyncadd.s32 @p0 $0xFFFFF400;
	s12 =	simm.s32 @!p0 $0x6800  }
0x89: {  	[tilespmem:s12], [sflag:$0x3] =	stream.indirect.gather @!p0 [hbm4b:s1+s8], $0x18, s13, s8, $0xb8;
	[tilespmem:$0xF800] =	vst v63  }
0x8a: {  	s12 =	simm.s32 @!p0 $0x2980;
	s13 =	simm.s32 @!p0 $0x7400  }
0x8b: {  	[spmem:s3] =	stream.indirect.scatter.add.bf16 @!p0 [tilespmem:s13], [sflag:$0x9], $0x18, s12, s8, $0xb8;
	[tilespmem:$0xF800] =	vst v63  }
0x8c: {  	_ =	swait.ge @!p0 [sflag:s11], $0xC00  }
0x8d: {  	[sflag:s11] =	ssyncset.done @!p0 $0x0  }
0x8e: {  	s12 =	simm.s32 @!p0 $0x5;
	[sflag:s11] =	ssyncadd.s32 @!p0 $0xFFFFF400  }
0x8f: {  	_ =	swait.ge @!p0 [sflag:s12], $0xC00  }
0x90: {  	[sflag:s12] =	ssyncset.done @!p0 $0x0  }
0x91: {  	[sflag:s12] =	ssyncadd.s32 @!p0 $0xFFFFF400;
	s12 =	simm.s32 @!p0 $0x580  }
0x92: {  	[tilespmem:s13], [sflag:$0x4] =	stream.indirect.gather @!p0 [hbm4b:s1+s8], $0x18, s12, s8, $0xb8;
	[tilespmem:$0xF800] =	vst v63  }
0x93: {  	s25 =	simm.s32 $0x2A00  }
0x94: {  	[spmem:s3] =	stream.indirect.scatter.add.bf16 [tilespmem:s29], [sflag:$0x9], $0x18, s25, s26, $0xb8;
	[tilespmem:$0xF800] =	vst v63  }
0x95: {  	_ =	swait.ge [sflag:s19], $0xC00  }
0x96: {  	[sflag:s19] =	ssyncset.done $0x0  }
0x97: {  	[sflag:s19] =	ssyncadd.s32 $0xFFFFF400  }
0x98: {  	_ =	swait.ge [sflag:s6], $0xC00  }
0x99: {  	[sflag:s6] =	ssyncset.done $0x0  }
0x9a: {  	s12 =	simm.s32 @p0 $0x2A80;
	s13 =	simm.s32 @p0 $0x8C00;
	[sflag:s6] =	ssyncadd.s32 $0xFFFFF400  }
0x9b: {  	[spmem:s3] =	stream.indirect.scatter.add.bf16 @p0 [tilespmem:s13], [sflag:$0x9], $0x18, s12, s9, $0xb8;
	[tilespmem:$0xF800] =	vst v63  }
0x9c: {  	_ =	swait.ge @p0 [sflag:s10], $0xC00  }
0x9d: {  	[sflag:s10] =	ssyncset.done @p0 $0x0  }
0x9e: {  	s9 =	simm.s32 @p0 $0x7;
	[sflag:s10] =	ssyncadd.s32 @p0 $0xFFFFF400  }
0x9f: {  	_ =	swait.ge @p0 [sflag:s9], $0xC00  }
0xa0: {  	[sflag:s9] =	ssyncset.done @p0 $0x0  }
0xa1: {  	s10 =	simm.s32 @!p0 $0x600;
	[sflag:s9] =	ssyncadd.s32 @p0 $0xFFFFF400;
	s9 =	simm.s32 @!p0 $0x8000  }
0xa2: {  	[tilespmem:s9], [sflag:$0x5] =	stream.indirect.gather @!p0 [hbm4b:s1+s8], $0x18, s10, s8, $0xb8;
	[tilespmem:$0xF800] =	vst v63  }
0xa3: {  	s9 =	simm.s32 @!p0 $0x2A80;
	s10 =	simm.s32 @!p0 $0x8C00  }
0xa4: {  	[spmem:s3] =	stream.indirect.scatter.add.bf16 @!p0 [tilespmem:s10], [sflag:$0x9], $0x18, s9, s8, $0xb8;
	[tilespmem:$0xF800] =	vst v63  }
0xa5: {  	_ =	swait.ge @!p0 [sflag:s11], $0xC00  }
0xa6: {  	[sflag:s11] =	ssyncset.done @!p0 $0x0  }
0xa7: {  	s9 =	simm.s32 @!p0 $0x7;
	[sflag:s11] =	ssyncadd.s32 @!p0 $0xFFFFF400  }
0xa8: {  	_ =	swait.ge @!p0 [sflag:s9], $0xC00  }
0xa9: {  	[sflag:s9] =	ssyncset.done @!p0 $0x0  }
0xaa: {  	[sflag:s9] =	ssyncadd.s32 @!p0 $0xFFFFF400;
	s9 =	simm.s32 @!p0 $0x680  }
0xab: {  	[tilespmem:s10], [sflag:$0x6] =	stream.indirect.gather @!p0 [hbm4b:s1+s8], $0x18, s9, s8, $0xb8;
	[tilespmem:$0xF800] =	vst v63  }
0xac: {  	s28 =	simm.s32 $0x2B00  }
0xad: {  	[spmem:s3] =	stream.indirect.scatter.add.bf16 [tilespmem:s0], [sflag:$0x9], $0x18, s28, s26, $0xb8;
	[tilespmem:$0xF800] =	vst v63  }
0xae: {  	_ =	swait.ge [sflag:s19], $0xC00  }
0xaf: {  	[sflag:s19] =	ssyncset.done $0x0  }
0xb0: {  	[sflag:s19] =	ssyncadd.s32 $0xFFFFF400  }
0xb1: {  	_ =	swait.ge [sflag:s7], $0xC00  }
0xb2: {  	[sflag:s7] =	ssyncset.done $0x0  }
0xb3: {  	s9 =	simm.s32 @!p0 $0x700;
	s10 =	simm.s32 @!p0 $0x9800;
	[sflag:s7] =	ssyncadd.s32 $0xFFFFF400  }
0xb4: {  	[tilespmem:s10], [sflag:$0x7] =	stream.indirect.gather @!p0 [hbm4b:s1+s8], $0x18, s9, s8, $0xb8;
	[tilespmem:$0xF800] =	vst v63  }
0xb5: {  	s31 =	simm.s32 $0x2B80  }
0xb6: {  	[spmem:s3] =	stream.indirect.scatter.add.bf16 [tilespmem:s2], [sflag:$0x9], $0x18, s31, s26, $0xb8;
	[tilespmem:$0xF800] =	vst v63  }
0xb7: {  	s8 =	simm.s32 $0x1000;
	_ =	swait.ge [sflag:s19], $0xC00  }
.LBB2_4:
0xb8: {  	[sflag:s19] =	ssyncset.done $0x0;
	s10 =	smov.u32 s8;
	s8 =	sadd.s32 $0x1000, s8  }
0xb9: {  	p0 =	sne.s32 s8, $0xA000;
	[sflag:s19] =	ssyncadd.s32 $0xFFFFF400  }
0xba: {  	_ =	swait.ge [sflag:s30], $0xC00  }
0xbb: {  	s9 =	sshra.s32 s10, $0x2;
	[sflag:s30] =	ssyncset.done $0x0  }
0xbc: {  	s11 =	sadd.s32 $0x380, s9;
	[sflag:s30] =	ssyncadd.s32 $0xFFFFF400  }
0xbd: {  	[tilespmem:s2], [sflag:$0x8] =	stream.indirect.gather [hbm4b:s1+s26], $0x18, s11, s26, $0xb8;
	[tilespmem:$0xF800] =	vst v63  }
0xbe: {  	s11 =	sadd.s32 $0x2800, s9  }
0xbf: {  	[spmem:s3] =	stream.indirect.scatter.add.bf16 [tilespmem:s14], [sflag:$0x9], $0x18, s11, s26, $0xb8;
	[tilespmem:$0xF800] =	vst v63  }
0xc0: {  	_ =	swait.ge [sflag:s19], $0xC00  }
0xc1: {  	[sflag:s19] =	ssyncset.done $0x0  }
0xc2: {  	[sflag:s19] =	ssyncadd.s32 $0xFFFFF400  }
0xc3: {  	p1 =	seq.s32 s10, $0x9000;
	_ =	swait.ge [sflag:s20], $0xC00  }
0xc4: {  	s12 =	simm.s32 @p1 $0x80;
	s11 =	sshra.s32 @p1 s10, $0x2;
	[sflag:s20] =	ssyncset.done $0x0  }
0xc5: {  	s14 =	simm.s32 @p1 $0x5C00;
	s13 =	sadd.s32 @p1 $0x2880, s11;
	[sflag:s20] =	ssyncadd.s32 $0xFFFFF400  }
0xc6: {  	[spmem:s3] =	stream.indirect.scatter.add.bf16 @p1 [tilespmem:s14], [sflag:$0x9], $0x18, s13, s12, $0xb8;
	[tilespmem:$0xF800] =	vst v63  }
0xc7: {  	s18 =	sshra.s32 @!p1 s10, $0x2;
	s25 =	sadd.s32 @p1 $0x2980, s11;
	s13 =	simm.s32 @p1 $0x9  }
0xc8: {  	s4 =	sadd.s32 @!p1 $0x2880, s18;
	s14 =	sadd.s32 @!p1 $0x400, s18;
	_ =	swait.ge @p1 [sflag:s13], $0xC00  }
0xc9: {  	s15 =	simm.s32 @p1 $0x3;
	s28 =	sadd.s32 @!p1 $0x480, s18;
	[sflag:s13] =	ssyncset.done @p1 $0x0  }
0xca: {  	s24 =	sadd.s32 @!p1 $0x500, s18;
	s23 =	sadd.s32 @!p1 $0x2980, s18;
	[sflag:s13] =	ssyncadd.s32 @p1 $0xFFFFF400  }
0xcb: {  	s22 =	sadd.s32 @!p1 $0x580, s18;
	s21 =	sadd.s32 @p1 $0x2A80, s11;
	_ =	swait.ge @p1 [sflag:s15], $0xC00  }
0xcc: {  	s10 =	simm.s32 @!p1 $0x80;
	s11 =	simm.s32 @!p1 $0x5000;
	[sflag:s15] =	ssyncset.done @p1 $0x0  }
0xcd: {  	s31 =	simm.s32 @!p1 $0x5C00;
	s16 =	sadd.s32 @!p1 $0x600, s18;
	[sflag:s15] =	ssyncadd.s32 @p1 $0xFFFFF400  }
0xce: {  	[tilespmem:s11], [sflag:$0x1] =	stream.indirect.gather @!p1 [hbm4b:s1+s10], $0x18, s14, s10, $0xb8;
	[tilespmem:$0xF800] =	vst v63  }
0xcf: {  	s17 =	sadd.s32 @!p1 $0x2A80, s18;
	s15 =	simm.s32 @!p1 $0x9;
	s14 =	sadd.s32 @!p1 $0x680, s18  }
0xd0: {  	[spmem:s3] =	stream.indirect.scatter.add.bf16 @!p1 [tilespmem:s31], [sflag:$0x9], $0x18, s4, s10, $0xb8;
	[tilespmem:$0xF800] =	vst v63  }
0xd1: {  	s11 =	sadd.s32 @!p1 $0x700, s18;
	_ =	swait.ge @!p1 [sflag:s15], $0xC00  }
0xd2: {  	s4 =	simm.s32 @!p1 $0x3;
	[sflag:s15] =	ssyncset.done @!p1 $0x0  }
0xd3: {  	[sflag:s15] =	ssyncadd.s32 @!p1 $0xFFFFF400  }
0xd4: {  	_ =	swait.ge @!p1 [sflag:s4], $0xC00  }
0xd5: {  	[sflag:s4] =	ssyncset.done @!p1 $0x0  }
0xd6: {  	[sflag:s4] =	ssyncadd.s32 @!p1 $0xFFFFF400;
	s4 =	sadd.s32 $0x2900, s9  }
0xd7: {  	[tilespmem:s31], [sflag:$0x2] =	stream.indirect.gather @!p1 [hbm4b:s1+s10], $0x18, s28, s10, $0xb8;
	[tilespmem:$0xF800] =	vst v63  }
0xd8: {  	s28 =	simm.s32 $0x6800;
	_ =	sdelay $0x1  }
0xd9: {  	[spmem:s3] =	stream.indirect.scatter.add.bf16 [tilespmem:s28], [sflag:$0x9], $0x18, s4, s26, $0xb8;
	[tilespmem:$0xF800] =	vst v63  }
0xda: {  	_ =	swait.ge [sflag:s19], $0xC00  }
0xdb: {  	[sflag:s19] =	ssyncset.done $0x0  }
0xdc: {  	[sflag:s19] =	ssyncadd.s32 $0xFFFFF400  }
0xdd: {  	_ =	swait.ge [sflag:s5], $0xC00  }
0xde: {  	s4 =	simm.s32 @p1 $0x7400;
	[sflag:s5] =	ssyncset.done $0x0  }
0xdf: {  	[sflag:s5] =	ssyncadd.s32 $0xFFFFF400  }
0xe0: {  	[spmem:s3] =	stream.indirect.scatter.add.bf16 @p1 [tilespmem:s4], [sflag:$0x9], $0x18, s25, s12, $0xb8;
	[tilespmem:$0xF800] =	vst v63  }
0xe1: {  	_ =	swait.ge @p1 [sflag:s13], $0xC00  }
0xe2: {  	s4 =	simm.s32 @p1 $0x5;
	[sflag:s13] =	ssyncset.done @p1 $0x0  }
0xe3: {  	[sflag:s13] =	ssyncadd.s32 @p1 $0xFFFFF400  }
0xe4: {  	_ =	swait.ge @p1 [sflag:s4], $0xC00  }
0xe5: {  	s18 =	simm.s32 @!p1 $0x6800;
	[sflag:s4] =	ssyncset.done @p1 $0x0  }
0xe6: {  	[sflag:s4] =	ssyncadd.s32 @p1 $0xFFFFF400;
	s4 =	simm.s32 @!p1 $0x7400  }
0xe7: {  	[tilespmem:s18], [sflag:$0x3] =	stream.indirect.gather @!p1 [hbm4b:s1+s10], $0x18, s24, s10, $0xb8;
	[tilespmem:$0xF800] =	vst v63  }
0xe8: {  	_ = 	snop  }
0xe9: {  	[spmem:s3] =	stream.indirect.scatter.add.bf16 @!p1 [tilespmem:s4], [sflag:$0x9], $0x18, s23, s10, $0xb8;
	[tilespmem:$0xF800] =	vst v63  }
0xea: {  	_ =	swait.ge @!p1 [sflag:s15], $0xC00  }
0xeb: {  	s18 =	simm.s32 @!p1 $0x5;
	[sflag:s15] =	ssyncset.done @!p1 $0x0  }
0xec: {  	[sflag:s15] =	ssyncadd.s32 @!p1 $0xFFFFF400  }
0xed: {  	_ =	swait.ge @!p1 [sflag:s18], $0xC00  }
0xee: {  	[sflag:s18] =	ssyncset.done @!p1 $0x0  }
0xef: {  	[sflag:s18] =	ssyncadd.s32 @!p1 $0xFFFFF400;
	s18 =	sadd.s32 $0x2A00, s9  }
0xf0: {  	[tilespmem:s4], [sflag:$0x4] =	stream.indirect.gather @!p1 [hbm4b:s1+s10], $0x18, s22, s10, $0xb8;
	[tilespmem:$0xF800] =	vst v63  }
0xf1: {  	_ = 	snop  }
0xf2: {  	[spmem:s3] =	stream.indirect.scatter.add.bf16 [tilespmem:s29], [sflag:$0x9], $0x18, s18, s26, $0xb8;
	[tilespmem:$0xF800] =	vst v63  }
0xf3: {  	_ =	swait.ge [sflag:s19], $0xC00  }
0xf4: {  	[sflag:s19] =	ssyncset.done $0x0  }
0xf5: {  	[sflag:s19] =	ssyncadd.s32 $0xFFFFF400  }
0xf6: {  	_ =	swait.ge [sflag:s6], $0xC00  }
0xf7: {  	s4 =	simm.s32 @p1 $0x8C00;
	[sflag:s6] =	ssyncset.done $0x0  }
0xf8: {  	[sflag:s6] =	ssyncadd.s32 $0xFFFFF400  }
0xf9: {  	[spmem:s3] =	stream.indirect.scatter.add.bf16 @p1 [tilespmem:s4], [sflag:$0x9], $0x18, s21, s12, $0xb8;
	[tilespmem:$0xF800] =	vst v63  }
0xfa: {  	_ =	swait.ge @p1 [sflag:s13], $0xC00  }
0xfb: {  	s4 =	simm.s32 @p1 $0x7;
	[sflag:s13] =	ssyncset.done @p1 $0x0  }
0xfc: {  	[sflag:s13] =	ssyncadd.s32 @p1 $0xFFFFF400  }
0xfd: {  	_ =	swait.ge @p1 [sflag:s4], $0xC00  }
0xfe: {  	s12 =	simm.s32 @!p1 $0x8000;
	[sflag:s4] =	ssyncset.done @p1 $0x0  }
0xff: {  	[sflag:s4] =	ssyncadd.s32 @p1 $0xFFFFF400;
	s4 =	simm.s32 @!p1 $0x8C00  }
0x100: {  	[tilespmem:s12], [sflag:$0x5] =	stream.indirect.gather @!p1 [hbm4b:s1+s10], $0x18, s16, s10, $0xb8;
	[tilespmem:$0xF800] =	vst v63  }
0x101: {  	_ = 	snop  }
0x102: {  	[spmem:s3] =	stream.indirect.scatter.add.bf16 @!p1 [tilespmem:s4], [sflag:$0x9], $0x18, s17, s10, $0xb8;
	[tilespmem:$0xF800] =	vst v63  }
0x103: {  	_ =	swait.ge @!p1 [sflag:s15], $0xC00  }
0x104: {  	s12 =	simm.s32 @!p1 $0x7;
	[sflag:s15] =	ssyncset.done @!p1 $0x0  }
0x105: {  	[sflag:s15] =	ssyncadd.s32 @!p1 $0xFFFFF400  }
0x106: {  	_ =	swait.ge @!p1 [sflag:s12], $0xC00  }
0x107: {  	[sflag:s12] =	ssyncset.done @!p1 $0x0  }
0x108: {  	[sflag:s12] =	ssyncadd.s32 @!p1 $0xFFFFF400;
	s12 =	sadd.s32 $0x2B00, s9  }
0x109: {  	[tilespmem:s4], [sflag:$0x6] =	stream.indirect.gather @!p1 [hbm4b:s1+s10], $0x18, s14, s10, $0xb8;
	[tilespmem:$0xF800] =	vst v63  }
0x10a: {  	s14 =	simm.s32 $0x5000;
	_ =	sdelay $0x1  }
0x10b: {  	[spmem:s3] =	stream.indirect.scatter.add.bf16 [tilespmem:s0], [sflag:$0x9], $0x18, s12, s26, $0xb8;
	[tilespmem:$0xF800] =	vst v63  }
0x10c: {  	_ =	swait.ge [sflag:s19], $0xC00  }
0x10d: {  	[sflag:s19] =	ssyncset.done $0x0  }
0x10e: {  	[sflag:s19] =	ssyncadd.s32 $0xFFFFF400  }
0x10f: {  	_ =	swait.ge [sflag:s7], $0xC00  }
0x110: {  	s4 =	simm.s32 @!p1 $0x9800;
	[sflag:s7] =	ssyncset.done $0x0  }
.Ltmp1:
0x111: {  	s9 =	sadd.s32 $0x2B80, s9;
	[sflag:s7] =	ssyncadd.s32 $0xFFFFF400;
	(pc) =	sbr.rel @p0 .LBB2_4-.Ltmp1, $4  }
0x112: {  	[tilespmem:s4], [sflag:$0x7] =	stream.indirect.gather @!p1 [hbm4b:s1+s10], $0x18, s11, s10, $0xb8;
	[tilespmem:$0xF800] =	vst v63  }
0x113: {  	_ = 	snop  }
0x114: {  	[spmem:s3] =	stream.indirect.scatter.add.bf16 [tilespmem:s2], [sflag:$0x9], $0x18, s9, s26, $0xb8;
	[tilespmem:$0xF800] =	vst v63  }
0x115: {  	_ =	swait.ge [sflag:s19], $0xC00  }
0x116: {  	[sflag:s19] =	ssyncset.done $0x0  }
0x117: {  	[sflag:s19] =	ssyncadd.s32 $0xFFFFF400  }
0x118: {  	s4 =	stileid.u32;
	[bflag:$0x0] =	sbarrier.arrive $0xFFFF  }
0x119: {  	s4 =	sshll.u32 s4, $0x6;
	s8 =	rddreg [dreg:$0x7]  }
0x11a: {  	s4 =	sor.u32 $0x1C09, s4;
	s9 =	rddreg [dreg:$0x12]  }
0x11b: {  	[hbm:s8], [sflag:s4] =	dma.local [spmem:s9], $0x180  }
0x11c: {  	_ =	swait.ge [sflag:s19], $0x180  }
0x11d: {  	[sflag:s19] =	ssyncset.done $0x0;
	s16 =	rddreg [dreg:$0xe]  }
0x11e: {  	s17 =	rddreg [dreg:$0x13];
	[sflag:s19] =	ssyncadd.s32 $0xFFFFFE80  }
0x11f: {  	[hbm:s16], [sflag:s4] =	dma.local [spmem:s17], $0x180  }
0x120: {  	_ =	swait.ge [sflag:s19], $0x180  }
0x121: {  	[sflag:s19] =	ssyncset.done $0x0;
	s18 =	rddreg [dreg:$0xf]  }
0x122: {  	s21 =	rddreg [dreg:$0x14];
	[sflag:s19] =	ssyncadd.s32 $0xFFFFFE80  }
0x123: {  	[hbm:s18], [sflag:s4] =	dma.local [spmem:s21], $0x180  }
0x124: {  	_ =	swait.ge [sflag:s19], $0x180  }
0x125: {  	[sflag:s19] =	ssyncset.done $0x0;
	s22 =	rddreg [dreg:$0x10]  }
0x126: {  	s23 =	rddreg [dreg:$0x15];
	[sflag:s19] =	ssyncadd.s32 $0xFFFFFE80  }
0x127: {  	[hbm:s22], [sflag:s4] =	dma.local [spmem:s23], $0x180  }
0x128: {  	_ =	swait.ge [sflag:s19], $0x180  }
0x129: {  	[sflag:s19] =	ssyncset.done $0x0;
	s24 =	rddreg [dreg:$0x11]  }
0x12a: {  	s25 =	rddreg [dreg:$0x16];
	[sflag:s19] =	ssyncadd.s32 $0xFFFFFE80  }
0x12b: {  	[hbm:s24], [sflag:s4] =	dma.local [spmem:s25], $0x180  }
0x12c: {  	_ =	swait.ge [sflag:s19], $0x180  }
0x12d: {  	s12 =	rddreg [dreg:$0x4]  }
0x12e: {  	s31 =	rddreg [dreg:$0x8];
	s12 =	sadd.s32 $0x1, s12  }
0x12f: {  	p0 =	sne.s32 s12, s31  }
.Ltmp2:
0x130: {  	_ = 	snop;
	(pc) =	sbr.rel @p0 .LBB2_1-.Ltmp2, $3  }
0x131: {  	_ =	sdelay $0x1  }
0x132: {  	[sflag:s19] =	ssyncset.done $0x0  }
0x133: {  	[sflag:s19] =	ssyncadd.s32 $0xFFFFFE80  }
0x134: {  	_ =	sfence.sel $0x180000  }
0x135: {  	[bflag:$0x0] =	sbarrier.arrive $0xFFFF  }
0x136: {  	_ =	strace $0x90000047  }
0x137: {  	s0 =	stileid.u32;
	[bflag:$0x2] =	sbarrier.arrive $0xFFFF  }
0x138: {  	p0 =	sne.s32 s0, $0x0;
	s0 =	rddreg [dreg:$0x3]  }
0x139: {  	s0 =	sadd.s32 @!p0 $0x100000, s0  }
0x13a: {  	[sflag:s0] =	ssyncadd.tile.s32 @!p0 $0x1;
	_ =	shalt  }
.Lfunc_end2:
_tile_overlayer_lowered:
.L_overlay_start_2:
0x13b: {  	(tag) =	ssettag $0x2  }
0x13c: {  	s0 =	rddreg [dreg:$0x0];
	s2 =	stileid.u32  }
0x13d: {  	s1 =	rddreg [dreg:$0x1];
	p0 =	sne.s32 s2, $0x0  }
0x13e: {  	s3 =	rddreg [dreg:$0x2];
	[bflag:$0x3] =	sbarrier.arrive $0xFFFF;
	s2 =	simm.s32 @!p0 $0x1C09  }
0x13f: {  	[timem:s3], [sflag:s2] =	dma.local @!p0 [hbm:s0], s1  }
0x140: {  	s0 =	simm.s32 @!p0 $0x9  }
0x141: {  	_ =	swait.ge @!p0 [sflag:s0], s1  }
0x142: {  	s1 =	ssub.s32 @!p0 $0x0, s1;
	[sflag:s0] =	ssyncset.done @!p0 $0x0  }
0x143: {  	[sflag:s0] =	ssyncadd.s32 @!p0 s1  }
0x144: {  	[bflag:$0x3] =	sbarrier.arrive $0xFFFF  }
0x145: {  	_ =	shalt  }

</sc_bundles>
